<compile_context>
chip_gen: v7x
topology: tpu7x:2x2x1
jax: 0.10.2.dev20260603
libtpu: 0.0.44.dev20260713+nightly
codegen_flags: <defaults>
</compile_context>

<pallas_src>
import functools
import jax
import jax.numpy as jnp
from jax import lax
from jax.experimental import pallas as pl
from jax.experimental.pallas import tpu as pltpu
from jax.experimental.pallas import tpu_sc as plsc

N = 10000
D = 128
E = 320000
NC, NS = 2, 16
NW = NC * NS
N_PAD = 10240
CHUNK = 128
CHUNKS_TOTAL = 2560
E_PAD = CHUNKS_TOTAL * CHUNK
C0 = 140
C1 = 20
SSIZE = 20
IDX_PAD = CHUNKS_TOTAL + SSIZE
STEPS = 80
ROWS_PER_TILE = N_PAD // NS
NBLK = N_PAD // 128

_mesh = plsc.VectorSubcoreMesh(
    core_axis_name="c", subcore_axis_name="s", num_cores=NC, num_subcores=NS)



_deg_scratch = [
    pltpu.VMEM((STEPS, CHUNK), jnp.int32),
    pltpu.VMEM((CHUNK, D), jnp.float32),
    pltpu.VMEM_SHARED((N_PAD, D), jnp.float32),
    pltpu.SemaphoreType.DMA,
]


def _deg_body(idx_hbm, ones_hbm, zeros_hbm, out_hbm, dst_v, ones_v, acc_sh, sem):
    cid = lax.axis_index("c")
    sid = lax.axis_index("s")
    tid = cid * NS + sid
    pltpu.sync_copy(idx_hbm.at[pl.ds(tid * STEPS, STEPS), 1], dst_v)
    pltpu.sync_copy(ones_hbm, ones_v)
    pltpu.sync_copy(zeros_hbm.at[pl.ds(sid * ROWS_PER_TILE, ROWS_PER_TILE)],
                    acc_sh.at[pl.ds(sid * ROWS_PER_TILE, ROWS_PER_TILE)])
    plsc.subcore_barrier()

    def body(j, carry):
        pltpu.async_copy(ones_v, acc_sh.at[dst_v.at[j]], sem, add=True)
        return carry
    lax.fori_loop(0, STEPS, body, 0)

    def drain(j, carry):
        pltpu.make_async_copy(ones_v, acc_sh.at[dst_v.at[0]], sem).wait()
        return carry
    lax.fori_loop(0, STEPS, drain, 0)
    plsc.subcore_barrier()
    pltpu.sync_copy(acc_sh.at[pl.ds(sid * ROWS_PER_TILE, ROWS_PER_TILE)],
                    out_hbm.at[cid].at[pl.ds(sid * ROWS_PER_TILE, ROWS_PER_TILE)])


_deg_kernel = pl.kernel(
    _deg_body,
    out_type=jax.ShapeDtypeStruct((NC, N_PAD, D), jnp.float32),
    mesh=_mesh,
    scratch_types=_deg_scratch,
)



_scatter_scratch = [
    pltpu.VMEM((2, SSIZE, 2, CHUNK), jnp.int32),
    pltpu.VMEM((CHUNK, D), jnp.float32),
    pltpu.VMEM((CHUNK, D), jnp.float32),
    pltpu.VMEM_SHARED((N_PAD, D), jnp.float32),
    pltpu.SemaphoreType.DMA,
    pltpu.SemaphoreType.DMA,
    pltpu.SemaphoreType.DMA,
    pltpu.SemaphoreType.DMA,
    pltpu.SemaphoreType.DMA,
]


def _scatter_body(g_hbm, idx_hbm, zeros_hbm, out_hbm,
                  idx_v, r0, r1, acc_sh, g0, g1, s0, s1, isem):
    cid = lax.axis_index("c")
    sid = lax.axis_index("s")
    nchunk = jnp.where(cid == 0, C0, C1)
    base = jnp.where(cid == 0, sid * C0, NS * C0 + sid * C1)
    pltpu.sync_copy(zeros_hbm.at[pl.ds(sid * ROWS_PER_TILE, ROWS_PER_TILE)],
                    acc_sh.at[pl.ds(sid * ROWS_PER_TILE, ROWS_PER_TILE)])
    pltpu.sync_copy(idx_hbm.at[pl.ds(base, SSIZE)], idx_v.at[0])
    pltpu.async_copy(idx_hbm.at[pl.ds(base + SSIZE, SSIZE)], idx_v.at[1], isem)
    plsc.subcore_barrier()

    pltpu.async_copy(g_hbm.at[idx_v.at[0, 0, 0]], r0, g0)
    pltpu.async_copy(g_hbm.at[idx_v.at[0, 1, 0]], r1, g1)
    pltpu.make_async_copy(g_hbm.at[idx_v.at[0, 0, 0]], r0, g0).wait()
    pltpu.async_copy(r0, acc_sh.at[idx_v.at[0, 0, 1]], s0, add=True)
    pltpu.make_async_copy(g_hbm.at[idx_v.at[0, 1, 0]], r1, g1).wait()
    pltpu.async_copy(r1, acc_sh.at[idx_v.at[0, 1, 1]], s1, add=True)

    def body(i, carry):
        j0 = 2 * i
        blk = lax.rem(lax.div(j0, SSIZE), 2)
        off = lax.rem(j0, SSIZE)

        @pl.when(off == 0)
        def _new_block():
            pltpu.make_async_copy(
                idx_hbm.at[pl.ds(base, SSIZE)], idx_v.at[0], isem).wait()
            pltpu.async_copy(
                idx_hbm.at[pl.ds(base + j0 + SSIZE, SSIZE)],
                idx_v.at[1 - blk], isem)

        pltpu.make_async_copy(r0, acc_sh.at[idx_v.at[0, 0, 1]], s0).wait()
        pltpu.async_copy(g_hbm.at[idx_v.at[blk, off, 0]], r0, g0)
        pltpu.make_async_copy(r1, acc_sh.at[idx_v.at[0, 0, 1]], s1).wait()
        pltpu.async_copy(g_hbm.at[idx_v.at[blk, off + 1, 0]], r1, g1)
        pltpu.make_async_copy(g_hbm.at[idx_v.at[blk, off, 0]], r0, g0).wait()
        pltpu.async_copy(r0, acc_sh.at[idx_v.at[blk, off, 1]], s0, add=True)
        pltpu.make_async_copy(g_hbm.at[idx_v.at[blk, off + 1, 0]], r1, g1).wait()
        pltpu.async_copy(r1, acc_sh.at[idx_v.at[blk, off + 1, 1]], s1, add=True)
        return carry
    lax.fori_loop(1, nchunk // 2, body, 0)
    pltpu.make_async_copy(r0, acc_sh.at[idx_v.at[0, 0, 1]], s0).wait()
    pltpu.make_async_copy(r1, acc_sh.at[idx_v.at[0, 0, 1]], s1).wait()
    pltpu.make_async_copy(idx_hbm.at[pl.ds(base, SSIZE)], idx_v.at[0], isem).wait()
    plsc.subcore_barrier()
    pltpu.sync_copy(acc_sh.at[pl.ds(sid * ROWS_PER_TILE, ROWS_PER_TILE)],
                    out_hbm.at[cid].at[pl.ds(sid * ROWS_PER_TILE, ROWS_PER_TILE)])


_scatter_kernel = pl.kernel(
    _scatter_body,
    out_type=jax.ShapeDtypeStruct((NC, N_PAD, D), jnp.float32),
    mesh=_mesh,
    scratch_types=_scatter_scratch,
)



def _dinv_scale_body(deg_ref, h_ref, dinv_ref, g_ref):
    d = deg_ref[0, :, 0:1] + deg_ref[1, :, 0:1] + 1.0
    dinv = lax.rsqrt(d)
    dinv_ref[...] = dinv
    g_ref[...] = h_ref[...] * dinv


_dinv_scale = pl.pallas_call(
    _dinv_scale_body,
    grid=(NBLK,),
    in_specs=[
        pl.BlockSpec((2, 128, D), lambda i: (0, i, 0)),
        pl.BlockSpec((128, D), lambda i: (i, 0)),
    ],
    out_specs=[
        pl.BlockSpec((128, 1), lambda i: (i, 0)),
        pl.BlockSpec((128, D), lambda i: (i, 0)),
    ],
    out_shape=[
        jax.ShapeDtypeStruct((N_PAD, 1), jnp.float32),
        jax.ShapeDtypeStruct((N_PAD, D), jnp.float32),
    ],
)


def _mm_body(x_ref, w_ref, o_ref):
    o_ref[...] = jnp.dot(x_ref[...], w_ref[...],
                         preferred_element_type=jnp.float32)


_mm_kernel = pl.pallas_call(
    _mm_body,
    grid=(NBLK,),
    in_specs=[
        pl.BlockSpec((128, D), lambda i: (i, 0)),
        pl.BlockSpec((D, D), lambda i: (0, 0)),
    ],
    out_specs=pl.BlockSpec((128, D), lambda i: (i, 0)),
    out_shape=jax.ShapeDtypeStruct((N_PAD, D), jnp.float32),
)


def _combine_mm_body(p_ref, g_ref, dinv_ref, b_ref, w_ref, o_ref):
    s = p_ref[0] + p_ref[1] + g_ref[...]
    a = jnp.maximum(dinv_ref[...] * s + b_ref[...], 0.0)
    h = jnp.dot(a, w_ref[...], preferred_element_type=jnp.float32)
    o_ref[...] = h * dinv_ref[...]


_combine_mm = pl.pallas_call(
    _combine_mm_body,
    grid=(NBLK,),
    in_specs=[
        pl.BlockSpec((2, 128, D), lambda i: (0, i, 0)),
        pl.BlockSpec((128, D), lambda i: (i, 0)),
        pl.BlockSpec((128, 1), lambda i: (i, 0)),
        pl.BlockSpec((1, D), lambda i: (0, 0)),
        pl.BlockSpec((D, D), lambda i: (0, 0)),
    ],
    out_specs=pl.BlockSpec((128, D), lambda i: (i, 0)),
    out_shape=jax.ShapeDtypeStruct((N_PAD, D), jnp.float32),
)


def _final_body(p_ref, g_ref, dinv_ref, b_ref, o_ref):
    s = p_ref[0] + p_ref[1] + g_ref[...]
    o_ref[...] = jnp.maximum(dinv_ref[...] * s + b_ref[...], 0.0)


_final_kernel = pl.pallas_call(
    _final_body,
    grid=(NBLK,),
    in_specs=[
        pl.BlockSpec((2, 128, D), lambda i: (0, i, 0)),
        pl.BlockSpec((128, D), lambda i: (i, 0)),
        pl.BlockSpec((128, 1), lambda i: (i, 0)),
        pl.BlockSpec((1, D), lambda i: (0, 0)),
    ],
    out_specs=pl.BlockSpec((128, D), lambda i: (i, 0)),
    out_shape=jax.ShapeDtypeStruct((N_PAD, D), jnp.float32),
)



@jax.jit
def _run(x, edge_index, W1, b1, W2, b2, W3, b3):
    src = edge_index[0].astype(jnp.int32)
    dst = edge_index[1].astype(jnp.int32)
    src_p = jnp.concatenate(
        [src, jnp.zeros((E_PAD - E,), jnp.int32)]).reshape(CHUNKS_TOTAL, 1, CHUNK)
    dst_p = jnp.concatenate(
        [dst, jnp.full((E_PAD - E,), N, jnp.int32)]).reshape(CHUNKS_TOTAL, 1, CHUNK)
    idx_p = jnp.concatenate([src_p, dst_p], axis=1)
    idx_p = jnp.pad(idx_p, ((0, IDX_PAD - CHUNKS_TOTAL), (0, 0), (0, 0)))
    x_p = jnp.pad(x, ((0, N_PAD - N), (0, 0)))
    zeros_deg = jnp.zeros((N_PAD, D), jnp.float32)
    ones_deg = jnp.ones((CHUNK, D), jnp.float32)
    zeros_big = jnp.zeros((N_PAD, D), jnp.float32)
    b1r = b1.reshape(1, D)
    b2r = b2.reshape(1, D)
    b3r = b3.reshape(1, D)

    degp = _deg_kernel(idx_p, ones_deg, zeros_deg)
    h1 = _mm_kernel(x_p, W1)
    dinv, g = _dinv_scale(degp, h1)
    p = _scatter_kernel(g, idx_p, zeros_big)
    g = _combine_mm(p, g, dinv, b1r, W2)
    p = _scatter_kernel(g, idx_p, zeros_big)
    g = _combine_mm(p, g, dinv, b2r, W3)
    p = _scatter_kernel(g, idx_p, zeros_big)
    out = _final_kernel(p, g, dinv, b3r)
    return out[:N]


def kernel(x, edge_index, W1, b1, W2, b2, W3, b3):
    return _run(x, edge_index, W1, b1, W2, b2, W3, b3)

# --- scband reference (transcript-rebuilt; emitter-appended) ---
"""Pipeline reference for scband-gnnencoder-39779987095911 (READ-ONLY COPY).

The authoritative reference and input builder live on the scoring server;
editing this copy changes nothing except your own understanding.
"""

import jax, jax.numpy as jnp
import numpy as np

N_NODES = 10000
D_IN = 128
D_HID = 128


def setup_inputs(seed: int = 0) -> dict:
    key = jax.random.key(seed)
    ks = jax.random.split(key, 8)
    x = jax.random.normal(ks[0], (N_NODES, D_IN), dtype=jnp.float32)
    edge_index = jax.random.randint(ks[1], (2, 320000), 0, N_NODES, dtype=jnp.int64)
    s = 1.0 / np.sqrt(D_IN)
    W1 = jax.random.uniform(ks[2], (D_IN, D_HID), minval=-s, maxval=s, dtype=jnp.float32)
    b1 = jnp.zeros((D_HID,), dtype=jnp.float32)
    s2 = 1.0 / np.sqrt(D_HID)
    W2 = jax.random.uniform(ks[3], (D_HID, D_HID), minval=-s2, maxval=s2, dtype=jnp.float32)
    b2 = jnp.zeros((D_HID,), dtype=jnp.float32)
    W3 = jax.random.uniform(ks[4], (D_HID, D_HID), minval=-s2, maxval=s2, dtype=jnp.float32)
    b3 = jnp.zeros((D_HID,), dtype=jnp.float32)
    return {"x": x, "edge_index": edge_index, "W1": W1, "b1": b1, "W2": W2, "b2": b2, "W3": W3, "b3": b3}


def _gcn_conv(x, src, dst, W, b, n):
    # torch_geometric-style GCNConv: add self loops, symmetric normalization
    h = x @ W
    deg = jnp.zeros((n,), dtype=x.dtype).at[dst].add(1.0)
    dinv = jnp.where(deg > 0, jax.lax.rsqrt(jnp.maximum(deg, 1e-12)), 0.0)
    norm = dinv[src] * dinv[dst]
    msg = h[src] * norm[:, None]
    out = jnp.zeros((n, W.shape[1]), dtype=x.dtype).at[dst].add(msg)
    return out + b


def reference(x, edge_index, W1, b1, W2, b2, W3, b3):
    n = x.shape[0]
    loop = jnp.arange(n, dtype=edge_index.dtype)
    src = jnp.concatenate([edge_index[0], loop])
    dst = jnp.concatenate([edge_index[1], loop])
    h = _gcn_conv(x, src, dst, W1, b1, n)
    h = jax.nn.relu(h)  # dropout=0.0 -> identity
    h = _gcn_conv(h, src, dst, W2, b2, n)
    h = jax.nn.relu(h)
    h = _gcn_conv(h, src, dst, W3, b3, n)
    h = jax.nn.relu(h)
    return h

if __name__ == "__main__":
    import jax
    _d = setup_inputs()
    print(jax.jit(kernel)(*tuple(_d.values())))

</pallas_src>

<mosaic_0001>
#map = affine_map<(d0, d1) -> (0, 0)>
#map1 = affine_map<(d0, d1) -> (0, 0, 0)>
module attributes {stable_mosaic.version = 14 : i64} {
  func.func @_scatter_body(%arg0: i32, %arg1: i32, %arg2: memref<10240x128xf32, #tpu.memory_space<hbm>>, %arg3: memref<2580x2x128xi32, #tpu.memory_space<hbm>>, %arg4: memref<10240x128xf32, #tpu.memory_space<hbm>>, %arg5: memref<2x10240x128xf32, #tpu.memory_space<hbm>>, %arg6: memref<2x20x2x128xi32, #tpu.memory_space<vmem>>, %arg7: memref<128x128xf32, #tpu.memory_space<vmem>>, %arg8: memref<128x128xf32, #tpu.memory_space<vmem>>, %arg9: memref<10240x128xf32, #tpu.memory_space<vmem_shared>>, %arg10: memref<!tpu.dma_semaphore, #tpu.memory_space<semaphore_mem>>, %arg11: memref<!tpu.dma_semaphore, #tpu.memory_space<semaphore_mem>>, %arg12: memref<!tpu.dma_semaphore, #tpu.memory_space<semaphore_mem>>, %arg13: memref<!tpu.dma_semaphore, #tpu.memory_space<semaphore_mem>>, %arg14: memref<!tpu.dma_semaphore, #tpu.memory_space<semaphore_mem>>) attributes {dimension_semantics = [#tpu.dimension_semantics<core_parallel>, #tpu.dimension_semantics<subcore_parallel>], iteration_bounds = array<i64: 2, 16>, scalar_prefetch = 0 : i64, scratch_operands = 9 : i64, tpu.core_type = #tpu.core_type<sc_vector_subcore>, window_params = [{transform_indices = #map}, {transform_indices = #map1}, {transform_indices = #map}, {transform_indices = #map1}]} {
    %eq3A = arith.constant 0 : i32
    %eq3A_0 = arith.cmpi eq, %arg0, %eq3A : i32
    %jit3A = arith.constant 140 : i32
    %jit3A_1 = arith.constant 20 : i32
    %select_n3A = arith.select %eq3A_0, %jit3A, %jit3A_1 : i32
    %eq3A_2 = arith.constant 0 : i32
    %eq3A_3 = arith.cmpi eq, %arg0, %eq3A_2 : i32
    %mul3A = arith.constant 140 : i32
    %mul3A_4 = arith.muli %arg1, %mul3A : i32
    %mul3A_5 = arith.constant 20 : i32
    %mul3A_6 = arith.muli %arg1, %mul3A_5 : i32
    %add3A = arith.constant 2240 : i32
    %add3A_7 = arith.addi %add3A, %mul3A_6 : i32
    %select_n3A_8 = arith.select %eq3A_3, %mul3A_4, %add3A_7 : i32
    %mul3A_9 = arith.constant 640 : i32
    %mul3A_10 = arith.muli %arg1, %mul3A_9 : i32
    %mul3A_11 = arith.constant 640 : i32
    %mul3A_12 = arith.muli %arg1, %mul3A_11 : i32
    "tpu.region"() ({
      %run_scoped3A_151 = tpu.sem_alloc : memref<!tpu.dma_semaphore, #tpu.memory_space<semaphore_mem>>
      %dma_start3A_152 = arith.constant 0 : i32
      %dma_start3A_153 = tpu.memref_slice %arg9[%mul3A_12, %dma_start3A_152] : memref<10240x128xf32, #tpu.memory_space<vmem_shared>> -> memref<640x128xf32, #tpu.memory_space<vmem_shared>>
      %dma_start3A_154 = arith.constant 0 : i32
      %dma_start3A_155 = tpu.memref_slice %arg4[%mul3A_10, %dma_start3A_154] : memref<10240x128xf32, #tpu.memory_space<hbm>> -> memref<640x128xf32, #tpu.memory_space<hbm>>
      tpu.enqueue_dma source(%dma_start3A_155 : memref<640x128xf32, #tpu.memory_space<hbm>>) target(%dma_start3A_153 : memref<640x128xf32, #tpu.memory_space<vmem_shared>>) target_semaphore(%run_scoped3A_151 : memref<!tpu.dma_semaphore, #tpu.memory_space<semaphore_mem>>)
      %dma_wait3A_156 = arith.constant 0 : i32
      %dma_wait3A_157 = tpu.memref_slice %arg9[%mul3A_12, %dma_wait3A_156] : memref<10240x128xf32, #tpu.memory_space<vmem_shared>> -> memref<640x128xf32, #tpu.memory_space<vmem_shared>>
      %dma_wait3A_158 = arith.constant 0 : i32
      %dma_wait3A_159 = tpu.memref_slice %arg4[%mul3A_10, %dma_wait3A_158] : memref<10240x128xf32, #tpu.memory_space<hbm>> -> memref<640x128xf32, #tpu.memory_space<hbm>>
      tpu.wait_dma2 semaphore(%run_scoped3A_151 : memref<!tpu.dma_semaphore, #tpu.memory_space<semaphore_mem>>) src(%dma_wait3A_159 : memref<640x128xf32, #tpu.memory_space<hbm>>) dst(%dma_wait3A_157 : memref<640x128xf32, #tpu.memory_space<vmem_shared>>)
      tpu.yield
    }) : () -> ()
    %run_scoped3A = arith.constant 0 : i32
    "tpu.region"() ({
      %run_scoped3A_151 = tpu.sem_alloc : memref<!tpu.dma_semaphore, #tpu.memory_space<semaphore_mem>>
      %dma_start3A_152 = arith.constant 0 : i32
      %dma_start3A_153 = arith.constant 0 : i32
      %dma_start3A_154 = arith.constant 0 : i32
      %dma_start3A_155 = tpu.memref_slice %arg6[%run_scoped3A, %dma_start3A_152, %dma_start3A_153, %dma_start3A_154] : memref<2x20x2x128xi32, #tpu.memory_space<vmem>> -> memref<1x20x2x128xi32, #tpu.memory_space<vmem>>
      %dma_start3A_156 = tpu.memref_squeeze %dma_start3A_155 : memref<1x20x2x128xi32, #tpu.memory_space<vmem>> -> memref<20x2x128xi32, #tpu.memory_space<vmem>>
      %dma_start3A_157 = arith.constant 0 : i32
      %dma_start3A_158 = arith.constant 0 : i32
      %dma_start3A_159 = tpu.memref_slice %arg3[%select_n3A_8, %dma_start3A_157, %dma_start3A_158] : memref<2580x2x128xi32, #tpu.memory_space<hbm>> -> memref<20x2x128xi32, #tpu.memory_space<hbm>>
      %dma_start3A_160 = arith.constant 0 : i32
      %dma_start3A_161 = arith.constant 0 : i32
      %dma_start3A_162 = arith.constant 0 : i32
      %dma_start3A_163 = tpu.memref_slice %arg6[%run_scoped3A, %dma_start3A_160, %dma_start3A_161, %dma_start3A_162] : memref<2x20x2x128xi32, #tpu.memory_space<vmem>> -> memref<1x20x2x128xi32, #tpu.memory_space<vmem>>
      %dma_start3A_164 = tpu.memref_squeeze %dma_start3A_163 : memref<1x20x2x128xi32, #tpu.memory_space<vmem>> -> memref<20x2x128xi32, #tpu.memory_space<vmem>>
      %dma_start3A_165 = arith.constant 0 : i32
      %dma_start3A_166 = arith.constant 0 : i32
      %dma_start3A_167 = tpu.memref_slice %arg3[%select_n3A_8, %dma_start3A_165, %dma_start3A_166] : memref<2580x2x128xi32, #tpu.memory_space<hbm>> -> memref<20x2x128xi32, #tpu.memory_space<hbm>>
      tpu.enqueue_dma source(%dma_start3A_167 : memref<20x2x128xi32, #tpu.memory_space<hbm>>) target(%dma_start3A_164 : memref<20x2x128xi32, #tpu.memory_space<vmem>>) target_semaphore(%run_scoped3A_151 : memref<!tpu.dma_semaphore, #tpu.memory_space<semaphore_mem>>)
      %dma_wait3A_168 = arith.constant 0 : i32
      %dma_wait3A_169 = arith.constant 0 : i32
      %dma_wait3A_170 = arith.constant 0 : i32
      %dma_wait3A_171 = tpu.memref_slice %arg6[%run_scoped3A, %dma_wait3A_168, %dma_wait3A_169, %dma_wait3A_170] : memref<2x20x2x128xi32, #tpu.memory_space<vmem>> -> memref<1x20x2x128xi32, #tpu.memory_space<vmem>>
      %dma_wait3A_172 = tpu.memref_squeeze %dma_wait3A_171 : memref<1x20x2x128xi32, #tpu.memory_space<vmem>> -> memref<20x2x128xi32, #tpu.memory_space<vmem>>
      %dma_wait3A_173 = arith.constant 0 : i32
      %dma_wait3A_174 = arith.constant 0 : i32
      %dma_wait3A_175 = tpu.memref_slice %arg3[%select_n3A_8, %dma_wait3A_173, %dma_wait3A_174] : memref<2580x2x128xi32, #tpu.memory_space<hbm>> -> memref<20x2x128xi32, #tpu.memory_space<hbm>>
      %dma_wait3A_176 = arith.constant 0 : i32
      %dma_wait3A_177 = arith.constant 0 : i32
      %dma_wait3A_178 = arith.constant 0 : i32
      %dma_wait3A_179 = tpu.memref_slice %arg6[%run_scoped3A, %dma_wait3A_176, %dma_wait3A_177, %dma_wait3A_178] : memref<2x20x2x128xi32, #tpu.memory_space<vmem>> -> memref<1x20x2x128xi32, #tpu.memory_space<vmem>>
      %dma_wait3A_180 = tpu.memref_squeeze %dma_wait3A_179 : memref<1x20x2x128xi32, #tpu.memory_space<vmem>> -> memref<20x2x128xi32, #tpu.memory_space<vmem>>
      %dma_wait3A_181 = arith.constant 0 : i32
      %dma_wait3A_182 = arith.constant 0 : i32
      %dma_wait3A_183 = tpu.memref_slice %arg3[%select_n3A_8, %dma_wait3A_181, %dma_wait3A_182] : memref<2580x2x128xi32, #tpu.memory_space<hbm>> -> memref<20x2x128xi32, #tpu.memory_space<hbm>>
      tpu.wait_dma2 semaphore(%run_scoped3A_151 : memref<!tpu.dma_semaphore, #tpu.memory_space<semaphore_mem>>) src(%dma_wait3A_183 : memref<20x2x128xi32, #tpu.memory_space<hbm>>) dst(%dma_wait3A_180 : memref<20x2x128xi32, #tpu.memory_space<vmem>>)
      tpu.yield
    }) : () -> ()
    %add3A_13 = arith.constant 20 : i32
    %add3A_14 = arith.addi %select_n3A_8, %add3A_13 : i32
    %dma_start3A = arith.constant 1 : i32
    %dma_start3A_15 = arith.constant 0 : i32
    %dma_start3A_16 = arith.constant 0 : i32
    %dma_start3A_17 = arith.constant 0 : i32
    %dma_start3A_18 = tpu.memref_slice %arg6[%dma_start3A, %dma_start3A_15, %dma_start3A_16, %dma_start3A_17] : memref<2x20x2x128xi32, #tpu.memory_space<vmem>> -> memref<1x20x2x128xi32, #tpu.memory_space<vmem>>
    %dma_start3A_19 = tpu.memref_squeeze %dma_start3A_18 : memref<1x20x2x128xi32, #tpu.memory_space<vmem>> -> memref<20x2x128xi32, #tpu.memory_space<vmem>>
    %dma_start3A_20 = arith.constant 0 : i32
    %dma_start3A_21 = arith.constant 0 : i32
    %dma_start3A_22 = tpu.memref_slice %arg3[%add3A_14, %dma_start3A_20, %dma_start3A_21] : memref<2580x2x128xi32, #tpu.memory_space<hbm>> -> memref<20x2x128xi32, #tpu.memory_space<hbm>>
    %dma_start3A_23 = arith.constant 0 : i32
    %dma_start3A_24 = arith.constant 0 : i32
    %dma_start3A_25 = arith.constant 0 : i32
    %dma_start3A_26 = tpu.memref_slice %arg6[%dma_start3A, %dma_start3A_23, %dma_start3A_24, %dma_start3A_25] : memref<2x20x2x128xi32, #tpu.memory_space<vmem>> -> memref<1x20x2x128xi32, #tpu.memory_space<vmem>>
    %dma_start3A_27 = tpu.memref_squeeze %dma_start3A_26 : memref<1x20x2x128xi32, #tpu.memory_space<vmem>> -> memref<20x2x128xi32, #tpu.memory_space<vmem>>
    %dma_start3A_28 = arith.constant 0 : i32
    %dma_start3A_29 = arith.constant 0 : i32
    %dma_start3A_30 = tpu.memref_slice %arg3[%add3A_14, %dma_start3A_28, %dma_start3A_29] : memref<2580x2x128xi32, #tpu.memory_space<hbm>> -> memref<20x2x128xi32, #tpu.memory_space<hbm>>
    tpu.enqueue_dma source(%dma_start3A_30 : memref<20x2x128xi32, #tpu.memory_space<hbm>>) target(%dma_start3A_27 : memref<20x2x128xi32, #tpu.memory_space<vmem>>) target_semaphore(%arg14 : memref<!tpu.dma_semaphore, #tpu.memory_space<semaphore_mem>>)
    %barrier3A = arith.constant 0 : index
    tpu.barrier barrier_id(%barrier3A)
    %dma_start3A_31 = arith.constant 0 : i32
    %dma_start3A_32 = arith.constant 0 : i32
    %dma_start3A_33 = arith.constant 0 : i32
    %dma_start3A_34 = arith.constant 0 : i32
    %dma_start3A_35 = tpu.memref_slice %arg6[%dma_start3A_31, %dma_start3A_32, %dma_start3A_33, %dma_start3A_34] : memref<2x20x2x128xi32, #tpu.memory_space<vmem>> -> memref<1x1x1x128xi32, #tpu.memory_space<vmem>>
    %dma_start3A_36 = tpu.memref_squeeze %dma_start3A_35 : memref<1x1x1x128xi32, #tpu.memory_space<vmem>> -> memref<128xi32, #tpu.memory_space<vmem>>
    %dma_start3A_37 = arith.constant 0 : i32
    %dma_start3A_38 = arith.constant 0 : i32
    %dma_start3A_39 = tpu.memref_slice %arg2[%dma_start3A_37, %dma_start3A_38] : memref<10240x128xf32, #tpu.memory_space<hbm>> -> memref<10240x128xf32, #tpu.memory_space<hbm>>
    tpu.enqueue_indirect_dma source(%dma_start3A_39 : memref<10240x128xf32, #tpu.memory_space<hbm>>) target(%arg7 : memref<128x128xf32, #tpu.memory_space<vmem>>) offsets(%dma_start3A_36 : memref<128xi32, #tpu.memory_space<vmem>>) semaphore(%arg10 : memref<!tpu.dma_semaphore, #tpu.memory_space<semaphore_mem>>)
    %dma_start3A_40 = arith.constant 0 : i32
    %dma_start3A_41 = arith.constant 1 : i32
    %dma_start3A_42 = arith.constant 0 : i32
    %dma_start3A_43 = arith.constant 0 : i32
    %dma_start3A_44 = tpu.memref_slice %arg6[%dma_start3A_40, %dma_start3A_41, %dma_start3A_42, %dma_start3A_43] : memref<2x20x2x128xi32, #tpu.memory_space<vmem>> -> memref<1x1x1x128xi32, #tpu.memory_space<vmem>>
    %dma_start3A_45 = tpu.memref_squeeze %dma_start3A_44 : memref<1x1x1x128xi32, #tpu.memory_space<vmem>> -> memref<128xi32, #tpu.memory_space<vmem>>
    %dma_start3A_46 = arith.constant 0 : i32
    %dma_start3A_47 = arith.constant 0 : i32
    %dma_start3A_48 = tpu.memref_slice %arg2[%dma_start3A_46, %dma_start3A_47] : memref<10240x128xf32, #tpu.memory_space<hbm>> -> memref<10240x128xf32, #tpu.memory_space<hbm>>
    tpu.enqueue_indirect_dma source(%dma_start3A_48 : memref<10240x128xf32, #tpu.memory_space<hbm>>) target(%arg8 : memref<128x128xf32, #tpu.memory_space<vmem>>) offsets(%dma_start3A_45 : memref<128xi32, #tpu.memory_space<vmem>>) semaphore(%arg11 : memref<!tpu.dma_semaphore, #tpu.memory_space<semaphore_mem>>)
    %dma_wait3A = arith.constant 0 : i32
    %dma_wait3A_49 = arith.constant 0 : i32
    %dma_wait3A_50 = arith.constant 0 : i32
    %dma_wait3A_51 = arith.constant 0 : i32
    %dma_wait3A_52 = tpu.memref_slice %arg6[%dma_wait3A, %dma_wait3A_49, %dma_wait3A_50, %dma_wait3A_51] : memref<2x20x2x128xi32, #tpu.memory_space<vmem>> -> memref<1x1x1x128xi32, #tpu.memory_space<vmem>>
    %dma_wait3A_53 = tpu.memref_squeeze %dma_wait3A_52 : memref<1x1x1x128xi32, #tpu.memory_space<vmem>> -> memref<128xi32, #tpu.memory_space<vmem>>
    %dma_wait3A_54 = arith.constant 0 : i32
    %dma_wait3A_55 = arith.constant 0 : i32
    %dma_wait3A_56 = tpu.memref_slice %arg2[%dma_wait3A_54, %dma_wait3A_55] : memref<10240x128xf32, #tpu.memory_space<hbm>> -> memref<10240x128xf32, #tpu.memory_space<hbm>>
    tpu.wait_indirect_dma semaphore(%arg10 : memref<!tpu.dma_semaphore, #tpu.memory_space<semaphore_mem>>) src(%dma_wait3A_56 : memref<10240x128xf32, #tpu.memory_space<hbm>>) dst(%arg7 : memref<128x128xf32, #tpu.memory_space<vmem>>)
    %dma_start3A_57 = arith.constant 0 : i32
    %dma_start3A_58 = arith.constant 0 : i32
    %dma_start3A_59 = arith.constant 1 : i32
    %dma_start3A_60 = arith.constant 0 : i32
    %dma_start3A_61 = tpu.memref_slice %arg6[%dma_start3A_57, %dma_start3A_58, %dma_start3A_59, %dma_start3A_60] : memref<2x20x2x128xi32, #tpu.memory_space<vmem>> -> memref<1x1x1x128xi32, #tpu.memory_space<vmem>>
    %dma_start3A_62 = tpu.memref_squeeze %dma_start3A_61 : memref<1x1x1x128xi32, #tpu.memory_space<vmem>> -> memref<128xi32, #tpu.memory_space<vmem>>
    %dma_start3A_63 = arith.constant 0 : i32
    %dma_start3A_64 = arith.constant 0 : i32
    %dma_start3A_65 = tpu.memref_slice %arg9[%dma_start3A_63, %dma_start3A_64] : memref<10240x128xf32, #tpu.memory_space<vmem_shared>> -> memref<10240x128xf32, #tpu.memory_space<vmem_shared>>
    tpu.enqueue_indirect_dma source(%arg7 : memref<128x128xf32, #tpu.memory_space<vmem>>) target(%dma_start3A_65 : memref<10240x128xf32, #tpu.memory_space<vmem_shared>>) offsets(%dma_start3A_62 : memref<128xi32, #tpu.memory_space<vmem>>) semaphore(%arg12 : memref<!tpu.dma_semaphore, #tpu.memory_space<semaphore_mem>>) {add = true}
    %dma_wait3A_66 = arith.constant 0 : i32
    %dma_wait3A_67 = arith.constant 1 : i32
    %dma_wait3A_68 = arith.constant 0 : i32
    %dma_wait3A_69 = arith.constant 0 : i32
    %dma_wait3A_70 = tpu.memref_slice %arg6[%dma_wait3A_66, %dma_wait3A_67, %dma_wait3A_68, %dma_wait3A_69] : memref<2x20x2x128xi32, #tpu.memory_space<vmem>> -> memref<1x1x1x128xi32, #tpu.memory_space<vmem>>
    %dma_wait3A_71 = tpu.memref_squeeze %dma_wait3A_70 : memref<1x1x1x128xi32, #tpu.memory_space<vmem>> -> memref<128xi32, #tpu.memory_space<vmem>>
    %dma_wait3A_72 = arith.constant 0 : i32
    %dma_wait3A_73 = arith.constant 0 : i32
    %dma_wait3A_74 = tpu.memref_slice %arg2[%dma_wait3A_72, %dma_wait3A_73] : memref<10240x128xf32, #tpu.memory_space<hbm>> -> memref<10240x128xf32, #tpu.memory_space<hbm>>
    tpu.wait_indirect_dma semaphore(%arg11 : memref<!tpu.dma_semaphore, #tpu.memory_space<semaphore_mem>>) src(%dma_wait3A_74 : memref<10240x128xf32, #tpu.memory_space<hbm>>) dst(%arg8 : memref<128x128xf32, #tpu.memory_space<vmem>>)
    %dma_start3A_75 = arith.constant 0 : i32
    %dma_start3A_76 = arith.constant 1 : i32
    %dma_start3A_77 = arith.constant 1 : i32
    %dma_start3A_78 = arith.constant 0 : i32
    %dma_start3A_79 = tpu.memref_slice %arg6[%dma_start3A_75, %dma_start3A_76, %dma_start3A_77, %dma_start3A_78] : memref<2x20x2x128xi32, #tpu.memory_space<vmem>> -> memref<1x1x1x128xi32, #tpu.memory_space<vmem>>
    %dma_start3A_80 = tpu.memref_squeeze %dma_start3A_79 : memref<1x1x1x128xi32, #tpu.memory_space<vmem>> -> memref<128xi32, #tpu.memory_space<vmem>>
    %dma_start3A_81 = arith.constant 0 : i32
    %dma_start3A_82 = arith.constant 0 : i32
    %dma_start3A_83 = tpu.memref_slice %arg9[%dma_start3A_81, %dma_start3A_82] : memref<10240x128xf32, #tpu.memory_space<vmem_shared>> -> memref<10240x128xf32, #tpu.memory_space<vmem_shared>>
    tpu.enqueue_indirect_dma source(%arg8 : memref<128x128xf32, #tpu.memory_space<vmem>>) target(%dma_start3A_83 : memref<10240x128xf32, #tpu.memory_space<vmem_shared>>) offsets(%dma_start3A_80 : memref<128xi32, #tpu.memory_space<vmem>>) semaphore(%arg13 : memref<!tpu.dma_semaphore, #tpu.memory_space<semaphore_mem>>) {add = true}
    %jit3A_84 = arith.constant 2 : i32
    %div3A = arith.divsi %select_n3A, %jit3A_84 : i32
    %sign3A = arith.constant 0 : i32
    %sign3A_85 = arith.cmpi sgt, %select_n3A, %sign3A : i32
    %sign3A_86 = arith.extui %sign3A_85 : i1 to i32
    %sign3A_87 = arith.constant 0 : i32
    %sign3A_88 = arith.cmpi slt, %select_n3A, %sign3A_87 : i32
    %sign3A_89 = arith.extui %sign3A_88 : i1 to i32
    %sign3A_90 = arith.subi %sign3A_86, %sign3A_89 : i32
    %sign3A_91 = arith.constant 0 : i32
    %sign3A_92 = arith.cmpi sgt, %jit3A_84, %sign3A_91 : i32
    %sign3A_93 = arith.extui %sign3A_92 : i1 to i32
    %sign3A_94 = arith.constant 0 : i32
    %sign3A_95 = arith.cmpi slt, %jit3A_84, %sign3A_94 : i32
    %sign3A_96 = arith.extui %sign3A_95 : i1 to i32
    %sign3A_97 = arith.subi %sign3A_93, %sign3A_96 : i32
    %ne3A = arith.cmpi ne, %sign3A_90, %sign3A_97 : i32
    %rem3A = arith.remsi %select_n3A, %jit3A_84 : i32
    %ne3A_98 = arith.constant 0 : i32
    %ne3A_99 = arith.cmpi ne, %rem3A, %ne3A_98 : i32
    %and3A = arith.andi %ne3A, %ne3A_99 : i1
    %sub3A = arith.constant 1 : i32
    %sub3A_100 = arith.subi %div3A, %sub3A : i32
    %select_n3A_101 = arith.select %and3A, %sub3A_100, %div3A : i32
    %while3A = arith.constant 0 : i32
    %while3A_102 = arith.constant 1 : i32
    %while3A_103 = arith.subi %select_n3A_101, %while3A_102 : i32
    %while3A_104 = arith.addi %while3A_102, %while3A_103 : i32
    %while3A_105 = arith.constant 1 : i32
    %while3A_106 = arith.divsi %while3A_103, %while3A_105 : i32
    %while3A_107 = arith.muli %while3A_106, %while3A_105 : i32
    %while3A_108 = arith.addi %while3A_102, %while3A_107 : i32
    %while3A_109 = arith.constant 1 : i32
    scf.for %while3A_151 = %while3A_102 to %while3A_108 step %while3A_109  : i32 {
      %mul3A_152 = arith.constant 2 : i32
      %mul3A_153 = arith.muli %mul3A_152, %while3A_151 : i32
      %div3A_154 = arith.constant 20 : i32
      %div3A_155 = arith.divsi %mul3A_153, %div3A_154 : i32
      %rem3A_156 = arith.constant 2 : i32
      %rem3A_157 = arith.remsi %div3A_155, %rem3A_156 : i32
      %rem3A_158 = arith.constant 20 : i32
      %rem3A_159 = arith.remsi %mul3A_153, %rem3A_158 : i32
      %eq3A_160 = arith.constant 0 : i32
      %eq3A_161 = arith.cmpi eq, %rem3A_159, %eq3A_160 : i32
      %convert_element_type3A = arith.extui %eq3A_161 : i1 to i32
      %cond3A = arith.constant 0 : i32
      %cond3A_162 = arith.cmpi ne, %convert_element_type3A, %cond3A : i32
      scf.if %cond3A_162 {
        %dma_wait3A_229 = arith.constant 0 : i32
        %dma_wait3A_230 = arith.constant 0 : i32
        %dma_wait3A_231 = arith.constant 0 : i32
        %dma_wait3A_232 = arith.constant 0 : i32
        %dma_wait3A_233 = tpu.memref_slice %arg6[%dma_wait3A_229, %dma_wait3A_230, %dma_wait3A_231, %dma_wait3A_232] : memref<2x20x2x128xi32, #tpu.memory_space<vmem>> -> memref<1x20x2x128xi32, #tpu.memory_space<vmem>>
        %dma_wait3A_234 = tpu.memref_squeeze %dma_wait3A_233 : memref<1x20x2x128xi32, #tpu.memory_space<vmem>> -> memref<20x2x128xi32, #tpu.memory_space<vmem>>
        %dma_wait3A_235 = arith.constant 0 : i32
        %dma_wait3A_236 = arith.constant 0 : i32
        %dma_wait3A_237 = tpu.memref_slice %arg3[%select_n3A_8, %dma_wait3A_235, %dma_wait3A_236] : memref<2580x2x128xi32, #tpu.memory_space<hbm>> -> memref<20x2x128xi32, #tpu.memory_space<hbm>>
        %dma_wait3A_238 = arith.constant 0 : i32
        %dma_wait3A_239 = arith.constant 0 : i32
        %dma_wait3A_240 = arith.constant 0 : i32
        %dma_wait3A_241 = tpu.memref_slice %arg6[%dma_wait3A_229, %dma_wait3A_238, %dma_wait3A_239, %dma_wait3A_240] : memref<2x20x2x128xi32, #tpu.memory_space<vmem>> -> memref<1x20x2x128xi32, #tpu.memory_space<vmem>>
        %dma_wait3A_242 = tpu.memref_squeeze %dma_wait3A_241 : memref<1x20x2x128xi32, #tpu.memory_space<vmem>> -> memref<20x2x128xi32, #tpu.memory_space<vmem>>
        %dma_wait3A_243 = arith.constant 0 : i32
        %dma_wait3A_244 = arith.constant 0 : i32
        %dma_wait3A_245 = tpu.memref_slice %arg3[%select_n3A_8, %dma_wait3A_243, %dma_wait3A_244] : memref<2580x2x128xi32, #tpu.memory_space<hbm>> -> memref<20x2x128xi32, #tpu.memory_space<hbm>>
        tpu.wait_dma2 semaphore(%arg14 : memref<!tpu.dma_semaphore, #tpu.memory_space<semaphore_mem>>) src(%dma_wait3A_245 : memref<20x2x128xi32, #tpu.memory_space<hbm>>) dst(%dma_wait3A_242 : memref<20x2x128xi32, #tpu.memory_space<vmem>>)
        %add3A_246 = arith.addi %select_n3A_8, %mul3A_153 : i32
        %add3A_247 = arith.constant 20 : i32
        %add3A_248 = arith.addi %add3A_246, %add3A_247 : i32
        %sub3A_249 = arith.constant 1 : i32
        %sub3A_250 = arith.subi %sub3A_249, %rem3A_157 : i32
        %dma_start3A_251 = arith.constant 0 : i32
        %dma_start3A_252 = arith.constant 0 : i32
        %dma_start3A_253 = arith.constant 0 : i32
        %dma_start3A_254 = tpu.memref_slice %arg6[%sub3A_250, %dma_start3A_251, %dma_start3A_252, %dma_start3A_253] : memref<2x20x2x128xi32, #tpu.memory_space<vmem>> -> memref<1x20x2x128xi32, #tpu.memory_space<vmem>>
        %dma_start3A_255 = tpu.memref_squeeze %dma_start3A_254 : memref<1x20x2x128xi32, #tpu.memory_space<vmem>> -> memref<20x2x128xi32, #tpu.memory_space<vmem>>
        %dma_start3A_256 = arith.constant 0 : i32
        %dma_start3A_257 = arith.constant 0 : i32
        %dma_start3A_258 = tpu.memref_slice %arg3[%add3A_248, %dma_start3A_256, %dma_start3A_257] : memref<2580x2x128xi32, #tpu.memory_space<hbm>> -> memref<20x2x128xi32, #tpu.memory_space<hbm>>
        %dma_start3A_259 = arith.constant 0 : i32
        %dma_start3A_260 = arith.constant 0 : i32
        %dma_start3A_261 = arith.constant 0 : i32
        %dma_start3A_262 = tpu.memref_slice %arg6[%sub3A_250, %dma_start3A_259, %dma_start3A_260, %dma_start3A_261] : memref<2x20x2x128xi32, #tpu.memory_space<vmem>> -> memref<1x20x2x128xi32, #tpu.memory_space<vmem>>
        %dma_start3A_263 = tpu.memref_squeeze %dma_start3A_262 : memref<1x20x2x128xi32, #tpu.memory_space<vmem>> -> memref<20x2x128xi32, #tpu.memory_space<vmem>>
        %dma_start3A_264 = arith.constant 0 : i32
        %dma_start3A_265 = arith.constant 0 : i32
        %dma_start3A_266 = tpu.memref_slice %arg3[%add3A_248, %dma_start3A_264, %dma_start3A_265] : memref<2580x2x128xi32, #tpu.memory_space<hbm>> -> memref<20x2x128xi32, #tpu.memory_space<hbm>>
        tpu.enqueue_dma source(%dma_start3A_266 : memref<20x2x128xi32, #tpu.memory_space<hbm>>) target(%dma_start3A_263 : memref<20x2x128xi32, #tpu.memory_space<vmem>>) target_semaphore(%arg14 : memref<!tpu.dma_semaphore, #tpu.memory_space<semaphore_mem>>)
      } else {
      }
      %dma_wait3A_163 = arith.constant 0 : i32
      %dma_wait3A_164 = arith.constant 0 : i32
      %dma_wait3A_165 = arith.constant 1 : i32
      %dma_wait3A_166 = arith.constant 0 : i32
      %dma_wait3A_167 = tpu.memref_slice %arg6[%dma_wait3A_163, %dma_wait3A_164, %dma_wait3A_165, %dma_wait3A_166] : memref<2x20x2x128xi32, #tpu.memory_space<vmem>> -> memref<1x1x1x128xi32, #tpu.memory_space<vmem>>
      %dma_wait3A_168 = tpu.memref_squeeze %dma_wait3A_167 : memref<1x1x1x128xi32, #tpu.memory_space<vmem>> -> memref<128xi32, #tpu.memory_space<vmem>>
      %dma_wait3A_169 = arith.constant 0 : i32
      %dma_wait3A_170 = arith.constant 0 : i32
      %dma_wait3A_171 = tpu.memref_slice %arg9[%dma_wait3A_169, %dma_wait3A_170] : memref<10240x128xf32, #tpu.memory_space<vmem_shared>> -> memref<10240x128xf32, #tpu.memory_space<vmem_shared>>
      tpu.wait_indirect_dma semaphore(%arg12 : memref<!tpu.dma_semaphore, #tpu.memory_space<semaphore_mem>>) src(%arg7 : memref<128x128xf32, #tpu.memory_space<vmem>>) dst(%dma_wait3A_171 : memref<10240x128xf32, #tpu.memory_space<vmem_shared>>)
      %dma_start3A_172 = arith.constant 0 : i32
      %dma_start3A_173 = arith.constant 0 : i32
      %dma_start3A_174 = tpu.memref_slice %arg6[%rem3A_157, %rem3A_159, %dma_start3A_172, %dma_start3A_173] : memref<2x20x2x128xi32, #tpu.memory_space<vmem>> -> memref<1x1x1x128xi32, #tpu.memory_space<vmem>>
      %dma_start3A_175 = tpu.memref_squeeze %dma_start3A_174 : memref<1x1x1x128xi32, #tpu.memory_space<vmem>> -> memref<128xi32, #tpu.memory_space<vmem>>
      %dma_start3A_176 = arith.constant 0 : i32
      %dma_start3A_177 = arith.constant 0 : i32
      %dma_start3A_178 = tpu.memref_slice %arg2[%dma_start3A_176, %dma_start3A_177] : memref<10240x128xf32, #tpu.memory_space<hbm>> -> memref<10240x128xf32, #tpu.memory_space<hbm>>
      tpu.enqueue_indirect_dma source(%dma_start3A_178 : memref<10240x128xf32, #tpu.memory_space<hbm>>) target(%arg7 : memref<128x128xf32, #tpu.memory_space<vmem>>) offsets(%dma_start3A_175 : memref<128xi32, #tpu.memory_space<vmem>>) semaphore(%arg10 : memref<!tpu.dma_semaphore, #tpu.memory_space<semaphore_mem>>)
      %dma_wait3A_179 = arith.constant 0 : i32
      %dma_wait3A_180 = arith.constant 0 : i32
      %dma_wait3A_181 = arith.constant 1 : i32
      %dma_wait3A_182 = arith.constant 0 : i32
      %dma_wait3A_183 = tpu.memref_slice %arg6[%dma_wait3A_179, %dma_wait3A_180, %dma_wait3A_181, %dma_wait3A_182] : memref<2x20x2x128xi32, #tpu.memory_space<vmem>> -> memref<1x1x1x128xi32, #tpu.memory_space<vmem>>
      %dma_wait3A_184 = tpu.memref_squeeze %dma_wait3A_183 : memref<1x1x1x128xi32, #tpu.memory_space<vmem>> -> memref<128xi32, #tpu.memory_space<vmem>>
      %dma_wait3A_185 = arith.constant 0 : i32
      %dma_wait3A_186 = arith.constant 0 : i32
      %dma_wait3A_187 = tpu.memref_slice %arg9[%dma_wait3A_185, %dma_wait3A_186] : memref<10240x128xf32, #tpu.memory_space<vmem_shared>> -> memref<10240x128xf32, #tpu.memory_space<vmem_shared>>
      tpu.wait_indirect_dma semaphore(%arg13 : memref<!tpu.dma_semaphore, #tpu.memory_space<semaphore_mem>>) src(%arg8 : memref<128x128xf32, #tpu.memory_space<vmem>>) dst(%dma_wait3A_187 : memref<10240x128xf32, #tpu.memory_space<vmem_shared>>)
      %add3A_188 = arith.constant 1 : i32
      %add3A_189 = arith.addi %rem3A_159, %add3A_188 : i32
      %dma_start3A_190 = arith.constant 0 : i32
      %dma_start3A_191 = arith.constant 0 : i32
      %dma_start3A_192 = tpu.memref_slice %arg6[%rem3A_157, %add3A_189, %dma_start3A_190, %dma_start3A_191] : memref<2x20x2x128xi32, #tpu.memory_space<vmem>> -> memref<1x1x1x128xi32, #tpu.memory_space<vmem>>
      %dma_start3A_193 = tpu.memref_squeeze %dma_start3A_192 : memref<1x1x1x128xi32, #tpu.memory_space<vmem>> -> memref<128xi32, #tpu.memory_space<vmem>>
      %dma_start3A_194 = arith.constant 0 : i32
      %dma_start3A_195 = arith.constant 0 : i32
      %dma_start3A_196 = tpu.memref_slice %arg2[%dma_start3A_194, %dma_start3A_195] : memref<10240x128xf32, #tpu.memory_space<hbm>> -> memref<10240x128xf32, #tpu.memory_space<hbm>>
      tpu.enqueue_indirect_dma source(%dma_start3A_196 : memref<10240x128xf32, #tpu.memory_space<hbm>>) target(%arg8 : memref<128x128xf32, #tpu.memory_space<vmem>>) offsets(%dma_start3A_193 : memref<128xi32, #tpu.memory_space<vmem>>) semaphore(%arg11 : memref<!tpu.dma_semaphore, #tpu.memory_space<semaphore_mem>>)
      %dma_wait3A_197 = arith.constant 0 : i32
      %dma_wait3A_198 = arith.constant 0 : i32
      %dma_wait3A_199 = tpu.memref_slice %arg6[%rem3A_157, %rem3A_159, %dma_wait3A_197, %dma_wait3A_198] : memref<2x20x2x128xi32, #tpu.memory_space<vmem>> -> memref<1x1x1x128xi32, #tpu.memory_space<vmem>>
      %dma_wait3A_200 = tpu.memref_squeeze %dma_wait3A_199 : memref<1x1x1x128xi32, #tpu.memory_space<vmem>> -> memref<128xi32, #tpu.memory_space<vmem>>
      %dma_wait3A_201 = arith.constant 0 : i32
      %dma_wait3A_202 = arith.constant 0 : i32
      %dma_wait3A_203 = tpu.memref_slice %arg2[%dma_wait3A_201, %dma_wait3A_202] : memref<10240x128xf32, #tpu.memory_space<hbm>> -> memref<10240x128xf32, #tpu.memory_space<hbm>>
      tpu.wait_indirect_dma semaphore(%arg10 : memref<!tpu.dma_semaphore, #tpu.memory_space<semaphore_mem>>) src(%dma_wait3A_203 : memref<10240x128xf32, #tpu.memory_space<hbm>>) dst(%arg7 : memref<128x128xf32, #tpu.memory_space<vmem>>)
      %dma_start3A_204 = arith.constant 1 : i32
      %dma_start3A_205 = arith.constant 0 : i32
      %dma_start3A_206 = tpu.memref_slice %arg6[%rem3A_157, %rem3A_159, %dma_start3A_204, %dma_start3A_205] : memref<2x20x2x128xi32, #tpu.memory_space<vmem>> -> memref<1x1x1x128xi32, #tpu.memory_space<vmem>>
      %dma_start3A_207 = tpu.memref_squeeze %dma_start3A_206 : memref<1x1x1x128xi32, #tpu.memory_space<vmem>> -> memref<128xi32, #tpu.memory_space<vmem>>
      %dma_start3A_208 = arith.constant 0 : i32
      %dma_start3A_209 = arith.constant 0 : i32
      %dma_start3A_210 = tpu.memref_slice %arg9[%dma_start3A_208, %dma_start3A_209] : memref<10240x128xf32, #tpu.memory_space<vmem_shared>> -> memref<10240x128xf32, #tpu.memory_space<vmem_shared>>
      tpu.enqueue_indirect_dma source(%arg7 : memref<128x128xf32, #tpu.memory_space<vmem>>) target(%dma_start3A_210 : memref<10240x128xf32, #tpu.memory_space<vmem_shared>>) offsets(%dma_start3A_207 : memref<128xi32, #tpu.memory_space<vmem>>) semaphore(%arg12 : memref<!tpu.dma_semaphore, #tpu.memory_space<semaphore_mem>>) {add = true}
      %add3A_211 = arith.constant 1 : i32
      %add3A_212 = arith.addi %rem3A_159, %add3A_211 : i32
      %dma_wait3A_213 = arith.constant 0 : i32
      %dma_wait3A_214 = arith.constant 0 : i32
      %dma_wait3A_215 = tpu.memref_slice %arg6[%rem3A_157, %add3A_212, %dma_wait3A_213, %dma_wait3A_214] : memref<2x20x2x128xi32, #tpu.memory_space<vmem>> -> memref<1x1x1x128xi32, #tpu.memory_space<vmem>>
      %dma_wait3A_216 = tpu.memref_squeeze %dma_wait3A_215 : memref<1x1x1x128xi32, #tpu.memory_space<vmem>> -> memref<128xi32, #tpu.memory_space<vmem>>
      %dma_wait3A_217 = arith.constant 0 : i32
      %dma_wait3A_218 = arith.constant 0 : i32
      %dma_wait3A_219 = tpu.memref_slice %arg2[%dma_wait3A_217, %dma_wait3A_218] : memref<10240x128xf32, #tpu.memory_space<hbm>> -> memref<10240x128xf32, #tpu.memory_space<hbm>>
      tpu.wait_indirect_dma semaphore(%arg11 : memref<!tpu.dma_semaphore, #tpu.memory_space<semaphore_mem>>) src(%dma_wait3A_219 : memref<10240x128xf32, #tpu.memory_space<hbm>>) dst(%arg8 : memref<128x128xf32, #tpu.memory_space<vmem>>)
      %add3A_220 = arith.constant 1 : i32
      %add3A_221 = arith.addi %rem3A_159, %add3A_220 : i32
      %dma_start3A_222 = arith.constant 1 : i32
      %dma_start3A_223 = arith.constant 0 : i32
      %dma_start3A_224 = tpu.memref_slice %arg6[%rem3A_157, %add3A_221, %dma_start3A_222, %dma_start3A_223] : memref<2x20x2x128xi32, #tpu.memory_space<vmem>> -> memref<1x1x1x128xi32, #tpu.memory_space<vmem>>
      %dma_start3A_225 = tpu.memref_squeeze %dma_start3A_224 : memref<1x1x1x128xi32, #tpu.memory_space<vmem>> -> memref<128xi32, #tpu.memory_space<vmem>>
      %dma_start3A_226 = arith.constant 0 : i32
      %dma_start3A_227 = arith.constant 0 : i32
      %dma_start3A_228 = tpu.memref_slice %arg9[%dma_start3A_226, %dma_start3A_227] : memref<10240x128xf32, #tpu.memory_space<vmem_shared>> -> memref<10240x128xf32, #tpu.memory_space<vmem_shared>>
      tpu.enqueue_indirect_dma source(%arg8 : memref<128x128xf32, #tpu.memory_space<vmem>>) target(%dma_start3A_228 : memref<10240x128xf32, #tpu.memory_space<vmem_shared>>) offsets(%dma_start3A_225 : memref<128xi32, #tpu.memory_space<vmem>>) semaphore(%arg13 : memref<!tpu.dma_semaphore, #tpu.memory_space<semaphore_mem>>) {add = true}
    }
    %while3A_110 = arith.constant 1 : i32
    scf.for %while3A_151 = %while3A_108 to %while3A_104 step %while3A_110  : i32 {
      %mul3A_152 = arith.constant 2 : i32
      %mul3A_153 = arith.muli %mul3A_152, %while3A_151 : i32
      %div3A_154 = arith.constant 20 : i32
      %div3A_155 = arith.divsi %mul3A_153, %div3A_154 : i32
      %rem3A_156 = arith.constant 2 : i32
      %rem3A_157 = arith.remsi %div3A_155, %rem3A_156 : i32
      %rem3A_158 = arith.constant 20 : i32
      %rem3A_159 = arith.remsi %mul3A_153, %rem3A_158 : i32
      %eq3A_160 = arith.constant 0 : i32
      %eq3A_161 = arith.cmpi eq, %rem3A_159, %eq3A_160 : i32
      %convert_element_type3A = arith.extui %eq3A_161 : i1 to i32
      %cond3A = arith.constant 0 : i32
      %cond3A_162 = arith.cmpi ne, %convert_element_type3A, %cond3A : i32
      scf.if %cond3A_162 {
        %dma_wait3A_229 = arith.constant 0 : i32
        %dma_wait3A_230 = arith.constant 0 : i32
        %dma_wait3A_231 = arith.constant 0 : i32
        %dma_wait3A_232 = arith.constant 0 : i32
        %dma_wait3A_233 = tpu.memref_slice %arg6[%dma_wait3A_229, %dma_wait3A_230, %dma_wait3A_231, %dma_wait3A_232] : memref<2x20x2x128xi32, #tpu.memory_space<vmem>> -> memref<1x20x2x128xi32, #tpu.memory_space<vmem>>
        %dma_wait3A_234 = tpu.memref_squeeze %dma_wait3A_233 : memref<1x20x2x128xi32, #tpu.memory_space<vmem>> -> memref<20x2x128xi32, #tpu.memory_space<vmem>>
        %dma_wait3A_235 = arith.constant 0 : i32
        %dma_wait3A_236 = arith.constant 0 : i32
        %dma_wait3A_237 = tpu.memref_slice %arg3[%select_n3A_8, %dma_wait3A_235, %dma_wait3A_236] : memref<2580x2x128xi32, #tpu.memory_space<hbm>> -> memref<20x2x128xi32, #tpu.memory_space<hbm>>
        %dma_wait3A_238 = arith.constant 0 : i32
        %dma_wait3A_239 = arith.constant 0 : i32
        %dma_wait3A_240 = arith.constant 0 : i32
        %dma_wait3A_241 = tpu.memref_slice %arg6[%dma_wait3A_229, %dma_wait3A_238, %dma_wait3A_239, %dma_wait3A_240] : memref<2x20x2x128xi32, #tpu.memory_space<vmem>> -> memref<1x20x2x128xi32, #tpu.memory_space<vmem>>
        %dma_wait3A_242 = tpu.memref_squeeze %dma_wait3A_241 : memref<1x20x2x128xi32, #tpu.memory_space<vmem>> -> memref<20x2x128xi32, #tpu.memory_space<vmem>>
        %dma_wait3A_243 = arith.constant 0 : i32
        %dma_wait3A_244 = arith.constant 0 : i32
        %dma_wait3A_245 = tpu.memref_slice %arg3[%select_n3A_8, %dma_wait3A_243, %dma_wait3A_244] : memref<2580x2x128xi32, #tpu.memory_space<hbm>> -> memref<20x2x128xi32, #tpu.memory_space<hbm>>
        tpu.wait_dma2 semaphore(%arg14 : memref<!tpu.dma_semaphore, #tpu.memory_space<semaphore_mem>>) src(%dma_wait3A_245 : memref<20x2x128xi32, #tpu.memory_space<hbm>>) dst(%dma_wait3A_242 : memref<20x2x128xi32, #tpu.memory_space<vmem>>)
        %add3A_246 = arith.addi %select_n3A_8, %mul3A_153 : i32
        %add3A_247 = arith.constant 20 : i32
        %add3A_248 = arith.addi %add3A_246, %add3A_247 : i32
        %sub3A_249 = arith.constant 1 : i32
        %sub3A_250 = arith.subi %sub3A_249, %rem3A_157 : i32
        %dma_start3A_251 = arith.constant 0 : i32
        %dma_start3A_252 = arith.constant 0 : i32
        %dma_start3A_253 = arith.constant 0 : i32
        %dma_start3A_254 = tpu.memref_slice %arg6[%sub3A_250, %dma_start3A_251, %dma_start3A_252, %dma_start3A_253] : memref<2x20x2x128xi32, #tpu.memory_space<vmem>> -> memref<1x20x2x128xi32, #tpu.memory_space<vmem>>
        %dma_start3A_255 = tpu.memref_squeeze %dma_start3A_254 : memref<1x20x2x128xi32, #tpu.memory_space<vmem>> -> memref<20x2x128xi32, #tpu.memory_space<vmem>>
        %dma_start3A_256 = arith.constant 0 : i32
        %dma_start3A_257 = arith.constant 0 : i32
        %dma_start3A_258 = tpu.memref_slice %arg3[%add3A_248, %dma_start3A_256, %dma_start3A_257] : memref<2580x2x128xi32, #tpu.memory_space<hbm>> -> memref<20x2x128xi32, #tpu.memory_space<hbm>>
        %dma_start3A_259 = arith.constant 0 : i32
        %dma_start3A_260 = arith.constant 0 : i32
        %dma_start3A_261 = arith.constant 0 : i32
        %dma_start3A_262 = tpu.memref_slice %arg6[%sub3A_250, %dma_start3A_259, %dma_start3A_260, %dma_start3A_261] : memref<2x20x2x128xi32, #tpu.memory_space<vmem>> -> memref<1x20x2x128xi32, #tpu.memory_space<vmem>>
        %dma_start3A_263 = tpu.memref_squeeze %dma_start3A_262 : memref<1x20x2x128xi32, #tpu.memory_space<vmem>> -> memref<20x2x128xi32, #tpu.memory_space<vmem>>
        %dma_start3A_264 = arith.constant 0 : i32
        %dma_start3A_265 = arith.constant 0 : i32
        %dma_start3A_266 = tpu.memref_slice %arg3[%add3A_248, %dma_start3A_264, %dma_start3A_265] : memref<2580x2x128xi32, #tpu.memory_space<hbm>> -> memref<20x2x128xi32, #tpu.memory_space<hbm>>
        tpu.enqueue_dma source(%dma_start3A_266 : memref<20x2x128xi32, #tpu.memory_space<hbm>>) target(%dma_start3A_263 : memref<20x2x128xi32, #tpu.memory_space<vmem>>) target_semaphore(%arg14 : memref<!tpu.dma_semaphore, #tpu.memory_space<semaphore_mem>>)
      } else {
      }
      %dma_wait3A_163 = arith.constant 0 : i32
      %dma_wait3A_164 = arith.constant 0 : i32
      %dma_wait3A_165 = arith.constant 1 : i32
      %dma_wait3A_166 = arith.constant 0 : i32
      %dma_wait3A_167 = tpu.memref_slice %arg6[%dma_wait3A_163, %dma_wait3A_164, %dma_wait3A_165, %dma_wait3A_166] : memref<2x20x2x128xi32, #tpu.memory_space<vmem>> -> memref<1x1x1x128xi32, #tpu.memory_space<vmem>>
      %dma_wait3A_168 = tpu.memref_squeeze %dma_wait3A_167 : memref<1x1x1x128xi32, #tpu.memory_space<vmem>> -> memref<128xi32, #tpu.memory_space<vmem>>
      %dma_wait3A_169 = arith.constant 0 : i32
      %dma_wait3A_170 = arith.constant 0 : i32
      %dma_wait3A_171 = tpu.memref_slice %arg9[%dma_wait3A_169, %dma_wait3A_170] : memref<10240x128xf32, #tpu.memory_space<vmem_shared>> -> memref<10240x128xf32, #tpu.memory_space<vmem_shared>>
      tpu.wait_indirect_dma semaphore(%arg12 : memref<!tpu.dma_semaphore, #tpu.memory_space<semaphore_mem>>) src(%arg7 : memref<128x128xf32, #tpu.memory_space<vmem>>) dst(%dma_wait3A_171 : memref<10240x128xf32, #tpu.memory_space<vmem_shared>>)
      %dma_start3A_172 = arith.constant 0 : i32
      %dma_start3A_173 = arith.constant 0 : i32
      %dma_start3A_174 = tpu.memref_slice %arg6[%rem3A_157, %rem3A_159, %dma_start3A_172, %dma_start3A_173] : memref<2x20x2x128xi32, #tpu.memory_space<vmem>> -> memref<1x1x1x128xi32, #tpu.memory_space<vmem>>
      %dma_start3A_175 = tpu.memref_squeeze %dma_start3A_174 : memref<1x1x1x128xi32, #tpu.memory_space<vmem>> -> memref<128xi32, #tpu.memory_space<vmem>>
      %dma_start3A_176 = arith.constant 0 : i32
      %dma_start3A_177 = arith.constant 0 : i32
      %dma_start3A_178 = tpu.memref_slice %arg2[%dma_start3A_176, %dma_start3A_177] : memref<10240x128xf32, #tpu.memory_space<hbm>> -> memref<10240x128xf32, #tpu.memory_space<hbm>>
      tpu.enqueue_indirect_dma source(%dma_start3A_178 : memref<10240x128xf32, #tpu.memory_space<hbm>>) target(%arg7 : memref<128x128xf32, #tpu.memory_space<vmem>>) offsets(%dma_start3A_175 : memref<128xi32, #tpu.memory_space<vmem>>) semaphore(%arg10 : memref<!tpu.dma_semaphore, #tpu.memory_space<semaphore_mem>>)
      %dma_wait3A_179 = arith.constant 0 : i32
      %dma_wait3A_180 = arith.constant 0 : i32
      %dma_wait3A_181 = arith.constant 1 : i32
      %dma_wait3A_182 = arith.constant 0 : i32
      %dma_wait3A_183 = tpu.memref_slice %arg6[%dma_wait3A_179, %dma_wait3A_180, %dma_wait3A_181, %dma_wait3A_182] : memref<2x20x2x128xi32, #tpu.memory_space<vmem>> -> memref<1x1x1x128xi32, #tpu.memory_space<vmem>>
      %dma_wait3A_184 = tpu.memref_squeeze %dma_wait3A_183 : memref<1x1x1x128xi32, #tpu.memory_space<vmem>> -> memref<128xi32, #tpu.memory_space<vmem>>
      %dma_wait3A_185 = arith.constant 0 : i32
      %dma_wait3A_186 = arith.constant 0 : i32
      %dma_wait3A_187 = tpu.memref_slice %arg9[%dma_wait3A_185, %dma_wait3A_186] : memref<10240x128xf32, #tpu.memory_space<vmem_shared>> -> memref<10240x128xf32, #tpu.memory_space<vmem_shared>>
      tpu.wait_indirect_dma semaphore(%arg13 : memref<!tpu.dma_semaphore, #tpu.memory_space<semaphore_mem>>) src(%arg8 : memref<128x128xf32, #tpu.memory_space<vmem>>) dst(%dma_wait3A_187 : memref<10240x128xf32, #tpu.memory_space<vmem_shared>>)
      %add3A_188 = arith.constant 1 : i32
      %add3A_189 = arith.addi %rem3A_159, %add3A_188 : i32
      %dma_start3A_190 = arith.constant 0 : i32
      %dma_start3A_191 = arith.constant 0 : i32
      %dma_start3A_192 = tpu.memref_slice %arg6[%rem3A_157, %add3A_189, %dma_start3A_190, %dma_start3A_191] : memref<2x20x2x128xi32, #tpu.memory_space<vmem>> -> memref<1x1x1x128xi32, #tpu.memory_space<vmem>>
      %dma_start3A_193 = tpu.memref_squeeze %dma_start3A_192 : memref<1x1x1x128xi32, #tpu.memory_space<vmem>> -> memref<128xi32, #tpu.memory_space<vmem>>
      %dma_start3A_194 = arith.constant 0 : i32
      %dma_start3A_195 = arith.constant 0 : i32
      %dma_start3A_196 = tpu.memref_slice %arg2[%dma_start3A_194, %dma_start3A_195] : memref<10240x128xf32, #tpu.memory_space<hbm>> -> memref<10240x128xf32, #tpu.memory_space<hbm>>
      tpu.enqueue_indirect_dma source(%dma_start3A_196 : memref<10240x128xf32, #tpu.memory_space<hbm>>) target(%arg8 : memref<128x128xf32, #tpu.memory_space<vmem>>) offsets(%dma_start3A_193 : memref<128xi32, #tpu.memory_space<vmem>>) semaphore(%arg11 : memref<!tpu.dma_semaphore, #tpu.memory_space<semaphore_mem>>)
      %dma_wait3A_197 = arith.constant 0 : i32
      %dma_wait3A_198 = arith.constant 0 : i32
      %dma_wait3A_199 = tpu.memref_slice %arg6[%rem3A_157, %rem3A_159, %dma_wait3A_197, %dma_wait3A_198] : memref<2x20x2x128xi32, #tpu.memory_space<vmem>> -> memref<1x1x1x128xi32, #tpu.memory_space<vmem>>
      %dma_wait3A_200 = tpu.memref_squeeze %dma_wait3A_199 : memref<1x1x1x128xi32, #tpu.memory_space<vmem>> -> memref<128xi32, #tpu.memory_space<vmem>>
      %dma_wait3A_201 = arith.constant 0 : i32
      %dma_wait3A_202 = arith.constant 0 : i32
      %dma_wait3A_203 = tpu.memref_slice %arg2[%dma_wait3A_201, %dma_wait3A_202] : memref<10240x128xf32, #tpu.memory_space<hbm>> -> memref<10240x128xf32, #tpu.memory_space<hbm>>
      tpu.wait_indirect_dma semaphore(%arg10 : memref<!tpu.dma_semaphore, #tpu.memory_space<semaphore_mem>>) src(%dma_wait3A_203 : memref<10240x128xf32, #tpu.memory_space<hbm>>) dst(%arg7 : memref<128x128xf32, #tpu.memory_space<vmem>>)
      %dma_start3A_204 = arith.constant 1 : i32
      %dma_start3A_205 = arith.constant 0 : i32
      %dma_start3A_206 = tpu.memref_slice %arg6[%rem3A_157, %rem3A_159, %dma_start3A_204, %dma_start3A_205] : memref<2x20x2x128xi32, #tpu.memory_space<vmem>> -> memref<1x1x1x128xi32, #tpu.memory_space<vmem>>
      %dma_start3A_207 = tpu.memref_squeeze %dma_start3A_206 : memref<1x1x1x128xi32, #tpu.memory_space<vmem>> -> memref<128xi32, #tpu.memory_space<vmem>>
      %dma_start3A_208 = arith.constant 0 : i32
      %dma_start3A_209 = arith.constant 0 : i32
      %dma_start3A_210 = tpu.memref_slice %arg9[%dma_start3A_208, %dma_start3A_209] : memref<10240x128xf32, #tpu.memory_space<vmem_shared>> -> memref<10240x128xf32, #tpu.memory_space<vmem_shared>>
      tpu.enqueue_indirect_dma source(%arg7 : memref<128x128xf32, #tpu.memory_space<vmem>>) target(%dma_start3A_210 : memref<10240x128xf32, #tpu.memory_space<vmem_shared>>) offsets(%dma_start3A_207 : memref<128xi32, #tpu.memory_space<vmem>>) semaphore(%arg12 : memref<!tpu.dma_semaphore, #tpu.memory_space<semaphore_mem>>) {add = true}
      %add3A_211 = arith.constant 1 : i32
      %add3A_212 = arith.addi %rem3A_159, %add3A_211 : i32
      %dma_wait3A_213 = arith.constant 0 : i32
      %dma_wait3A_214 = arith.constant 0 : i32
      %dma_wait3A_215 = tpu.memref_slice %arg6[%rem3A_157, %add3A_212, %dma_wait3A_213, %dma_wait3A_214] : memref<2x20x2x128xi32, #tpu.memory_space<vmem>> -> memref<1x1x1x128xi32, #tpu.memory_space<vmem>>
      %dma_wait3A_216 = tpu.memref_squeeze %dma_wait3A_215 : memref<1x1x1x128xi32, #tpu.memory_space<vmem>> -> memref<128xi32, #tpu.memory_space<vmem>>
      %dma_wait3A_217 = arith.constant 0 : i32
      %dma_wait3A_218 = arith.constant 0 : i32
      %dma_wait3A_219 = tpu.memref_slice %arg2[%dma_wait3A_217, %dma_wait3A_218] : memref<10240x128xf32, #tpu.memory_space<hbm>> -> memref<10240x128xf32, #tpu.memory_space<hbm>>
      tpu.wait_indirect_dma semaphore(%arg11 : memref<!tpu.dma_semaphore, #tpu.memory_space<semaphore_mem>>) src(%dma_wait3A_219 : memref<10240x128xf32, #tpu.memory_space<hbm>>) dst(%arg8 : memref<128x128xf32, #tpu.memory_space<vmem>>)
      %add3A_220 = arith.constant 1 : i32
      %add3A_221 = arith.addi %rem3A_159, %add3A_220 : i32
      %dma_start3A_222 = arith.constant 1 : i32
      %dma_start3A_223 = arith.constant 0 : i32
      %dma_start3A_224 = tpu.memref_slice %arg6[%rem3A_157, %add3A_221, %dma_start3A_222, %dma_start3A_223] : memref<2x20x2x128xi32, #tpu.memory_space<vmem>> -> memref<1x1x1x128xi32, #tpu.memory_space<vmem>>
      %dma_start3A_225 = tpu.memref_squeeze %dma_start3A_224 : memref<1x1x1x128xi32, #tpu.memory_space<vmem>> -> memref<128xi32, #tpu.memory_space<vmem>>
      %dma_start3A_226 = arith.constant 0 : i32
      %dma_start3A_227 = arith.constant 0 : i32
      %dma_start3A_228 = tpu.memref_slice %arg9[%dma_start3A_226, %dma_start3A_227] : memref<10240x128xf32, #tpu.memory_space<vmem_shared>> -> memref<10240x128xf32, #tpu.memory_space<vmem_shared>>
      tpu.enqueue_indirect_dma source(%arg8 : memref<128x128xf32, #tpu.memory_space<vmem>>) target(%dma_start3A_228 : memref<10240x128xf32, #tpu.memory_space<vmem_shared>>) offsets(%dma_start3A_225 : memref<128xi32, #tpu.memory_space<vmem>>) semaphore(%arg13 : memref<!tpu.dma_semaphore, #tpu.memory_space<semaphore_mem>>) {add = true}
    }
    %dma_wait3A_111 = arith.constant 0 : i32
    %dma_wait3A_112 = arith.constant 0 : i32
    %dma_wait3A_113 = arith.constant 1 : i32
    %dma_wait3A_114 = arith.constant 0 : i32
    %dma_wait3A_115 = tpu.memref_slice %arg6[%dma_wait3A_111, %dma_wait3A_112, %dma_wait3A_113, %dma_wait3A_114] : memref<2x20x2x128xi32, #tpu.memory_space<vmem>> -> memref<1x1x1x128xi32, #tpu.memory_space<vmem>>
    %dma_wait3A_116 = tpu.memref_squeeze %dma_wait3A_115 : memref<1x1x1x128xi32, #tpu.memory_space<vmem>> -> memref<128xi32, #tpu.memory_space<vmem>>
    %dma_wait3A_117 = arith.constant 0 : i32
    %dma_wait3A_118 = arith.constant 0 : i32
    %dma_wait3A_119 = tpu.memref_slice %arg9[%dma_wait3A_117, %dma_wait3A_118] : memref<10240x128xf32, #tpu.memory_space<vmem_shared>> -> memref<10240x128xf32, #tpu.memory_space<vmem_shared>>
    tpu.wait_indirect_dma semaphore(%arg12 : memref<!tpu.dma_semaphore, #tpu.memory_space<semaphore_mem>>) src(%arg7 : memref<128x128xf32, #tpu.memory_space<vmem>>) dst(%dma_wait3A_119 : memref<10240x128xf32, #tpu.memory_space<vmem_shared>>)
    %dma_wait3A_120 = arith.constant 0 : i32
    %dma_wait3A_121 = arith.constant 0 : i32
    %dma_wait3A_122 = arith.constant 1 : i32
    %dma_wait3A_123 = arith.constant 0 : i32
    %dma_wait3A_124 = tpu.memref_slice %arg6[%dma_wait3A_120, %dma_wait3A_121, %dma_wait3A_122, %dma_wait3A_123] : memref<2x20x2x128xi32, #tpu.memory_space<vmem>> -> memref<1x1x1x128xi32, #tpu.memory_space<vmem>>
    %dma_wait3A_125 = tpu.memref_squeeze %dma_wait3A_124 : memref<1x1x1x128xi32, #tpu.memory_space<vmem>> -> memref<128xi32, #tpu.memory_space<vmem>>
    %dma_wait3A_126 = arith.constant 0 : i32
    %dma_wait3A_127 = arith.constant 0 : i32
    %dma_wait3A_128 = tpu.memref_slice %arg9[%dma_wait3A_126, %dma_wait3A_127] : memref<10240x128xf32, #tpu.memory_space<vmem_shared>> -> memref<10240x128xf32, #tpu.memory_space<vmem_shared>>
    tpu.wait_indirect_dma semaphore(%arg13 : memref<!tpu.dma_semaphore, #tpu.memory_space<semaphore_mem>>) src(%arg8 : memref<128x128xf32, #tpu.memory_space<vmem>>) dst(%dma_wait3A_128 : memref<10240x128xf32, #tpu.memory_space<vmem_shared>>)
    %dma_wait3A_129 = arith.constant 0 : i32
    %dma_wait3A_130 = arith.constant 0 : i32
    %dma_wait3A_131 = arith.constant 0 : i32
    %dma_wait3A_132 = arith.constant 0 : i32
    %dma_wait3A_133 = tpu.memref_slice %arg6[%dma_wait3A_129, %dma_wait3A_130, %dma_wait3A_131, %dma_wait3A_132] : memref<2x20x2x128xi32, #tpu.memory_space<vmem>> -> memref<1x20x2x128xi32, #tpu.memory_space<vmem>>
    %dma_wait3A_134 = tpu.memref_squeeze %dma_wait3A_133 : memref<1x20x2x128xi32, #tpu.memory_space<vmem>> -> memref<20x2x128xi32, #tpu.memory_space<vmem>>
    %dma_wait3A_135 = arith.constant 0 : i32
    %dma_wait3A_136 = arith.constant 0 : i32
    %dma_wait3A_137 = tpu.memref_slice %arg3[%select_n3A_8, %dma_wait3A_135, %dma_wait3A_136] : memref<2580x2x128xi32, #tpu.memory_space<hbm>> -> memref<20x2x128xi32, #tpu.memory_space<hbm>>
    %dma_wait3A_138 = arith.constant 0 : i32
    %dma_wait3A_139 = arith.constant 0 : i32
    %dma_wait3A_140 = arith.constant 0 : i32
    %dma_wait3A_141 = tpu.memref_slice %arg6[%dma_wait3A_129, %dma_wait3A_138, %dma_wait3A_139, %dma_wait3A_140] : memref<2x20x2x128xi32, #tpu.memory_space<vmem>> -> memref<1x20x2x128xi32, #tpu.memory_space<vmem>>
    %dma_wait3A_142 = tpu.memref_squeeze %dma_wait3A_141 : memref<1x20x2x128xi32, #tpu.memory_space<vmem>> -> memref<20x2x128xi32, #tpu.memory_space<vmem>>
    %dma_wait3A_143 = arith.constant 0 : i32
    %dma_wait3A_144 = arith.constant 0 : i32
    %dma_wait3A_145 = tpu.memref_slice %arg3[%select_n3A_8, %dma_wait3A_143, %dma_wait3A_144] : memref<2580x2x128xi32, #tpu.memory_space<hbm>> -> memref<20x2x128xi32, #tpu.memory_space<hbm>>
    tpu.wait_dma2 semaphore(%arg14 : memref<!tpu.dma_semaphore, #tpu.memory_space<semaphore_mem>>) src(%dma_wait3A_145 : memref<20x2x128xi32, #tpu.memory_space<hbm>>) dst(%dma_wait3A_142 : memref<20x2x128xi32, #tpu.memory_space<vmem>>)
    %barrier3A_146 = arith.constant 0 : index
    tpu.barrier barrier_id(%barrier3A_146)
    %mul3A_147 = arith.constant 640 : i32
    %mul3A_148 = arith.muli %arg1, %mul3A_147 : i32
    %mul3A_149 = arith.constant 640 : i32
    %mul3A_150 = arith.muli %arg1, %mul3A_149 : i32
    "tpu.region"() ({
      %run_scoped3A_151 = tpu.sem_alloc : memref<!tpu.dma_semaphore, #tpu.memory_space<semaphore_mem>>
      %dma_start3A_152 = arith.constant 0 : i32
      %dma_start3A_153 = arith.constant 0 : i32
      %dma_start3A_154 = tpu.memref_slice %arg5[%arg0, %dma_start3A_152, %dma_start3A_153] : memref<2x10240x128xf32, #tpu.memory_space<hbm>> -> memref<1x10240x128xf32, #tpu.memory_space<hbm>>
      %dma_start3A_155 = tpu.memref_squeeze %dma_start3A_154 : memref<1x10240x128xf32, #tpu.memory_space<hbm>> -> memref<10240x128xf32, #tpu.memory_space<hbm>>
      %dma_start3A_156 = arith.constant 0 : i32
      %dma_start3A_157 = tpu.memref_slice %dma_start3A_155[%mul3A_150, %dma_start3A_156] : memref<10240x128xf32, #tpu.memory_space<hbm>> -> memref<640x128xf32, #tpu.memory_space<hbm>>
      %dma_start3A_158 = arith.constant 0 : i32
      %dma_start3A_159 = tpu.memref_slice %arg9[%mul3A_148, %dma_start3A_158] : memref<10240x128xf32, #tpu.memory_space<vmem_shared>> -> memref<640x128xf32, #tpu.memory_space<vmem_shared>>
      tpu.enqueue_dma source(%dma_start3A_159 : memref<640x128xf32, #tpu.memory_space<vmem_shared>>) target(%dma_start3A_157 : memref<640x128xf32, #tpu.memory_space<hbm>>) target_semaphore(%run_scoped3A_151 : memref<!tpu.dma_semaphore, #tpu.memory_space<semaphore_mem>>)
      %dma_wait3A_160 = arith.constant 0 : i32
      %dma_wait3A_161 = arith.constant 0 : i32
      %dma_wait3A_162 = tpu.memref_slice %arg5[%arg0, %dma_wait3A_160, %dma_wait3A_161] : memref<2x10240x128xf32, #tpu.memory_space<hbm>> -> memref<1x10240x128xf32, #tpu.memory_space<hbm>>
      %dma_wait3A_163 = tpu.memref_squeeze %dma_wait3A_162 : memref<1x10240x128xf32, #tpu.memory_space<hbm>> -> memref<10240x128xf32, #tpu.memory_space<hbm>>
      %dma_wait3A_164 = arith.constant 0 : i32
      %dma_wait3A_165 = tpu.memref_slice %dma_wait3A_163[%mul3A_150, %dma_wait3A_164] : memref<10240x128xf32, #tpu.memory_space<hbm>> -> memref<640x128xf32, #tpu.memory_space<hbm>>
      %dma_wait3A_166 = arith.constant 0 : i32
      %dma_wait3A_167 = tpu.memref_slice %arg9[%mul3A_148, %dma_wait3A_166] : memref<10240x128xf32, #tpu.memory_space<vmem_shared>> -> memref<640x128xf32, #tpu.memory_space<vmem_shared>>
      tpu.wait_dma2 semaphore(%run_scoped3A_151 : memref<!tpu.dma_semaphore, #tpu.memory_space<semaphore_mem>>) src(%dma_wait3A_167 : memref<640x128xf32, #tpu.memory_space<vmem_shared>>) dst(%dma_wait3A_165 : memref<640x128xf32, #tpu.memory_space<hbm>>)
      tpu.yield
    }) : () -> ()
    return
  }
}

#map = affine_map<(d0, d1) -> (0, 0)>
#map1 = affine_map<(d0, d1) -> (0, 0, 0)>
module attributes {stable_mosaic.version = 14 : i64} {
  func.func @_scatter_body(%arg0: i32, %arg1: i32, %arg2: memref<10240x128xf32, #tpu.memory_space<hbm>>, %arg3: memref<2580x2x128xi32, #tpu.memory_space<hbm>>, %arg4: memref<10240x128xf32, #tpu.memory_space<hbm>>, %arg5: memref<2x10240x128xf32, #tpu.memory_space<hbm>>, %arg6: memref<2x20x2x128xi32, #tpu.memory_space<vmem>>, %arg7: memref<128x128xf32, #tpu.memory_space<vmem>>, %arg8: memref<128x128xf32, #tpu.memory_space<vmem>>, %arg9: memref<10240x128xf32, #tpu.memory_space<vmem_shared>>, %arg10: memref<!tpu.dma_semaphore, #tpu.memory_space<semaphore_mem>>, %arg11: memref<!tpu.dma_semaphore, #tpu.memory_space<semaphore_mem>>, %arg12: memref<!tpu.dma_semaphore, #tpu.memory_space<semaphore_mem>>, %arg13: memref<!tpu.dma_semaphore, #tpu.memory_space<semaphore_mem>>, %arg14: memref<!tpu.dma_semaphore, #tpu.memory_space<semaphore_mem>>) attributes {dimension_semantics = [#tpu.dimension_semantics<core_parallel>, #tpu.dimension_semantics<subcore_parallel>], iteration_bounds = array<i64: 2, 16>, scalar_prefetch = 0 : i64, scratch_operands = 9 : i64, tpu.core_type = #tpu.core_type<sc_vector_subcore>, window_params = [{transform_indices = #map}, {transform_indices = #map1}, {transform_indices = #map}, {transform_indices = #map1}]} {
    %eq3A = arith.constant 0 : i32
    %eq3A_0 = arith.cmpi eq, %arg0, %eq3A : i32
    %jit3A = arith.constant 140 : i32
    %jit3A_1 = arith.constant 20 : i32
    %select_n3A = arith.select %eq3A_0, %jit3A, %jit3A_1 : i32
    %eq3A_2 = arith.constant 0 : i32
    %eq3A_3 = arith.cmpi eq, %arg0, %eq3A_2 : i32
    %mul3A = arith.constant 140 : i32
    %mul3A_4 = arith.muli %arg1, %mul3A : i32
    %mul3A_5 = arith.constant 20 : i32
    %mul3A_6 = arith.muli %arg1, %mul3A_5 : i32
    %add3A = arith.constant 2240 : i32
    %add3A_7 = arith.addi %add3A, %mul3A_6 : i32
    %select_n3A_8 = arith.select %eq3A_3, %mul3A_4, %add3A_7 : i32
    %mul3A_9 = arith.constant 640 : i32
    %mul3A_10 = arith.muli %arg1, %mul3A_9 : i32
    %mul3A_11 = arith.constant 640 : i32
    %mul3A_12 = arith.muli %arg1, %mul3A_11 : i32
    "tpu.region"() ({
      %run_scoped3A_151 = tpu.sem_alloc : memref<!tpu.dma_semaphore, #tpu.memory_space<semaphore_mem>>
      %dma_start3A_152 = arith.constant 0 : i32
      %dma_start3A_153 = tpu.memref_slice %arg9[%mul3A_12, %dma_start3A_152] : memref<10240x128xf32, #tpu.memory_space<vmem_shared>> -> memref<640x128xf32, #tpu.memory_space<vmem_shared>>
      %dma_start3A_154 = arith.constant 0 : i32
      %dma_start3A_155 = tpu.memref_slice %arg4[%mul3A_10, %dma_start3A_154] : memref<10240x128xf32, #tpu.memory_space<hbm>> -> memref<640x128xf32, #tpu.memory_space<hbm>>
      tpu.enqueue_dma source(%dma_start3A_155 : memref<640x128xf32, #tpu.memory_space<hbm>>) target(%dma_start3A_153 : memref<640x128xf32, #tpu.memory_space<vmem_shared>>) target_semaphore(%run_scoped3A_151 : memref<!tpu.dma_semaphore, #tpu.memory_space<semaphore_mem>>)
      %dma_wait3A_156 = arith.constant 0 : i32
      %dma_wait3A_157 = tpu.memref_slice %arg9[%mul3A_12, %dma_wait3A_156] : memref<10240x128xf32, #tpu.memory_space<vmem_shared>> -> memref<640x128xf32, #tpu.memory_space<vmem_shared>>
      %dma_wait3A_158 = arith.constant 0 : i32
      %dma_wait3A_159 = tpu.memref_slice %arg4[%mul3A_10, %dma_wait3A_158] : memref<10240x128xf32, #tpu.memory_space<hbm>> -> memref<640x128xf32, #tpu.memory_space<hbm>>
      tpu.wait_dma2 semaphore(%run_scoped3A_151 : memref<!tpu.dma_semaphore, #tpu.memory_space<semaphore_mem>>) src(%dma_wait3A_159 : memref<640x128xf32, #tpu.memory_space<hbm>>) dst(%dma_wait3A_157 : memref<640x128xf32, #tpu.memory_space<vmem_shared>>)
      tpu.yield
    }) : () -> ()
    %run_scoped3A = arith.constant 0 : i32
    "tpu.region"() ({
      %run_scoped3A_151 = tpu.sem_alloc : memref<!tpu.dma_semaphore, #tpu.memory_space<semaphore_mem>>
      %dma_start3A_152 = arith.constant 0 : i32
      %dma_start3A_153 = arith.constant 0 : i32
      %dma_start3A_154 = arith.constant 0 : i32
      %dma_start3A_155 = tpu.memref_slice %arg6[%run_scoped3A, %dma_start3A_152, %dma_start3A_153, %dma_start3A_154] : memref<2x20x2x128xi32, #tpu.memory_space<vmem>> -> memref<1x20x2x128xi32, #tpu.memory_space<vmem>>
      %dma_start3A_156 = tpu.memref_squeeze %dma_start3A_155 : memref<1x20x2x128xi32, #tpu.memory_space<vmem>> -> memref<20x2x128xi32, #tpu.memory_space<vmem>>
      %dma_start3A_157 = arith.constant 0 : i32
      %dma_start3A_158 = arith.constant 0 : i32
      %dma_start3A_159 = tpu.memref_slice %arg3[%select_n3A_8, %dma_start3A_157, %dma_start3A_158] : memref<2580x2x128xi32, #tpu.memory_space<hbm>> -> memref<20x2x128xi32, #tpu.memory_space<hbm>>
      %dma_start3A_160 = arith.constant 0 : i32
      %dma_start3A_161 = arith.constant 0 : i32
      %dma_start3A_162 = arith.constant 0 : i32
      %dma_start3A_163 = tpu.memref_slice %arg6[%run_scoped3A, %dma_start3A_160, %dma_start3A_161, %dma_start3A_162] : memref<2x20x2x128xi32, #tpu.memory_space<vmem>> -> memref<1x20x2x128xi32, #tpu.memory_space<vmem>>
      %dma_start3A_164 = tpu.memref_squeeze %dma_start3A_163 : memref<1x20x2x128xi32, #tpu.memory_space<vmem>> -> memref<20x2x128xi32, #tpu.memory_space<vmem>>
      %dma_start3A_165 = arith.constant 0 : i32
      %dma_start3A_166 = arith.constant 0 : i32
      %dma_start3A_167 = tpu.memref_slice %arg3[%select_n3A_8, %dma_start3A_165, %dma_start3A_166] : memref<2580x2x128xi32, #tpu.memory_space<hbm>> -> memref<20x2x128xi32, #tpu.memory_space<hbm>>
      tpu.enqueue_dma source(%dma_start3A_167 : memref<20x2x128xi32, #tpu.memory_space<hbm>>) target(%dma_start3A_164 : memref<20x2x128xi32, #tpu.memory_space<vmem>>) target_semaphore(%run_scoped3A_151 : memref<!tpu.dma_semaphore, #tpu.memory_space<semaphore_mem>>)
      %dma_wait3A_168 = arith.constant 0 : i32
      %dma_wait3A_169 = arith.constant 0 : i32
      %dma_wait3A_170 = arith.constant 0 : i32
      %dma_wait3A_171 = tpu.memref_slice %arg6[%run_scoped3A, %dma_wait3A_168, %dma_wait3A_169, %dma_wait3A_170] : memref<2x20x2x128xi32, #tpu.memory_space<vmem>> -> memref<1x20x2x128xi32, #tpu.memory_space<vmem>>
      %dma_wait3A_172 = tpu.memref_squeeze %dma_wait3A_171 : memref<1x20x2x128xi32, #tpu.memory_space<vmem>> -> memref<20x2x128xi32, #tpu.memory_space<vmem>>
      %dma_wait3A_173 = arith.constant 0 : i32
      %dma_wait3A_174 = arith.constant 0 : i32
      %dma_wait3A_175 = tpu.memref_slice %arg3[%select_n3A_8, %dma_wait3A_173, %dma_wait3A_174] : memref<2580x2x128xi32, #tpu.memory_space<hbm>> -> memref<20x2x128xi32, #tpu.memory_space<hbm>>
      %dma_wait3A_176 = arith.constant 0 : i32
      %dma_wait3A_177 = arith.constant 0 : i32
      %dma_wait3A_178 = arith.constant 0 : i32
      %dma_wait3A_179 = tpu.memref_slice %arg6[%run_scoped3A, %dma_wait3A_176, %dma_wait3A_177, %dma_wait3A_178] : memref<2x20x2x128xi32, #tpu.memory_space<vmem>> -> memref<1x20x2x128xi32, #tpu.memory_space<vmem>>
      %dma_wait3A_180 = tpu.memref_squeeze %dma_wait3A_179 : memref<1x20x2x128xi32, #tpu.memory_space<vmem>> -> memref<20x2x128xi32, #tpu.memory_space<vmem>>
      %dma_wait3A_181 = arith.constant 0 : i32
      %dma_wait3A_182 = arith.constant 0 : i32
      %dma_wait3A_183 = tpu.memref_slice %arg3[%select_n3A_8, %dma_wait3A_181, %dma_wait3A_182] : memref<2580x2x128xi32, #tpu.memory_space<hbm>> -> memref<20x2x128xi32, #tpu.memory_space<hbm>>
      tpu.wait_dma2 semaphore(%run_scoped3A_151 : memref<!tpu.dma_semaphore, #tpu.memory_space<semaphore_mem>>) src(%dma_wait3A_183 : memref<20x2x128xi32, #tpu.memory_space<hbm>>) dst(%dma_wait3A_180 : memref<20x2x128xi32, #tpu.memory_space<vmem>>)
      tpu.yield
    }) : () -> ()
    %add3A_13 = arith.constant 20 : i32
    %add3A_14 = arith.addi %select_n3A_8, %add3A_13 : i32
    %dma_start3A = arith.constant 1 : i32
    %dma_start3A_15 = arith.constant 0 : i32
    %dma_start3A_16 = arith.constant 0 : i32
    %dma_start3A_17 = arith.constant 0 : i32
    %dma_start3A_18 = tpu.memref_slice %arg6[%dma_start3A, %dma_start3A_15, %dma_start3A_16, %dma_start3A_17] : memref<2x20x2x128xi32, #tpu.memory_space<vmem>> -> memref<1x20x2x128xi32, #tpu.memory_space<vmem>>
    %dma_start3A_19 = tpu.memref_squeeze %dma_start3A_18 : memref<1x20x2x128xi32, #tpu.memory_space<vmem>> -> memref<20x2x128xi32, #tpu.memory_space<vmem>>
    %dma_start3A_20 = arith.constant 0 : i32
    %dma_start3A_21 = arith.constant 0 : i32
    %dma_start3A_22 = tpu.memref_slice %arg3[%add3A_14, %dma_start3A_20, %dma_start3A_21] : memref<2580x2x128xi32, #tpu.memory_space<hbm>> -> memref<20x2x128xi32, #tpu.memory_space<hbm>>
    %dma_start3A_23 = arith.constant 0 : i32
    %dma_start3A_24 = arith.constant 0 : i32
    %dma_start3A_25 = arith.constant 0 : i32
    %dma_start3A_26 = tpu.memref_slice %arg6[%dma_start3A, %dma_start3A_23, %dma_start3A_24, %dma_start3A_25] : memref<2x20x2x128xi32, #tpu.memory_space<vmem>> -> memref<1x20x2x128xi32, #tpu.memory_space<vmem>>
    %dma_start3A_27 = tpu.memref_squeeze %dma_start3A_26 : memref<1x20x2x128xi32, #tpu.memory_space<vmem>> -> memref<20x2x128xi32, #tpu.memory_space<vmem>>
    %dma_start3A_28 = arith.constant 0 : i32
    %dma_start3A_29 = arith.constant 0 : i32
    %dma_start3A_30 = tpu.memref_slice %arg3[%add3A_14, %dma_start3A_28, %dma_start3A_29] : memref<2580x2x128xi32, #tpu.memory_space<hbm>> -> memref<20x2x128xi32, #tpu.memory_space<hbm>>
    tpu.enqueue_dma source(%dma_start3A_30 : memref<20x2x128xi32, #tpu.memory_space<hbm>>) target(%dma_start3A_27 : memref<20x2x128xi32, #tpu.memory_space<vmem>>) target_semaphore(%arg14 : memref<!tpu.dma_semaphore, #tpu.memory_space<semaphore_mem>>)
    %barrier3A = arith.constant 0 : index
    tpu.barrier barrier_id(%barrier3A)
    %dma_start3A_31 = arith.constant 0 : i32
    %dma_start3A_32 = arith.constant 0 : i32
    %dma_start3A_33 = arith.constant 0 : i32
    %dma_start3A_34 = arith.constant 0 : i32
    %dma_start3A_35 = tpu.memref_slice %arg6[%dma_start3A_31, %dma_start3A_32, %dma_start3A_33, %dma_start3A_34] : memref<2x20x2x128xi32, #tpu.memory_space<vmem>> -> memref<1x1x1x128xi32, #tpu.memory_space<vmem>>
    %dma_start3A_36 = tpu.memref_squeeze %dma_start3A_35 : memref<1x1x1x128xi32, #tpu.memory_space<vmem>> -> memref<128xi32, #tpu.memory_space<vmem>>
    %dma_start3A_37 = arith.constant 0 : i32
    %dma_start3A_38 = arith.constant 0 : i32
    %dma_start3A_39 = tpu.memref_slice %arg2[%dma_start3A_37, %dma_start3A_38] : memref<10240x128xf32, #tpu.memory_space<hbm>> -> memref<10240x128xf32, #tpu.memory_space<hbm>>
    tpu.enqueue_indirect_dma source(%dma_start3A_39 : memref<10240x128xf32, #tpu.memory_space<hbm>>) target(%arg7 : memref<128x128xf32, #tpu.memory_space<vmem>>) offsets(%dma_start3A_36 : memref<128xi32, #tpu.memory_space<vmem>>) semaphore(%arg10 : memref<!tpu.dma_semaphore, #tpu.memory_space<semaphore_mem>>)
    %dma_start3A_40 = arith.constant 0 : i32
    %dma_start3A_41 = arith.constant 1 : i32
    %dma_start3A_42 = arith.constant 0 : i32
    %dma_start3A_43 = arith.constant 0 : i32
    %dma_start3A_44 = tpu.memref_slice %arg6[%dma_start3A_40, %dma_start3A_41, %dma_start3A_42, %dma_start3A_43] : memref<2x20x2x128xi32, #tpu.memory_space<vmem>> -> memref<1x1x1x128xi32, #tpu.memory_space<vmem>>
    %dma_start3A_45 = tpu.memref_squeeze %dma_start3A_44 : memref<1x1x1x128xi32, #tpu.memory_space<vmem>> -> memref<128xi32, #tpu.memory_space<vmem>>
    %dma_start3A_46 = arith.constant 0 : i32
    %dma_start3A_47 = arith.constant 0 : i32
    %dma_start3A_48 = tpu.memref_slice %arg2[%dma_start3A_46, %dma_start3A_47] : memref<10240x128xf32, #tpu.memory_space<hbm>> -> memref<10240x128xf32, #tpu.memory_space<hbm>>
    tpu.enqueue_indirect_dma source(%dma_start3A_48 : memref<10240x128xf32, #tpu.memory_space<hbm>>) target(%arg8 : memref<128x128xf32, #tpu.memory_space<vmem>>) offsets(%dma_start3A_45 : memref<128xi32, #tpu.memory_space<vmem>>) semaphore(%arg11 : memref<!tpu.dma_semaphore, #tpu.memory_space<semaphore_mem>>)
    %dma_wait3A = arith.constant 0 : i32
    %dma_wait3A_49 = arith.constant 0 : i32
    %dma_wait3A_50 = arith.constant 0 : i32
    %dma_wait3A_51 = arith.constant 0 : i32
    %dma_wait3A_52 = tpu.memref_slice %arg6[%dma_wait3A, %dma_wait3A_49, %dma_wait3A_50, %dma_wait3A_51] : memref<2x20x2x128xi32, #tpu.memory_space<vmem>> -> memref<1x1x1x128xi32, #tpu.memory_space<vmem>>
    %dma_wait3A_53 = tpu.memref_squeeze %dma_wait3A_52 : memref<1x1x1x128xi32, #tpu.memory_space<vmem>> -> memref<128xi32, #tpu.memory_space<vmem>>
    %dma_wait3A_54 = arith.constant 0 : i32
    %dma_wait3A_55 = arith.constant 0 : i32
    %dma_wait3A_56 = tpu.memref_slice %arg2[%dma_wait3A_54, %dma_wait3A_55] : memref<10240x128xf32, #tpu.memory_space<hbm>> -> memref<10240x128xf32, #tpu.memory_space<hbm>>
    tpu.wait_indirect_dma semaphore(%arg10 : memref<!tpu.dma_semaphore, #tpu.memory_space<semaphore_mem>>) src(%dma_wait3A_56 : memref<10240x128xf32, #tpu.memory_space<hbm>>) dst(%arg7 : memref<128x128xf32, #tpu.memory_space<vmem>>)
    %dma_start3A_57 = arith.constant 0 : i32
    %dma_start3A_58 = arith.constant 0 : i32
    %dma_start3A_59 = arith.constant 1 : i32
    %dma_start3A_60 = arith.constant 0 : i32
    %dma_start3A_61 = tpu.memref_slice %arg6[%dma_start3A_57, %dma_start3A_58, %dma_start3A_59, %dma_start3A_60] : memref<2x20x2x128xi32, #tpu.memory_space<vmem>> -> memref<1x1x1x128xi32, #tpu.memory_space<vmem>>
    %dma_start3A_62 = tpu.memref_squeeze %dma_start3A_61 : memref<1x1x1x128xi32, #tpu.memory_space<vmem>> -> memref<128xi32, #tpu.memory_space<vmem>>
    %dma_start3A_63 = arith.constant 0 : i32
    %dma_start3A_64 = arith.constant 0 : i32
    %dma_start3A_65 = tpu.memref_slice %arg9[%dma_start3A_63, %dma_start3A_64] : memref<10240x128xf32, #tpu.memory_space<vmem_shared>> -> memref<10240x128xf32, #tpu.memory_space<vmem_shared>>
    tpu.enqueue_indirect_dma source(%arg7 : memref<128x128xf32, #tpu.memory_space<vmem>>) target(%dma_start3A_65 : memref<10240x128xf32, #tpu.memory_space<vmem_shared>>) offsets(%dma_start3A_62 : memref<128xi32, #tpu.memory_space<vmem>>) semaphore(%arg12 : memref<!tpu.dma_semaphore, #tpu.memory_space<semaphore_mem>>) {add = true}
    %dma_wait3A_66 = arith.constant 0 : i32
    %dma_wait3A_67 = arith.constant 1 : i32
    %dma_wait3A_68 = arith.constant 0 : i32
    %dma_wait3A_69 = arith.constant 0 : i32
    %dma_wait3A_70 = tpu.memref_slice %arg6[%dma_wait3A_66, %dma_wait3A_67, %dma_wait3A_68, %dma_wait3A_69] : memref<2x20x2x128xi32, #tpu.memory_space<vmem>> -> memref<1x1x1x128xi32, #tpu.memory_space<vmem>>
    %dma_wait3A_71 = tpu.memref_squeeze %dma_wait3A_70 : memref<1x1x1x128xi32, #tpu.memory_space<vmem>> -> memref<128xi32, #tpu.memory_space<vmem>>
    %dma_wait3A_72 = arith.constant 0 : i32
    %dma_wait3A_73 = arith.constant 0 : i32
    %dma_wait3A_74 = tpu.memref_slice %arg2[%dma_wait3A_72, %dma_wait3A_73] : memref<10240x128xf32, #tpu.memory_space<hbm>> -> memref<10240x128xf32, #tpu.memory_space<hbm>>
    tpu.wait_indirect_dma semaphore(%arg11 : memref<!tpu.dma_semaphore, #tpu.memory_space<semaphore_mem>>) src(%dma_wait3A_74 : memref<10240x128xf32, #tpu.memory_space<hbm>>) dst(%arg8 : memref<128x128xf32, #tpu.memory_space<vmem>>)
    %dma_start3A_75 = arith.constant 0 : i32
    %dma_start3A_76 = arith.constant 1 : i32
    %dma_start3A_77 = arith.constant 1 : i32
    %dma_start3A_78 = arith.constant 0 : i32
    %dma_start3A_79 = tpu.memref_slice %arg6[%dma_start3A_75, %dma_start3A_76, %dma_start3A_77, %dma_start3A_78] : memref<2x20x2x128xi32, #tpu.memory_space<vmem>> -> memref<1x1x1x128xi32, #tpu.memory_space<vmem>>
    %dma_start3A_80 = tpu.memref_squeeze %dma_start3A_79 : memref<1x1x1x128xi32, #tpu.memory_space<vmem>> -> memref<128xi32, #tpu.memory_space<vmem>>
    %dma_start3A_81 = arith.constant 0 : i32
    %dma_start3A_82 = arith.constant 0 : i32
    %dma_start3A_83 = tpu.memref_slice %arg9[%dma_start3A_81, %dma_start3A_82] : memref<10240x128xf32, #tpu.memory_space<vmem_shared>> -> memref<10240x128xf32, #tpu.memory_space<vmem_shared>>
    tpu.enqueue_indirect_dma source(%arg8 : memref<128x128xf32, #tpu.memory_space<vmem>>) target(%dma_start3A_83 : memref<10240x128xf32, #tpu.memory_space<vmem_shared>>) offsets(%dma_start3A_80 : memref<128xi32, #tpu.memory_space<vmem>>) semaphore(%arg13 : memref<!tpu.dma_semaphore, #tpu.memory_space<semaphore_mem>>) {add = true}
    %jit3A_84 = arith.constant 2 : i32
    %div3A = arith.divsi %select_n3A, %jit3A_84 : i32
    %sign3A = arith.constant 0 : i32
    %sign3A_85 = arith.cmpi sgt, %select_n3A, %sign3A : i32
    %sign3A_86 = arith.extui %sign3A_85 : i1 to i32
    %sign3A_87 = arith.constant 0 : i32
    %sign3A_88 = arith.cmpi slt, %select_n3A, %sign3A_87 : i32
    %sign3A_89 = arith.extui %sign3A_88 : i1 to i32
    %sign3A_90 = arith.subi %sign3A_86, %sign3A_89 : i32
    %sign3A_91 = arith.constant 0 : i32
    %sign3A_92 = arith.cmpi sgt, %jit3A_84, %sign3A_91 : i32
    %sign3A_93 = arith.extui %sign3A_92 : i1 to i32
    %sign3A_94 = arith.constant 0 : i32
    %sign3A_95 = arith.cmpi slt, %jit3A_84, %sign3A_94 : i32
    %sign3A_96 = arith.extui %sign3A_95 : i1 to i32
    %sign3A_97 = arith.subi %sign3A_93, %sign3A_96 : i32
    %ne3A = arith.cmpi ne, %sign3A_90, %sign3A_97 : i32
    %rem3A = arith.remsi %select_n3A, %jit3A_84 : i32
    %ne3A_98 = arith.constant 0 : i32
    %ne3A_99 = arith.cmpi ne, %rem3A, %ne3A_98 : i32
    %and3A = arith.andi %ne3A, %ne3A_99 : i1
    %sub3A = arith.constant 1 : i32
    %sub3A_100 = arith.subi %div3A, %sub3A : i32
    %select_n3A_101 = arith.select %and3A, %sub3A_100, %div3A : i32
    %while3A = arith.constant 0 : i32
    %while3A_102 = arith.constant 1 : i32
    %while3A_103 = arith.subi %select_n3A_101, %while3A_102 : i32
    %while3A_104 = arith.addi %while3A_102, %while3A_103 : i32
    %while3A_105 = arith.constant 1 : i32
    %while3A_106 = arith.divsi %while3A_103, %while3A_105 : i32
    %while3A_107 = arith.muli %while3A_106, %while3A_105 : i32
    %while3A_108 = arith.addi %while3A_102, %while3A_107 : i32
    %while3A_109 = arith.constant 1 : i32
    scf.for %while3A_151 = %while3A_102 to %while3A_108 step %while3A_109  : i32 {
      %mul3A_152 = arith.constant 2 : i32
      %mul3A_153 = arith.muli %mul3A_152, %while3A_151 : i32
      %div3A_154 = arith.constant 20 : i32
      %div3A_155 = arith.divsi %mul3A_153, %div3A_154 : i32
      %rem3A_156 = arith.constant 2 : i32
      %rem3A_157 = arith.remsi %div3A_155, %rem3A_156 : i32
      %rem3A_158 = arith.constant 20 : i32
      %rem3A_159 = arith.remsi %mul3A_153, %rem3A_158 : i32
      %eq3A_160 = arith.constant 0 : i32
      %eq3A_161 = arith.cmpi eq, %rem3A_159, %eq3A_160 : i32
      %convert_element_type3A = arith.extui %eq3A_161 : i1 to i32
      %cond3A = arith.constant 0 : i32
      %cond3A_162 = arith.cmpi ne, %convert_element_type3A, %cond3A : i32
      scf.if %cond3A_162 {
        %dma_wait3A_229 = arith.constant 0 : i32
        %dma_wait3A_230 = arith.constant 0 : i32
        %dma_wait3A_231 = arith.constant 0 : i32
        %dma_wait3A_232 = arith.constant 0 : i32
        %dma_wait3A_233 = tpu.memref_slice %arg6[%dma_wait3A_229, %dma_wait3A_230, %dma_wait3A_231, %dma_wait3A_232] : memref<2x20x2x128xi32, #tpu.memory_space<vmem>> -> memref<1x20x2x128xi32, #tpu.memory_space<vmem>>
        %dma_wait3A_234 = tpu.memref_squeeze %dma_wait3A_233 : memref<1x20x2x128xi32, #tpu.memory_space<vmem>> -> memref<20x2x128xi32, #tpu.memory_space<vmem>>
        %dma_wait3A_235 = arith.constant 0 : i32
        %dma_wait3A_236 = arith.constant 0 : i32
        %dma_wait3A_237 = tpu.memref_slice %arg3[%select_n3A_8, %dma_wait3A_235, %dma_wait3A_236] : memref<2580x2x128xi32, #tpu.memory_space<hbm>> -> memref<20x2x128xi32, #tpu.memory_space<hbm>>
        %dma_wait3A_238 = arith.constant 0 : i32
        %dma_wait3A_239 = arith.constant 0 : i32
        %dma_wait3A_240 = arith.constant 0 : i32
        %dma_wait3A_241 = tpu.memref_slice %arg6[%dma_wait3A_229, %dma_wait3A_238, %dma_wait3A_239, %dma_wait3A_240] : memref<2x20x2x128xi32, #tpu.memory_space<vmem>> -> memref<1x20x2x128xi32, #tpu.memory_space<vmem>>
        %dma_wait3A_242 = tpu.memref_squeeze %dma_wait3A_241 : memref<1x20x2x128xi32, #tpu.memory_space<vmem>> -> memref<20x2x128xi32, #tpu.memory_space<vmem>>
        %dma_wait3A_243 = arith.constant 0 : i32
        %dma_wait3A_244 = arith.constant 0 : i32
        %dma_wait3A_245 = tpu.memref_slice %arg3[%select_n3A_8, %dma_wait3A_243, %dma_wait3A_244] : memref<2580x2x128xi32, #tpu.memory_space<hbm>> -> memref<20x2x128xi32, #tpu.memory_space<hbm>>
        tpu.wait_dma2 semaphore(%arg14 : memref<!tpu.dma_semaphore, #tpu.memory_space<semaphore_mem>>) src(%dma_wait3A_245 : memref<20x2x128xi32, #tpu.memory_space<hbm>>) dst(%dma_wait3A_242 : memref<20x2x128xi32, #tpu.memory_space<vmem>>)
        %add3A_246 = arith.addi %select_n3A_8, %mul3A_153 : i32
        %add3A_247 = arith.constant 20 : i32
        %add3A_248 = arith.addi %add3A_246, %add3A_247 : i32
        %sub3A_249 = arith.constant 1 : i32
        %sub3A_250 = arith.subi %sub3A_249, %rem3A_157 : i32
        %dma_start3A_251 = arith.constant 0 : i32
        %dma_start3A_252 = arith.constant 0 : i32
        %dma_start3A_253 = arith.constant 0 : i32
        %dma_start3A_254 = tpu.memref_slice %arg6[%sub3A_250, %dma_start3A_251, %dma_start3A_252, %dma_start3A_253] : memref<2x20x2x128xi32, #tpu.memory_space<vmem>> -> memref<1x20x2x128xi32, #tpu.memory_space<vmem>>
        %dma_start3A_255 = tpu.memref_squeeze %dma_start3A_254 : memref<1x20x2x128xi32, #tpu.memory_space<vmem>> -> memref<20x2x128xi32, #tpu.memory_space<vmem>>
        %dma_start3A_256 = arith.constant 0 : i32
        %dma_start3A_257 = arith.constant 0 : i32
        %dma_start3A_258 = tpu.memref_slice %arg3[%add3A_248, %dma_start3A_256, %dma_start3A_257] : memref<2580x2x128xi32, #tpu.memory_space<hbm>> -> memref<20x2x128xi32, #tpu.memory_space<hbm>>
        %dma_start3A_259 = arith.constant 0 : i32
        %dma_start3A_260 = arith.constant 0 : i32
        %dma_start3A_261 = arith.constant 0 : i32
        %dma_start3A_262 = tpu.memref_slice %arg6[%sub3A_250, %dma_start3A_259, %dma_start3A_260, %dma_start3A_261] : memref<2x20x2x128xi32, #tpu.memory_space<vmem>> -> memref<1x20x2x128xi32, #tpu.memory_space<vmem>>
        %dma_start3A_263 = tpu.memref_squeeze %dma_start3A_262 : memref<1x20x2x128xi32, #tpu.memory_space<vmem>> -> memref<20x2x128xi32, #tpu.memory_space<vmem>>
        %dma_start3A_264 = arith.constant 0 : i32
        %dma_start3A_265 = arith.constant 0 : i32
        %dma_start3A_266 = tpu.memref_slice %arg3[%add3A_248, %dma_start3A_264, %dma_start3A_265] : memref<2580x2x128xi32, #tpu.memory_space<hbm>> -> memref<20x2x128xi32, #tpu.memory_space<hbm>>
        tpu.enqueue_dma source(%dma_start3A_266 : memref<20x2x128xi32, #tpu.memory_space<hbm>>) target(%dma_start3A_263 : memref<20x2x128xi32, #tpu.memory_space<vmem>>) target_semaphore(%arg14 : memref<!tpu.dma_semaphore, #tpu.memory_space<semaphore_mem>>)
      } else {
      }
      %dma_wait3A_163 = arith.constant 0 : i32
      %dma_wait3A_164 = arith.constant 0 : i32
      %dma_wait3A_165 = arith.constant 1 : i32
      %dma_wait3A_166 = arith.constant 0 : i32
      %dma_wait3A_167 = tpu.memref_slice %arg6[%dma_wait3A_163, %dma_wait3A_164, %dma_wait3A_165, %dma_wait3A_166] : memref<2x20x2x128xi32, #tpu.memory_space<vmem>> -> memref<1x1x1x128xi32, #tpu.memory_space<vmem>>
      %dma_wait3A_168 = tpu.memref_squeeze %dma_wait3A_167 : memref<1x1x1x128xi32, #tpu.memory_space<vmem>> -> memref<128xi32, #tpu.memory_space<vmem>>
      %dma_wait3A_169 = arith.constant 0 : i32
      %dma_wait3A_170 = arith.constant 0 : i32
      %dma_wait3A_171 = tpu.memref_slice %arg9[%dma_wait3A_169, %dma_wait3A_170] : memref<10240x128xf32, #tpu.memory_space<vmem_shared>> -> memref<10240x128xf32, #tpu.memory_space<vmem_shared>>
      tpu.wait_indirect_dma semaphore(%arg12 : memref<!tpu.dma_semaphore, #tpu.memory_space<semaphore_mem>>) src(%arg7 : memref<128x128xf32, #tpu.memory_space<vmem>>) dst(%dma_wait3A_171 : memref<10240x128xf32, #tpu.memory_space<vmem_shared>>)
      %dma_start3A_172 = arith.constant 0 : i32
      %dma_start3A_173 = arith.constant 0 : i32
      %dma_start3A_174 = tpu.memref_slice %arg6[%rem3A_157, %rem3A_159, %dma_start3A_172, %dma_start3A_173] : memref<2x20x2x128xi32, #tpu.memory_space<vmem>> -> memref<1x1x1x128xi32, #tpu.memory_space<vmem>>
      %dma_start3A_175 = tpu.memref_squeeze %dma_start3A_174 : memref<1x1x1x128xi32, #tpu.memory_space<vmem>> -> memref<128xi32, #tpu.memory_space<vmem>>
      %dma_start3A_176 = arith.constant 0 : i32
      %dma_start3A_177 = arith.constant 0 : i32
      %dma_start3A_178 = tpu.memref_slice %arg2[%dma_start3A_176, %dma_start3A_177] : memref<10240x128xf32, #tpu.memory_space<hbm>> -> memref<10240x128xf32, #tpu.memory_space<hbm>>
      tpu.enqueue_indirect_dma source(%dma_start3A_178 : memref<10240x128xf32, #tpu.memory_space<hbm>>) target(%arg7 : memref<128x128xf32, #tpu.memory_space<vmem>>) offsets(%dma_start3A_175 : memref<128xi32, #tpu.memory_space<vmem>>) semaphore(%arg10 : memref<!tpu.dma_semaphore, #tpu.memory_space<semaphore_mem>>)
      %dma_wait3A_179 = arith.constant 0 : i32
      %dma_wait3A_180 = arith.constant 0 : i32
      %dma_wait3A_181 = arith.constant 1 : i32
      %dma_wait3A_182 = arith.constant 0 : i32
      %dma_wait3A_183 = tpu.memref_slice %arg6[%dma_wait3A_179, %dma_wait3A_180, %dma_wait3A_181, %dma_wait3A_182] : memref<2x20x2x128xi32, #tpu.memory_space<vmem>> -> memref<1x1x1x128xi32, #tpu.memory_space<vmem>>
      %dma_wait3A_184 = tpu.memref_squeeze %dma_wait3A_183 : memref<1x1x1x128xi32, #tpu.memory_space<vmem>> -> memref<128xi32, #tpu.memory_space<vmem>>
      %dma_wait3A_185 = arith.constant 0 : i32
      %dma_wait3A_186 = arith.constant 0 : i32
      %dma_wait3A_187 = tpu.memref_slice %arg9[%dma_wait3A_185, %dma_wait3A_186] : memref<10240x128xf32, #tpu.memory_space<vmem_shared>> -> memref<10240x128xf32, #tpu.memory_space<vmem_shared>>
      tpu.wait_indirect_dma semaphore(%arg13 : memref<!tpu.dma_semaphore, #tpu.memory_space<semaphore_mem>>) src(%arg8 : memref<128x128xf32, #tpu.memory_space<vmem>>) dst(%dma_wait3A_187 : memref<10240x128xf32, #tpu.memory_space<vmem_shared>>)
      %add3A_188 = arith.constant 1 : i32
      %add3A_189 = arith.addi %rem3A_159, %add3A_188 : i32
      %dma_start3A_190 = arith.constant 0 : i32
      %dma_start3A_191 = arith.constant 0 : i32
      %dma_start3A_192 = tpu.memref_slice %arg6[%rem3A_157, %add3A_189, %dma_start3A_190, %dma_start3A_191] : memref<2x20x2x128xi32, #tpu.memory_space<vmem>> -> memref<1x1x1x128xi32, #tpu.memory_space<vmem>>
      %dma_start3A_193 = tpu.memref_squeeze %dma_start3A_192 : memref<1x1x1x128xi32, #tpu.memory_space<vmem>> -> memref<128xi32, #tpu.memory_space<vmem>>
      %dma_start3A_194 = arith.constant 0 : i32
      %dma_start3A_195 = arith.constant 0 : i32
      %dma_start3A_196 = tpu.memref_slice %arg2[%dma_start3A_194, %dma_start3A_195] : memref<10240x128xf32, #tpu.memory_space<hbm>> -> memref<10240x128xf32, #tpu.memory_space<hbm>>
      tpu.enqueue_indirect_dma source(%dma_start3A_196 : memref<10240x128xf32, #tpu.memory_space<hbm>>) target(%arg8 : memref<128x128xf32, #tpu.memory_space<vmem>>) offsets(%dma_start3A_193 : memref<128xi32, #tpu.memory_space<vmem>>) semaphore(%arg11 : memref<!tpu.dma_semaphore, #tpu.memory_space<semaphore_mem>>)
      %dma_wait3A_197 = arith.constant 0 : i32
      %dma_wait3A_198 = arith.constant 0 : i32
      %dma_wait3A_199 = tpu.memref_slice %arg6[%rem3A_157, %rem3A_159, %dma_wait3A_197, %dma_wait3A_198] : memref<2x20x2x128xi32, #tpu.memory_space<vmem>> -> memref<1x1x1x128xi32, #tpu.memory_space<vmem>>
      %dma_wait3A_200 = tpu.memref_squeeze %dma_wait3A_199 : memref<1x1x1x128xi32, #tpu.memory_space<vmem>> -> memref<128xi32, #tpu.memory_space<vmem>>
      %dma_wait3A_201 = arith.constant 0 : i32
      %dma_wait3A_202 = arith.constant 0 : i32
      %dma_wait3A_203 = tpu.memref_slice %arg2[%dma_wait3A_201, %dma_wait3A_202] : memref<10240x128xf32, #tpu.memory_space<hbm>> -> memref<10240x128xf32, #tpu.memory_space<hbm>>
      tpu.wait_indirect_dma semaphore(%arg10 : memref<!tpu.dma_semaphore, #tpu.memory_space<semaphore_mem>>) src(%dma_wait3A_203 : memref<10240x128xf32, #tpu.memory_space<hbm>>) dst(%arg7 : memref<128x128xf32, #tpu.memory_space<vmem>>)
      %dma_start3A_204 = arith.constant 1 : i32
      %dma_start3A_205 = arith.constant 0 : i32
      %dma_start3A_206 = tpu.memref_slice %arg6[%rem3A_157, %rem3A_159, %dma_start3A_204, %dma_start3A_205] : memref<2x20x2x128xi32, #tpu.memory_space<vmem>> -> memref<1x1x1x128xi32, #tpu.memory_space<vmem>>
      %dma_start3A_207 = tpu.memref_squeeze %dma_start3A_206 : memref<1x1x1x128xi32, #tpu.memory_space<vmem>> -> memref<128xi32, #tpu.memory_space<vmem>>
      %dma_start3A_208 = arith.constant 0 : i32
      %dma_start3A_209 = arith.constant 0 : i32
      %dma_start3A_210 = tpu.memref_slice %arg9[%dma_start3A_208, %dma_start3A_209] : memref<10240x128xf32, #tpu.memory_space<vmem_shared>> -> memref<10240x128xf32, #tpu.memory_space<vmem_shared>>
      tpu.enqueue_indirect_dma source(%arg7 : memref<128x128xf32, #tpu.memory_space<vmem>>) target(%dma_start3A_210 : memref<10240x128xf32, #tpu.memory_space<vmem_shared>>) offsets(%dma_start3A_207 : memref<128xi32, #tpu.memory_space<vmem>>) semaphore(%arg12 : memref<!tpu.dma_semaphore, #tpu.memory_space<semaphore_mem>>) {add = true}
      %add3A_211 = arith.constant 1 : i32
      %add3A_212 = arith.addi %rem3A_159, %add3A_211 : i32
      %dma_wait3A_213 = arith.constant 0 : i32
      %dma_wait3A_214 = arith.constant 0 : i32
      %dma_wait3A_215 = tpu.memref_slice %arg6[%rem3A_157, %add3A_212, %dma_wait3A_213, %dma_wait3A_214] : memref<2x20x2x128xi32, #tpu.memory_space<vmem>> -> memref<1x1x1x128xi32, #tpu.memory_space<vmem>>
      %dma_wait3A_216 = tpu.memref_squeeze %dma_wait3A_215 : memref<1x1x1x128xi32, #tpu.memory_space<vmem>> -> memref<128xi32, #tpu.memory_space<vmem>>
      %dma_wait3A_217 = arith.constant 0 : i32
      %dma_wait3A_218 = arith.constant 0 : i32
      %dma_wait3A_219 = tpu.memref_slice %arg2[%dma_wait3A_217, %dma_wait3A_218] : memref<10240x128xf32, #tpu.memory_space<hbm>> -> memref<10240x128xf32, #tpu.memory_space<hbm>>
      tpu.wait_indirect_dma semaphore(%arg11 : memref<!tpu.dma_semaphore, #tpu.memory_space<semaphore_mem>>) src(%dma_wait3A_219 : memref<10240x128xf32, #tpu.memory_space<hbm>>) dst(%arg8 : memref<128x128xf32, #tpu.memory_space<vmem>>)
      %add3A_220 = arith.constant 1 : i32
      %add3A_221 = arith.addi %rem3A_159, %add3A_220 : i32
      %dma_start3A_222 = arith.constant 1 : i32
      %dma_start3A_223 = arith.constant 0 : i32
      %dma_start3A_224 = tpu.memref_slice %arg6[%rem3A_157, %add3A_221, %dma_start3A_222, %dma_start3A_223] : memref<2x20x2x128xi32, #tpu.memory_space<vmem>> -> memref<1x1x1x128xi32, #tpu.memory_space<vmem>>
      %dma_start3A_225 = tpu.memref_squeeze %dma_start3A_224 : memref<1x1x1x128xi32, #tpu.memory_space<vmem>> -> memref<128xi32, #tpu.memory_space<vmem>>
      %dma_start3A_226 = arith.constant 0 : i32
      %dma_start3A_227 = arith.constant 0 : i32
      %dma_start3A_228 = tpu.memref_slice %arg9[%dma_start3A_226, %dma_start3A_227] : memref<10240x128xf32, #tpu.memory_space<vmem_shared>> -> memref<10240x128xf32, #tpu.memory_space<vmem_shared>>
      tpu.enqueue_indirect_dma source(%arg8 : memref<128x128xf32, #tpu.memory_space<vmem>>) target(%dma_start3A_228 : memref<10240x128xf32, #tpu.memory_space<vmem_shared>>) offsets(%dma_start3A_225 : memref<128xi32, #tpu.memory_space<vmem>>) semaphore(%arg13 : memref<!tpu.dma_semaphore, #tpu.memory_space<semaphore_mem>>) {add = true}
    }
    %while3A_110 = arith.constant 1 : i32
    scf.for %while3A_151 = %while3A_108 to %while3A_104 step %while3A_110  : i32 {
      %mul3A_152 = arith.constant 2 : i32
      %mul3A_153 = arith.muli %mul3A_152, %while3A_151 : i32
      %div3A_154 = arith.constant 20 : i32
      %div3A_155 = arith.divsi %mul3A_153, %div3A_154 : i32
      %rem3A_156 = arith.constant 2 : i32
      %rem3A_157 = arith.remsi %div3A_155, %rem3A_156 : i32
      %rem3A_158 = arith.constant 20 : i32
      %rem3A_159 = arith.remsi %mul3A_153, %rem3A_158 : i32
      %eq3A_160 = arith.constant 0 : i32
      %eq3A_161 = arith.cmpi eq, %rem3A_159, %eq3A_160 : i32
      %convert_element_type3A = arith.extui %eq3A_161 : i1 to i32
      %cond3A = arith.constant 0 : i32
      %cond3A_162 = arith.cmpi ne, %convert_element_type3A, %cond3A : i32
      scf.if %cond3A_162 {
        %dma_wait3A_229 = arith.constant 0 : i32
        %dma_wait3A_230 = arith.constant 0 : i32
        %dma_wait3A_231 = arith.constant 0 : i32
        %dma_wait3A_232 = arith.constant 0 : i32
        %dma_wait3A_233 = tpu.memref_slice %arg6[%dma_wait3A_229, %dma_wait3A_230, %dma_wait3A_231, %dma_wait3A_232] : memref<2x20x2x128xi32, #tpu.memory_space<vmem>> -> memref<1x20x2x128xi32, #tpu.memory_space<vmem>>
        %dma_wait3A_234 = tpu.memref_squeeze %dma_wait3A_233 : memref<1x20x2x128xi32, #tpu.memory_space<vmem>> -> memref<20x2x128xi32, #tpu.memory_space<vmem>>
        %dma_wait3A_235 = arith.constant 0 : i32
        %dma_wait3A_236 = arith.constant 0 : i32
        %dma_wait3A_237 = tpu.memref_slice %arg3[%select_n3A_8, %dma_wait3A_235, %dma_wait3A_236] : memref<2580x2x128xi32, #tpu.memory_space<hbm>> -> memref<20x2x128xi32, #tpu.memory_space<hbm>>
        %dma_wait3A_238 = arith.constant 0 : i32
        %dma_wait3A_239 = arith.constant 0 : i32
        %dma_wait3A_240 = arith.constant 0 : i32
        %dma_wait3A_241 = tpu.memref_slice %arg6[%dma_wait3A_229, %dma_wait3A_238, %dma_wait3A_239, %dma_wait3A_240] : memref<2x20x2x128xi32, #tpu.memory_space<vmem>> -> memref<1x20x2x128xi32, #tpu.memory_space<vmem>>
        %dma_wait3A_242 = tpu.memref_squeeze %dma_wait3A_241 : memref<1x20x2x128xi32, #tpu.memory_space<vmem>> -> memref<20x2x128xi32, #tpu.memory_space<vmem>>
        %dma_wait3A_243 = arith.constant 0 : i32
        %dma_wait3A_244 = arith.constant 0 : i32
        %dma_wait3A_245 = tpu.memref_slice %arg3[%select_n3A_8, %dma_wait3A_243, %dma_wait3A_244] : memref<2580x2x128xi32, #tpu.memory_space<hbm>> -> memref<20x2x128xi32, #tpu.memory_space<hbm>>
        tpu.wait_dma2 semaphore(%arg14 : memref<!tpu.dma_semaphore, #tpu.memory_space<semaphore_mem>>) src(%dma_wait3A_245 : memref<20x2x128xi32, #tpu.memory_space<hbm>>) dst(%dma_wait3A_242 : memref<20x2x128xi32, #tpu.memory_space<vmem>>)
        %add3A_246 = arith.addi %select_n3A_8, %mul3A_153 : i32
        %add3A_247 = arith.constant 20 : i32
        %add3A_248 = arith.addi %add3A_246, %add3A_247 : i32
        %sub3A_249 = arith.constant 1 : i32
        %sub3A_250 = arith.subi %sub3A_249, %rem3A_157 : i32
        %dma_start3A_251 = arith.constant 0 : i32
        %dma_start3A_252 = arith.constant 0 : i32
        %dma_start3A_253 = arith.constant 0 : i32
        %dma_start3A_254 = tpu.memref_slice %arg6[%sub3A_250, %dma_start3A_251, %dma_start3A_252, %dma_start3A_253] : memref<2x20x2x128xi32, #tpu.memory_space<vmem>> -> memref<1x20x2x128xi32, #tpu.memory_space<vmem>>
        %dma_start3A_255 = tpu.memref_squeeze %dma_start3A_254 : memref<1x20x2x128xi32, #tpu.memory_space<vmem>> -> memref<20x2x128xi32, #tpu.memory_space<vmem>>
        %dma_start3A_256 = arith.constant 0 : i32
        %dma_start3A_257 = arith.constant 0 : i32
        %dma_start3A_258 = tpu.memref_slice %arg3[%add3A_248, %dma_start3A_256, %dma_start3A_257] : memref<2580x2x128xi32, #tpu.memory_space<hbm>> -> memref<20x2x128xi32, #tpu.memory_space<hbm>>
        %dma_start3A_259 = arith.constant 0 : i32
        %dma_start3A_260 = arith.constant 0 : i32
        %dma_start3A_261 = arith.constant 0 : i32
        %dma_start3A_262 = tpu.memref_slice %arg6[%sub3A_250, %dma_start3A_259, %dma_start3A_260, %dma_start3A_261] : memref<2x20x2x128xi32, #tpu.memory_space<vmem>> -> memref<1x20x2x128xi32, #tpu.memory_space<vmem>>
        %dma_start3A_263 = tpu.memref_squeeze %dma_start3A_262 : memref<1x20x2x128xi32, #tpu.memory_space<vmem>> -> memref<20x2x128xi32, #tpu.memory_space<vmem>>
        %dma_start3A_264 = arith.constant 0 : i32
        %dma_start3A_265 = arith.constant 0 : i32
        %dma_start3A_266 = tpu.memref_slice %arg3[%add3A_248, %dma_start3A_264, %dma_start3A_265] : memref<2580x2x128xi32, #tpu.memory_space<hbm>> -> memref<20x2x128xi32, #tpu.memory_space<hbm>>
        tpu.enqueue_dma source(%dma_start3A_266 : memref<20x2x128xi32, #tpu.memory_space<hbm>>) target(%dma_start3A_263 : memref<20x2x128xi32, #tpu.memory_space<vmem>>) target_semaphore(%arg14 : memref<!tpu.dma_semaphore, #tpu.memory_space<semaphore_mem>>)
      } else {
      }
      %dma_wait3A_163 = arith.constant 0 : i32
      %dma_wait3A_164 = arith.constant 0 : i32
      %dma_wait3A_165 = arith.constant 1 : i32
      %dma_wait3A_166 = arith.constant 0 : i32
      %dma_wait3A_167 = tpu.memref_slice %arg6[%dma_wait3A_163, %dma_wait3A_164, %dma_wait3A_165, %dma_wait3A_166] : memref<2x20x2x128xi32, #tpu.memory_space<vmem>> -> memref<1x1x1x128xi32, #tpu.memory_space<vmem>>
      %dma_wait3A_168 = tpu.memref_squeeze %dma_wait3A_167 : memref<1x1x1x128xi32, #tpu.memory_space<vmem>> -> memref<128xi32, #tpu.memory_space<vmem>>
      %dma_wait3A_169 = arith.constant 0 : i32
      %dma_wait3A_170 = arith.constant 0 : i32
      %dma_wait3A_171 = tpu.memref_slice %arg9[%dma_wait3A_169, %dma_wait3A_170] : memref<10240x128xf32, #tpu.memory_space<vmem_shared>> -> memref<10240x128xf32, #tpu.memory_space<vmem_shared>>
      tpu.wait_indirect_dma semaphore(%arg12 : memref<!tpu.dma_semaphore, #tpu.memory_space<semaphore_mem>>) src(%arg7 : memref<128x128xf32, #tpu.memory_space<vmem>>) dst(%dma_wait3A_171 : memref<10240x128xf32, #tpu.memory_space<vmem_shared>>)
      %dma_start3A_172 = arith.constant 0 : i32
      %dma_start3A_173 = arith.constant 0 : i32
      %dma_start3A_174 = tpu.memref_slice %arg6[%rem3A_157, %rem3A_159, %dma_start3A_172, %dma_start3A_173] : memref<2x20x2x128xi32, #tpu.memory_space<vmem>> -> memref<1x1x1x128xi32, #tpu.memory_space<vmem>>
      %dma_start3A_175 = tpu.memref_squeeze %dma_start3A_174 : memref<1x1x1x128xi32, #tpu.memory_space<vmem>> -> memref<128xi32, #tpu.memory_space<vmem>>
      %dma_start3A_176 = arith.constant 0 : i32
      %dma_start3A_177 = arith.constant 0 : i32
      %dma_start3A_178 = tpu.memref_slice %arg2[%dma_start3A_176, %dma_start3A_177] : memref<10240x128xf32, #tpu.memory_space<hbm>> -> memref<10240x128xf32, #tpu.memory_space<hbm>>
      tpu.enqueue_indirect_dma source(%dma_start3A_178 : memref<10240x128xf32, #tpu.memory_space<hbm>>) target(%arg7 : memref<128x128xf32, #tpu.memory_space<vmem>>) offsets(%dma_start3A_175 : memref<128xi32, #tpu.memory_space<vmem>>) semaphore(%arg10 : memref<!tpu.dma_semaphore, #tpu.memory_space<semaphore_mem>>)
      %dma_wait3A_179 = arith.constant 0 : i32
      %dma_wait3A_180 = arith.constant 0 : i32
      %dma_wait3A_181 = arith.constant 1 : i32
      %dma_wait3A_182 = arith.constant 0 : i32
      %dma_wait3A_183 = tpu.memref_slice %arg6[%dma_wait3A_179, %dma_wait3A_180, %dma_wait3A_181, %dma_wait3A_182] : memref<2x20x2x128xi32, #tpu.memory_space<vmem>> -> memref<1x1x1x128xi32, #tpu.memory_space<vmem>>
      %dma_wait3A_184 = tpu.memref_squeeze %dma_wait3A_183 : memref<1x1x1x128xi32, #tpu.memory_space<vmem>> -> memref<128xi32, #tpu.memory_space<vmem>>
      %dma_wait3A_185 = arith.constant 0 : i32
      %dma_wait3A_186 = arith.constant 0 : i32
      %dma_wait3A_187 = tpu.memref_slice %arg9[%dma_wait3A_185, %dma_wait3A_186] : memref<10240x128xf32, #tpu.memory_space<vmem_shared>> -> memref<10240x128xf32, #tpu.memory_space<vmem_shared>>
      tpu.wait_indirect_dma semaphore(%arg13 : memref<!tpu.dma_semaphore, #tpu.memory_space<semaphore_mem>>) src(%arg8 : memref<128x128xf32, #tpu.memory_space<vmem>>) dst(%dma_wait3A_187 : memref<10240x128xf32, #tpu.memory_space<vmem_shared>>)
      %add3A_188 = arith.constant 1 : i32
      %add3A_189 = arith.addi %rem3A_159, %add3A_188 : i32
      %dma_start3A_190 = arith.constant 0 : i32
      %dma_start3A_191 = arith.constant 0 : i32
      %dma_start3A_192 = tpu.memref_slice %arg6[%rem3A_157, %add3A_189, %dma_start3A_190, %dma_start3A_191] : memref<2x20x2x128xi32, #tpu.memory_space<vmem>> -> memref<1x1x1x128xi32, #tpu.memory_space<vmem>>
      %dma_start3A_193 = tpu.memref_squeeze %dma_start3A_192 : memref<1x1x1x128xi32, #tpu.memory_space<vmem>> -> memref<128xi32, #tpu.memory_space<vmem>>
      %dma_start3A_194 = arith.constant 0 : i32
      %dma_start3A_195 = arith.constant 0 : i32
      %dma_start3A_196 = tpu.memref_slice %arg2[%dma_start3A_194, %dma_start3A_195] : memref<10240x128xf32, #tpu.memory_space<hbm>> -> memref<10240x128xf32, #tpu.memory_space<hbm>>
      tpu.enqueue_indirect_dma source(%dma_start3A_196 : memref<10240x128xf32, #tpu.memory_space<hbm>>) target(%arg8 : memref<128x128xf32, #tpu.memory_space<vmem>>) offsets(%dma_start3A_193 : memref<128xi32, #tpu.memory_space<vmem>>) semaphore(%arg11 : memref<!tpu.dma_semaphore, #tpu.memory_space<semaphore_mem>>)
      %dma_wait3A_197 = arith.constant 0 : i32
      %dma_wait3A_198 = arith.constant 0 : i32
      %dma_wait3A_199 = tpu.memref_slice %arg6[%rem3A_157, %rem3A_159, %dma_wait3A_197, %dma_wait3A_198] : memref<2x20x2x128xi32, #tpu.memory_space<vmem>> -> memref<1x1x1x128xi32, #tpu.memory_space<vmem>>
      %dma_wait3A_200 = tpu.memref_squeeze %dma_wait3A_199 : memref<1x1x1x128xi32, #tpu.memory_space<vmem>> -> memref<128xi32, #tpu.memory_space<vmem>>
      %dma_wait3A_201 = arith.constant 0 : i32
      %dma_wait3A_202 = arith.constant 0 : i32
      %dma_wait3A_203 = tpu.memref_slice %arg2[%dma_wait3A_201, %dma_wait3A_202] : memref<10240x128xf32, #tpu.memory_space<hbm>> -> memref<10240x128xf32, #tpu.memory_space<hbm>>
      tpu.wait_indirect_dma semaphore(%arg10 : memref<!tpu.dma_semaphore, #tpu.memory_space<semaphore_mem>>) src(%dma_wait3A_203 : memref<10240x128xf32, #tpu.memory_space<hbm>>) dst(%arg7 : memref<128x128xf32, #tpu.memory_space<vmem>>)
      %dma_start3A_204 = arith.constant 1 : i32
      %dma_start3A_205 = arith.constant 0 : i32
      %dma_start3A_206 = tpu.memref_slice %arg6[%rem3A_157, %rem3A_159, %dma_start3A_204, %dma_start3A_205] : memref<2x20x2x128xi32, #tpu.memory_space<vmem>> -> memref<1x1x1x128xi32, #tpu.memory_space<vmem>>
      %dma_start3A_207 = tpu.memref_squeeze %dma_start3A_206 : memref<1x1x1x128xi32, #tpu.memory_space<vmem>> -> memref<128xi32, #tpu.memory_space<vmem>>
      %dma_start3A_208 = arith.constant 0 : i32
      %dma_start3A_209 = arith.constant 0 : i32
      %dma_start3A_210 = tpu.memref_slice %arg9[%dma_start3A_208, %dma_start3A_209] : memref<10240x128xf32, #tpu.memory_space<vmem_shared>> -> memref<10240x128xf32, #tpu.memory_space<vmem_shared>>
      tpu.enqueue_indirect_dma source(%arg7 : memref<128x128xf32, #tpu.memory_space<vmem>>) target(%dma_start3A_210 : memref<10240x128xf32, #tpu.memory_space<vmem_shared>>) offsets(%dma_start3A_207 : memref<128xi32, #tpu.memory_space<vmem>>) semaphore(%arg12 : memref<!tpu.dma_semaphore, #tpu.memory_space<semaphore_mem>>) {add = true}
      %add3A_211 = arith.constant 1 : i32
      %add3A_212 = arith.addi %rem3A_159, %add3A_211 : i32
      %dma_wait3A_213 = arith.constant 0 : i32
      %dma_wait3A_214 = arith.constant 0 : i32
      %dma_wait3A_215 = tpu.memref_slice %arg6[%rem3A_157, %add3A_212, %dma_wait3A_213, %dma_wait3A_214] : memref<2x20x2x128xi32, #tpu.memory_space<vmem>> -> memref<1x1x1x128xi32, #tpu.memory_space<vmem>>
      %dma_wait3A_216 = tpu.memref_squeeze %dma_wait3A_215 : memref<1x1x1x128xi32, #tpu.memory_space<vmem>> -> memref<128xi32, #tpu.memory_space<vmem>>
      %dma_wait3A_217 = arith.constant 0 : i32
      %dma_wait3A_218 = arith.constant 0 : i32
      %dma_wait3A_219 = tpu.memref_slice %arg2[%dma_wait3A_217, %dma_wait3A_218] : memref<10240x128xf32, #tpu.memory_space<hbm>> -> memref<10240x128xf32, #tpu.memory_space<hbm>>
      tpu.wait_indirect_dma semaphore(%arg11 : memref<!tpu.dma_semaphore, #tpu.memory_space<semaphore_mem>>) src(%dma_wait3A_219 : memref<10240x128xf32, #tpu.memory_space<hbm>>) dst(%arg8 : memref<128x128xf32, #tpu.memory_space<vmem>>)
      %add3A_220 = arith.constant 1 : i32
      %add3A_221 = arith.addi %rem3A_159, %add3A_220 : i32
      %dma_start3A_222 = arith.constant 1 : i32
      %dma_start3A_223 = arith.constant 0 : i32
      %dma_start3A_224 = tpu.memref_slice %arg6[%rem3A_157, %add3A_221, %dma_start3A_222, %dma_start3A_223] : memref<2x20x2x128xi32, #tpu.memory_space<vmem>> -> memref<1x1x1x128xi32, #tpu.memory_space<vmem>>
      %dma_start3A_225 = tpu.memref_squeeze %dma_start3A_224 : memref<1x1x1x128xi32, #tpu.memory_space<vmem>> -> memref<128xi32, #tpu.memory_space<vmem>>
      %dma_start3A_226 = arith.constant 0 : i32
      %dma_start3A_227 = arith.constant 0 : i32
      %dma_start3A_228 = tpu.memref_slice %arg9[%dma_start3A_226, %dma_start3A_227] : memref<10240x128xf32, #tpu.memory_space<vmem_shared>> -> memref<10240x128xf32, #tpu.memory_space<vmem_shared>>
      tpu.enqueue_indirect_dma source(%arg8 : memref<128x128xf32, #tpu.memory_space<vmem>>) target(%dma_start3A_228 : memref<10240x128xf32, #tpu.memory_space<vmem_shared>>) offsets(%dma_start3A_225 : memref<128xi32, #tpu.memory_space<vmem>>) semaphore(%arg13 : memref<!tpu.dma_semaphore, #tpu.memory_space<semaphore_mem>>) {add = true}
    }
    %dma_wait3A_111 = arith.constant 0 : i32
    %dma_wait3A_112 = arith.constant 0 : i32
    %dma_wait3A_113 = arith.constant 1 : i32
    %dma_wait3A_114 = arith.constant 0 : i32
    %dma_wait3A_115 = tpu.memref_slice %arg6[%dma_wait3A_111, %dma_wait3A_112, %dma_wait3A_113, %dma_wait3A_114] : memref<2x20x2x128xi32, #tpu.memory_space<vmem>> -> memref<1x1x1x128xi32, #tpu.memory_space<vmem>>
    %dma_wait3A_116 = tpu.memref_squeeze %dma_wait3A_115 : memref<1x1x1x128xi32, #tpu.memory_space<vmem>> -> memref<128xi32, #tpu.memory_space<vmem>>
    %dma_wait3A_117 = arith.constant 0 : i32
    %dma_wait3A_118 = arith.constant 0 : i32
    %dma_wait3A_119 = tpu.memref_slice %arg9[%dma_wait3A_117, %dma_wait3A_118] : memref<10240x128xf32, #tpu.memory_space<vmem_shared>> -> memref<10240x128xf32, #tpu.memory_space<vmem_shared>>
    tpu.wait_indirect_dma semaphore(%arg12 : memref<!tpu.dma_semaphore, #tpu.memory_space<semaphore_mem>>) src(%arg7 : memref<128x128xf32, #tpu.memory_space<vmem>>) dst(%dma_wait3A_119 : memref<10240x128xf32, #tpu.memory_space<vmem_shared>>)
    %dma_wait3A_120 = arith.constant 0 : i32
    %dma_wait3A_121 = arith.constant 0 : i32
    %dma_wait3A_122 = arith.constant 1 : i32
    %dma_wait3A_123 = arith.constant 0 : i32
    %dma_wait3A_124 = tpu.memref_slice %arg6[%dma_wait3A_120, %dma_wait3A_121, %dma_wait3A_122, %dma_wait3A_123] : memref<2x20x2x128xi32, #tpu.memory_space<vmem>> -> memref<1x1x1x128xi32, #tpu.memory_space<vmem>>
    %dma_wait3A_125 = tpu.memref_squeeze %dma_wait3A_124 : memref<1x1x1x128xi32, #tpu.memory_space<vmem>> -> memref<128xi32, #tpu.memory_space<vmem>>
    %dma_wait3A_126 = arith.constant 0 : i32
    %dma_wait3A_127 = arith.constant 0 : i32
    %dma_wait3A_128 = tpu.memref_slice %arg9[%dma_wait3A_126, %dma_wait3A_127] : memref<10240x128xf32, #tpu.memory_space<vmem_shared>> -> memref<10240x128xf32, #tpu.memory_space<vmem_shared>>
    tpu.wait_indirect_dma semaphore(%arg13 : memref<!tpu.dma_semaphore, #tpu.memory_space<semaphore_mem>>) src(%arg8 : memref<128x128xf32, #tpu.memory_space<vmem>>) dst(%dma_wait3A_128 : memref<10240x128xf32, #tpu.memory_space<vmem_shared>>)
    %dma_wait3A_129 = arith.constant 0 : i32
    %dma_wait3A_130 = arith.constant 0 : i32
    %dma_wait3A_131 = arith.constant 0 : i32
    %dma_wait3A_132 = arith.constant 0 : i32
    %dma_wait3A_133 = tpu.memref_slice %arg6[%dma_wait3A_129, %dma_wait3A_130, %dma_wait3A_131, %dma_wait3A_132] : memref<2x20x2x128xi32, #tpu.memory_space<vmem>> -> memref<1x20x2x128xi32, #tpu.memory_space<vmem>>
    %dma_wait3A_134 = tpu.memref_squeeze %dma_wait3A_133 : memref<1x20x2x128xi32, #tpu.memory_space<vmem>> -> memref<20x2x128xi32, #tpu.memory_space<vmem>>
    %dma_wait3A_135 = arith.constant 0 : i32
    %dma_wait3A_136 = arith.constant 0 : i32
    %dma_wait3A_137 = tpu.memref_slice %arg3[%select_n3A_8, %dma_wait3A_135, %dma_wait3A_136] : memref<2580x2x128xi32, #tpu.memory_space<hbm>> -> memref<20x2x128xi32, #tpu.memory_space<hbm>>
    %dma_wait3A_138 = arith.constant 0 : i32
    %dma_wait3A_139 = arith.constant 0 : i32
    %dma_wait3A_140 = arith.constant 0 : i32
    %dma_wait3A_141 = tpu.memref_slice %arg6[%dma_wait3A_129, %dma_wait3A_138, %dma_wait3A_139, %dma_wait3A_140] : memref<2x20x2x128xi32, #tpu.memory_space<vmem>> -> memref<1x20x2x128xi32, #tpu.memory_space<vmem>>
    %dma_wait3A_142 = tpu.memref_squeeze %dma_wait3A_141 : memref<1x20x2x128xi32, #tpu.memory_space<vmem>> -> memref<20x2x128xi32, #tpu.memory_space<vmem>>
    %dma_wait3A_143 = arith.constant 0 : i32
    %dma_wait3A_144 = arith.constant 0 : i32
    %dma_wait3A_145 = tpu.memref_slice %arg3[%select_n3A_8, %dma_wait3A_143, %dma_wait3A_144] : memref<2580x2x128xi32, #tpu.memory_space<hbm>> -> memref<20x2x128xi32, #tpu.memory_space<hbm>>
    tpu.wait_dma2 semaphore(%arg14 : memref<!tpu.dma_semaphore, #tpu.memory_space<semaphore_mem>>) src(%dma_wait3A_145 : memref<20x2x128xi32, #tpu.memory_space<hbm>>) dst(%dma_wait3A_142 : memref<20x2x128xi32, #tpu.memory_space<vmem>>)
    %barrier3A_146 = arith.constant 0 : index
    tpu.barrier barrier_id(%barrier3A_146)
    %mul3A_147 = arith.constant 640 : i32
    %mul3A_148 = arith.muli %arg1, %mul3A_147 : i32
    %mul3A_149 = arith.constant 640 : i32
    %mul3A_150 = arith.muli %arg1, %mul3A_149 : i32
    "tpu.region"() ({
      %run_scoped3A_151 = tpu.sem_alloc : memref<!tpu.dma_semaphore, #tpu.memory_space<semaphore_mem>>
      %dma_start3A_152 = arith.constant 0 : i32
      %dma_start3A_153 = arith.constant 0 : i32
      %dma_start3A_154 = tpu.memref_slice %arg5[%arg0, %dma_start3A_152, %dma_start3A_153] : memref<2x10240x128xf32, #tpu.memory_space<hbm>> -> memref<1x10240x128xf32, #tpu.memory_space<hbm>>
      %dma_start3A_155 = tpu.memref_squeeze %dma_start3A_154 : memref<1x10240x128xf32, #tpu.memory_space<hbm>> -> memref<10240x128xf32, #tpu.memory_space<hbm>>
      %dma_start3A_156 = arith.constant 0 : i32
      %dma_start3A_157 = tpu.memref_slice %dma_start3A_155[%mul3A_150, %dma_start3A_156] : memref<10240x128xf32, #tpu.memory_space<hbm>> -> memref<640x128xf32, #tpu.memory_space<hbm>>
      %dma_start3A_158 = arith.constant 0 : i32
      %dma_start3A_159 = tpu.memref_slice %arg9[%mul3A_148, %dma_start3A_158] : memref<10240x128xf32, #tpu.memory_space<vmem_shared>> -> memref<640x128xf32, #tpu.memory_space<vmem_shared>>
      tpu.enqueue_dma source(%dma_start3A_159 : memref<640x128xf32, #tpu.memory_space<vmem_shared>>) target(%dma_start3A_157 : memref<640x128xf32, #tpu.memory_space<hbm>>) target_semaphore(%run_scoped3A_151 : memref<!tpu.dma_semaphore, #tpu.memory_space<semaphore_mem>>)
      %dma_wait3A_160 = arith.constant 0 : i32
      %dma_wait3A_161 = arith.constant 0 : i32
      %dma_wait3A_162 = tpu.memref_slice %arg5[%arg0, %dma_wait3A_160, %dma_wait3A_161] : memref<2x10240x128xf32, #tpu.memory_space<hbm>> -> memref<1x10240x128xf32, #tpu.memory_space<hbm>>
      %dma_wait3A_163 = tpu.memref_squeeze %dma_wait3A_162 : memref<1x10240x128xf32, #tpu.memory_space<hbm>> -> memref<10240x128xf32, #tpu.memory_space<hbm>>
      %dma_wait3A_164 = arith.constant 0 : i32
      %dma_wait3A_165 = tpu.memref_slice %dma_wait3A_163[%mul3A_150, %dma_wait3A_164] : memref<10240x128xf32, #tpu.memory_space<hbm>> -> memref<640x128xf32, #tpu.memory_space<hbm>>
      %dma_wait3A_166 = arith.constant 0 : i32
      %dma_wait3A_167 = tpu.memref_slice %arg9[%mul3A_148, %dma_wait3A_166] : memref<10240x128xf32, #tpu.memory_space<vmem_shared>> -> memref<640x128xf32, #tpu.memory_space<vmem_shared>>
      tpu.wait_dma2 semaphore(%run_scoped3A_151 : memref<!tpu.dma_semaphore, #tpu.memory_space<semaphore_mem>>) src(%dma_wait3A_167 : memref<640x128xf32, #tpu.memory_space<vmem_shared>>) dst(%dma_wait3A_165 : memref<640x128xf32, #tpu.memory_space<hbm>>)
      tpu.yield
    }) : () -> ()
    return
  }
}

#map = affine_map<(d0, d1) -> (0, 0, 0)>
#map1 = affine_map<(d0, d1) -> (0, 0)>
module attributes {stable_mosaic.version = 14 : i64} {
  func.func @_deg_body(%arg0: i32, %arg1: i32, %arg2: memref<2580x2x128xi32, #tpu.memory_space<hbm>>, %arg3: memref<128x128xf32, #tpu.memory_space<hbm>>, %arg4: memref<10240x128xf32, #tpu.memory_space<hbm>>, %arg5: memref<2x10240x128xf32, #tpu.memory_space<hbm>>, %arg6: memref<80x128xi32, #tpu.memory_space<vmem>>, %arg7: memref<128x128xf32, #tpu.memory_space<vmem>>, %arg8: memref<10240x128xf32, #tpu.memory_space<vmem_shared>>, %arg9: memref<!tpu.dma_semaphore, #tpu.memory_space<semaphore_mem>>) attributes {dimension_semantics = [#tpu.dimension_semantics<core_parallel>, #tpu.dimension_semantics<subcore_parallel>], iteration_bounds = array<i64: 2, 16>, scalar_prefetch = 0 : i64, scratch_operands = 4 : i64, tpu.core_type = #tpu.core_type<sc_vector_subcore>, window_params = [{transform_indices = #map}, {transform_indices = #map1}, {transform_indices = #map1}, {transform_indices = #map}]} {
    %mul3A = arith.constant 16 : i32
    %mul3A_0 = arith.muli %arg0, %mul3A : i32
    %add3A = arith.addi %mul3A_0, %arg1 : i32
    %mul3A_1 = arith.constant 80 : i32
    %mul3A_2 = arith.muli %add3A, %mul3A_1 : i32
    %run_scoped3A = arith.constant 1 : i32
    "tpu.region"() ({
      %run_scoped3A_23 = tpu.sem_alloc : memref<!tpu.dma_semaphore, #tpu.memory_space<semaphore_mem>>
      %dma_start3A = arith.constant 0 : i32
      %dma_start3A_24 = tpu.memref_slice %arg2[%mul3A_2, %run_scoped3A, %dma_start3A] : memref<2580x2x128xi32, #tpu.memory_space<hbm>> -> memref<80x1x128xi32, #tpu.memory_space<hbm>>
      %dma_start3A_25 = tpu.memref_squeeze %dma_start3A_24 : memref<80x1x128xi32, #tpu.memory_space<hbm>> -> memref<80x128xi32, #tpu.memory_space<hbm>>
      %dma_start3A_26 = arith.constant 0 : i32
      %dma_start3A_27 = tpu.memref_slice %arg2[%mul3A_2, %run_scoped3A, %dma_start3A_26] : memref<2580x2x128xi32, #tpu.memory_space<hbm>> -> memref<80x1x128xi32, #tpu.memory_space<hbm>>
      %dma_start3A_28 = tpu.memref_squeeze %dma_start3A_27 : memref<80x1x128xi32, #tpu.memory_space<hbm>> -> memref<80x128xi32, #tpu.memory_space<hbm>>
      tpu.enqueue_dma source(%dma_start3A_28 : memref<80x128xi32, #tpu.memory_space<hbm>>) target(%arg6 : memref<80x128xi32, #tpu.memory_space<vmem>>) target_semaphore(%run_scoped3A_23 : memref<!tpu.dma_semaphore, #tpu.memory_space<semaphore_mem>>)
      %dma_wait3A = arith.constant 0 : i32
      %dma_wait3A_29 = tpu.memref_slice %arg2[%mul3A_2, %run_scoped3A, %dma_wait3A] : memref<2580x2x128xi32, #tpu.memory_space<hbm>> -> memref<80x1x128xi32, #tpu.memory_space<hbm>>
      %dma_wait3A_30 = tpu.memref_squeeze %dma_wait3A_29 : memref<80x1x128xi32, #tpu.memory_space<hbm>> -> memref<80x128xi32, #tpu.memory_space<hbm>>
      %dma_wait3A_31 = arith.constant 0 : i32
      %dma_wait3A_32 = tpu.memref_slice %arg2[%mul3A_2, %run_scoped3A, %dma_wait3A_31] : memref<2580x2x128xi32, #tpu.memory_space<hbm>> -> memref<80x1x128xi32, #tpu.memory_space<hbm>>
      %dma_wait3A_33 = tpu.memref_squeeze %dma_wait3A_32 : memref<80x1x128xi32, #tpu.memory_space<hbm>> -> memref<80x128xi32, #tpu.memory_space<hbm>>
      tpu.wait_dma2 semaphore(%run_scoped3A_23 : memref<!tpu.dma_semaphore, #tpu.memory_space<semaphore_mem>>) src(%dma_wait3A_33 : memref<80x128xi32, #tpu.memory_space<hbm>>) dst(%arg6 : memref<80x128xi32, #tpu.memory_space<vmem>>)
      tpu.yield
    }) : () -> ()
    "tpu.region"() ({
      %run_scoped3A_23 = tpu.sem_alloc : memref<!tpu.dma_semaphore, #tpu.memory_space<semaphore_mem>>
      tpu.enqueue_dma source(%arg3 : memref<128x128xf32, #tpu.memory_space<hbm>>) target(%arg7 : memref<128x128xf32, #tpu.memory_space<vmem>>) target_semaphore(%run_scoped3A_23 : memref<!tpu.dma_semaphore, #tpu.memory_space<semaphore_mem>>)
      tpu.wait_dma2 semaphore(%run_scoped3A_23 : memref<!tpu.dma_semaphore, #tpu.memory_space<semaphore_mem>>) src(%arg3 : memref<128x128xf32, #tpu.memory_space<hbm>>) dst(%arg7 : memref<128x128xf32, #tpu.memory_space<vmem>>)
      tpu.yield
    }) : () -> ()
    %mul3A_3 = arith.constant 640 : i32
    %mul3A_4 = arith.muli %arg1, %mul3A_3 : i32
    %mul3A_5 = arith.constant 640 : i32
    %mul3A_6 = arith.muli %arg1, %mul3A_5 : i32
    "tpu.region"() ({
      %run_scoped3A_23 = tpu.sem_alloc : memref<!tpu.dma_semaphore, #tpu.memory_space<semaphore_mem>>
      %dma_start3A = arith.constant 0 : i32
      %dma_start3A_24 = tpu.memref_slice %arg8[%mul3A_6, %dma_start3A] : memref<10240x128xf32, #tpu.memory_space<vmem_shared>> -> memref<640x128xf32, #tpu.memory_space<vmem_shared>>
      %dma_start3A_25 = arith.constant 0 : i32
      %dma_start3A_26 = tpu.memref_slice %arg4[%mul3A_4, %dma_start3A_25] : memref<10240x128xf32, #tpu.memory_space<hbm>> -> memref<640x128xf32, #tpu.memory_space<hbm>>
      tpu.enqueue_dma source(%dma_start3A_26 : memref<640x128xf32, #tpu.memory_space<hbm>>) target(%dma_start3A_24 : memref<640x128xf32, #tpu.memory_space<vmem_shared>>) target_semaphore(%run_scoped3A_23 : memref<!tpu.dma_semaphore, #tpu.memory_space<semaphore_mem>>)
      %dma_wait3A = arith.constant 0 : i32
      %dma_wait3A_27 = tpu.memref_slice %arg8[%mul3A_6, %dma_wait3A] : memref<10240x128xf32, #tpu.memory_space<vmem_shared>> -> memref<640x128xf32, #tpu.memory_space<vmem_shared>>
      %dma_wait3A_28 = arith.constant 0 : i32
      %dma_wait3A_29 = tpu.memref_slice %arg4[%mul3A_4, %dma_wait3A_28] : memref<10240x128xf32, #tpu.memory_space<hbm>> -> memref<640x128xf32, #tpu.memory_space<hbm>>
      tpu.wait_dma2 semaphore(%run_scoped3A_23 : memref<!tpu.dma_semaphore, #tpu.memory_space<semaphore_mem>>) src(%dma_wait3A_29 : memref<640x128xf32, #tpu.memory_space<hbm>>) dst(%dma_wait3A_27 : memref<640x128xf32, #tpu.memory_space<vmem_shared>>)
      tpu.yield
    }) : () -> ()
    %barrier3A = arith.constant 0 : index
    tpu.barrier barrier_id(%barrier3A)
    %scan3A = arith.constant 0 : i32
    %scan3A_7 = arith.constant 0 : i32
    %scan3A_8 = arith.constant 80 : i32
    %scan3A_9 = arith.addi %scan3A_7, %scan3A_8 : i32
    %scan3A_10 = arith.constant 1 : i32
    scf.for %scan3A_23 = %scan3A_7 to %scan3A_9 step %scan3A_10  : i32 {
      %dma_start3A = arith.constant 0 : i32
      %dma_start3A_24 = tpu.memref_slice %arg6[%scan3A_23, %dma_start3A] : memref<80x128xi32, #tpu.memory_space<vmem>> -> memref<1x128xi32, #tpu.memory_space<vmem>>
      %dma_start3A_25 = tpu.memref_squeeze %dma_start3A_24 : memref<1x128xi32, #tpu.memory_space<vmem>> -> memref<128xi32, #tpu.memory_space<vmem>>
      %dma_start3A_26 = arith.constant 0 : i32
      %dma_start3A_27 = arith.constant 0 : i32
      %dma_start3A_28 = tpu.memref_slice %arg8[%dma_start3A_26, %dma_start3A_27] : memref<10240x128xf32, #tpu.memory_space<vmem_shared>> -> memref<10240x128xf32, #tpu.memory_space<vmem_shared>>
      tpu.enqueue_indirect_dma source(%arg7 : memref<128x128xf32, #tpu.memory_space<vmem>>) target(%dma_start3A_28 : memref<10240x128xf32, #tpu.memory_space<vmem_shared>>) offsets(%dma_start3A_25 : memref<128xi32, #tpu.memory_space<vmem>>) semaphore(%arg9 : memref<!tpu.dma_semaphore, #tpu.memory_space<semaphore_mem>>) {add = true}
    }
    %scan3A_11 = arith.constant 80 : i32
    %scan3A_12 = arith.constant 0 : i32
    %scan3A_13 = arith.constant 0 : i32
    %scan3A_14 = arith.constant 80 : i32
    %scan3A_15 = arith.addi %scan3A_13, %scan3A_14 : i32
    %scan3A_16 = arith.constant 1 : i32
    scf.for %scan3A_23 = %scan3A_13 to %scan3A_15 step %scan3A_16  : i32 {
      %dma_wait3A = arith.constant 0 : i32
      %dma_wait3A_24 = arith.constant 0 : i32
      %dma_wait3A_25 = tpu.memref_slice %arg6[%dma_wait3A, %dma_wait3A_24] : memref<80x128xi32, #tpu.memory_space<vmem>> -> memref<1x128xi32, #tpu.memory_space<vmem>>
      %dma_wait3A_26 = tpu.memref_squeeze %dma_wait3A_25 : memref<1x128xi32, #tpu.memory_space<vmem>> -> memref<128xi32, #tpu.memory_space<vmem>>
      %dma_wait3A_27 = arith.constant 0 : i32
      %dma_wait3A_28 = arith.constant 0 : i32
      %dma_wait3A_29 = tpu.memref_slice %arg8[%dma_wait3A_27, %dma_wait3A_28] : memref<10240x128xf32, #tpu.memory_space<vmem_shared>> -> memref<10240x128xf32, #tpu.memory_space<vmem_shared>>
      tpu.wait_indirect_dma semaphore(%arg9 : memref<!tpu.dma_semaphore, #tpu.memory_space<semaphore_mem>>) src(%arg7 : memref<128x128xf32, #tpu.memory_space<vmem>>) dst(%dma_wait3A_29 : memref<10240x128xf32, #tpu.memory_space<vmem_shared>>)
    }
    %scan3A_17 = arith.constant 80 : i32
    %barrier3A_18 = arith.constant 0 : index
    tpu.barrier barrier_id(%barrier3A_18)
    %mul3A_19 = arith.constant 640 : i32
    %mul3A_20 = arith.muli %arg1, %mul3A_19 : i32
    %mul3A_21 = arith.constant 640 : i32
    %mul3A_22 = arith.muli %arg1, %mul3A_21 : i32
    "tpu.region"() ({
      %run_scoped3A_23 = tpu.sem_alloc : memref<!tpu.dma_semaphore, #tpu.memory_space<semaphore_mem>>
      %dma_start3A = arith.constant 0 : i32
      %dma_start3A_24 = arith.constant 0 : i32
      %dma_start3A_25 = tpu.memref_slice %arg5[%arg0, %dma_start3A, %dma_start3A_24] : memref<2x10240x128xf32, #tpu.memory_space<hbm>> -> memref<1x10240x128xf32, #tpu.memory_space<hbm>>
      %dma_start3A_26 = tpu.memref_squeeze %dma_start3A_25 : memref<1x10240x128xf32, #tpu.memory_space<hbm>> -> memref<10240x128xf32, #tpu.memory_space<hbm>>
      %dma_start3A_27 = arith.constant 0 : i32
      %dma_start3A_28 = tpu.memref_slice %dma_start3A_26[%mul3A_22, %dma_start3A_27] : memref<10240x128xf32, #tpu.memory_space<hbm>> -> memref<640x128xf32, #tpu.memory_space<hbm>>
      %dma_start3A_29 = arith.constant 0 : i32
      %dma_start3A_30 = tpu.memref_slice %arg8[%mul3A_20, %dma_start3A_29] : memref<10240x128xf32, #tpu.memory_space<vmem_shared>> -> memref<640x128xf32, #tpu.memory_space<vmem_shared>>
      tpu.enqueue_dma source(%dma_start3A_30 : memref<640x128xf32, #tpu.memory_space<vmem_shared>>) target(%dma_start3A_28 : memref<640x128xf32, #tpu.memory_space<hbm>>) target_semaphore(%run_scoped3A_23 : memref<!tpu.dma_semaphore, #tpu.memory_space<semaphore_mem>>)
      %dma_wait3A = arith.constant 0 : i32
      %dma_wait3A_31 = arith.constant 0 : i32
      %dma_wait3A_32 = tpu.memref_slice %arg5[%arg0, %dma_wait3A, %dma_wait3A_31] : memref<2x10240x128xf32, #tpu.memory_space<hbm>> -> memref<1x10240x128xf32, #tpu.memory_space<hbm>>
      %dma_wait3A_33 = tpu.memref_squeeze %dma_wait3A_32 : memref<1x10240x128xf32, #tpu.memory_space<hbm>> -> memref<10240x128xf32, #tpu.memory_space<hbm>>
      %dma_wait3A_34 = arith.constant 0 : i32
      %dma_wait3A_35 = tpu.memref_slice %dma_wait3A_33[%mul3A_22, %dma_wait3A_34] : memref<10240x128xf32, #tpu.memory_space<hbm>> -> memref<640x128xf32, #tpu.memory_space<hbm>>
      %dma_wait3A_36 = arith.constant 0 : i32
      %dma_wait3A_37 = tpu.memref_slice %arg8[%mul3A_20, %dma_wait3A_36] : memref<10240x128xf32, #tpu.memory_space<vmem_shared>> -> memref<640x128xf32, #tpu.memory_space<vmem_shared>>
      tpu.wait_dma2 semaphore(%run_scoped3A_23 : memref<!tpu.dma_semaphore, #tpu.memory_space<semaphore_mem>>) src(%dma_wait3A_37 : memref<640x128xf32, #tpu.memory_space<vmem_shared>>) dst(%dma_wait3A_35 : memref<640x128xf32, #tpu.memory_space<hbm>>)
      tpu.yield
    }) : () -> ()
    return
  }
}

#map = affine_map<(d0, d1) -> (0, 0)>
#map1 = affine_map<(d0, d1) -> (0, 0, 0)>
module attributes {stable_mosaic.version = 14 : i64} {
  func.func @_scatter_body(%arg0: i32, %arg1: i32, %arg2: memref<10240x128xf32, #tpu.memory_space<hbm>>, %arg3: memref<2580x2x128xi32, #tpu.memory_space<hbm>>, %arg4: memref<10240x128xf32, #tpu.memory_space<hbm>>, %arg5: memref<2x10240x128xf32, #tpu.memory_space<hbm>>, %arg6: memref<2x20x2x128xi32, #tpu.memory_space<vmem>>, %arg7: memref<128x128xf32, #tpu.memory_space<vmem>>, %arg8: memref<128x128xf32, #tpu.memory_space<vmem>>, %arg9: memref<10240x128xf32, #tpu.memory_space<vmem_shared>>, %arg10: memref<!tpu.dma_semaphore, #tpu.memory_space<semaphore_mem>>, %arg11: memref<!tpu.dma_semaphore, #tpu.memory_space<semaphore_mem>>, %arg12: memref<!tpu.dma_semaphore, #tpu.memory_space<semaphore_mem>>, %arg13: memref<!tpu.dma_semaphore, #tpu.memory_space<semaphore_mem>>, %arg14: memref<!tpu.dma_semaphore, #tpu.memory_space<semaphore_mem>>) attributes {dimension_semantics = [#tpu.dimension_semantics<core_parallel>, #tpu.dimension_semantics<subcore_parallel>], iteration_bounds = array<i64: 2, 16>, scalar_prefetch = 0 : i64, scratch_operands = 9 : i64, tpu.core_type = #tpu.core_type<sc_vector_subcore>, window_params = [{transform_indices = #map}, {transform_indices = #map1}, {transform_indices = #map}, {transform_indices = #map1}]} {
    %eq3A = arith.constant 0 : i32
    %eq3A_0 = arith.cmpi eq, %arg0, %eq3A : i32
    %jit3A = arith.constant 140 : i32
    %jit3A_1 = arith.constant 20 : i32
    %select_n3A = arith.select %eq3A_0, %jit3A, %jit3A_1 : i32
    %eq3A_2 = arith.constant 0 : i32
    %eq3A_3 = arith.cmpi eq, %arg0, %eq3A_2 : i32
    %mul3A = arith.constant 140 : i32
    %mul3A_4 = arith.muli %arg1, %mul3A : i32
    %mul3A_5 = arith.constant 20 : i32
    %mul3A_6 = arith.muli %arg1, %mul3A_5 : i32
    %add3A = arith.constant 2240 : i32
    %add3A_7 = arith.addi %add3A, %mul3A_6 : i32
    %select_n3A_8 = arith.select %eq3A_3, %mul3A_4, %add3A_7 : i32
    %mul3A_9 = arith.constant 640 : i32
    %mul3A_10 = arith.muli %arg1, %mul3A_9 : i32
    %mul3A_11 = arith.constant 640 : i32
    %mul3A_12 = arith.muli %arg1, %mul3A_11 : i32
    "tpu.region"() ({
      %run_scoped3A_151 = tpu.sem_alloc : memref<!tpu.dma_semaphore, #tpu.memory_space<semaphore_mem>>
      %dma_start3A_152 = arith.constant 0 : i32
      %dma_start3A_153 = tpu.memref_slice %arg9[%mul3A_12, %dma_start3A_152] : memref<10240x128xf32, #tpu.memory_space<vmem_shared>> -> memref<640x128xf32, #tpu.memory_space<vmem_shared>>
      %dma_start3A_154 = arith.constant 0 : i32
      %dma_start3A_155 = tpu.memref_slice %arg4[%mul3A_10, %dma_start3A_154] : memref<10240x128xf32, #tpu.memory_space<hbm>> -> memref<640x128xf32, #tpu.memory_space<hbm>>
      tpu.enqueue_dma source(%dma_start3A_155 : memref<640x128xf32, #tpu.memory_space<hbm>>) target(%dma_start3A_153 : memref<640x128xf32, #tpu.memory_space<vmem_shared>>) target_semaphore(%run_scoped3A_151 : memref<!tpu.dma_semaphore, #tpu.memory_space<semaphore_mem>>)
      %dma_wait3A_156 = arith.constant 0 : i32
      %dma_wait3A_157 = tpu.memref_slice %arg9[%mul3A_12, %dma_wait3A_156] : memref<10240x128xf32, #tpu.memory_space<vmem_shared>> -> memref<640x128xf32, #tpu.memory_space<vmem_shared>>
      %dma_wait3A_158 = arith.constant 0 : i32
      %dma_wait3A_159 = tpu.memref_slice %arg4[%mul3A_10, %dma_wait3A_158] : memref<10240x128xf32, #tpu.memory_space<hbm>> -> memref<640x128xf32, #tpu.memory_space<hbm>>
      tpu.wait_dma2 semaphore(%run_scoped3A_151 : memref<!tpu.dma_semaphore, #tpu.memory_space<semaphore_mem>>) src(%dma_wait3A_159 : memref<640x128xf32, #tpu.memory_space<hbm>>) dst(%dma_wait3A_157 : memref<640x128xf32, #tpu.memory_space<vmem_shared>>)
      tpu.yield
    }) : () -> ()
    %run_scoped3A = arith.constant 0 : i32
    "tpu.region"() ({
      %run_scoped3A_151 = tpu.sem_alloc : memref<!tpu.dma_semaphore, #tpu.memory_space<semaphore_mem>>
      %dma_start3A_152 = arith.constant 0 : i32
      %dma_start3A_153 = arith.constant 0 : i32
      %dma_start3A_154 = arith.constant 0 : i32
      %dma_start3A_155 = tpu.memref_slice %arg6[%run_scoped3A, %dma_start3A_152, %dma_start3A_153, %dma_start3A_154] : memref<2x20x2x128xi32, #tpu.memory_space<vmem>> -> memref<1x20x2x128xi32, #tpu.memory_space<vmem>>
      %dma_start3A_156 = tpu.memref_squeeze %dma_start3A_155 : memref<1x20x2x128xi32, #tpu.memory_space<vmem>> -> memref<20x2x128xi32, #tpu.memory_space<vmem>>
      %dma_start3A_157 = arith.constant 0 : i32
      %dma_start3A_158 = arith.constant 0 : i32
      %dma_start3A_159 = tpu.memref_slice %arg3[%select_n3A_8, %dma_start3A_157, %dma_start3A_158] : memref<2580x2x128xi32, #tpu.memory_space<hbm>> -> memref<20x2x128xi32, #tpu.memory_space<hbm>>
      %dma_start3A_160 = arith.constant 0 : i32
      %dma_start3A_161 = arith.constant 0 : i32
      %dma_start3A_162 = arith.constant 0 : i32
      %dma_start3A_163 = tpu.memref_slice %arg6[%run_scoped3A, %dma_start3A_160, %dma_start3A_161, %dma_start3A_162] : memref<2x20x2x128xi32, #tpu.memory_space<vmem>> -> memref<1x20x2x128xi32, #tpu.memory_space<vmem>>
      %dma_start3A_164 = tpu.memref_squeeze %dma_start3A_163 : memref<1x20x2x128xi32, #tpu.memory_space<vmem>> -> memref<20x2x128xi32, #tpu.memory_space<vmem>>
      %dma_start3A_165 = arith.constant 0 : i32
      %dma_start3A_166 = arith.constant 0 : i32
      %dma_start3A_167 = tpu.memref_slice %arg3[%select_n3A_8, %dma_start3A_165, %dma_start3A_166] : memref<2580x2x128xi32, #tpu.memory_space<hbm>> -> memref<20x2x128xi32, #tpu.memory_space<hbm>>
      tpu.enqueue_dma source(%dma_start3A_167 : memref<20x2x128xi32, #tpu.memory_space<hbm>>) target(%dma_start3A_164 : memref<20x2x128xi32, #tpu.memory_space<vmem>>) target_semaphore(%run_scoped3A_151 : memref<!tpu.dma_semaphore, #tpu.memory_space<semaphore_mem>>)
      %dma_wait3A_168 = arith.constant 0 : i32
      %dma_wait3A_169 = arith.constant 0 : i32
      %dma_wait3A_170 = arith.constant 0 : i32
      %dma_wait3A_171 = tpu.memref_slice %arg6[%run_scoped3A, %dma_wait3A_168, %dma_wait3A_169, %dma_wait3A_170] : memref<2x20x2x128xi32, #tpu.memory_space<vmem>> -> memref<1x20x2x128xi32, #tpu.memory_space<vmem>>
      %dma_wait3A_172 = tpu.memref_squeeze %dma_wait3A_171 : memref<1x20x2x128xi32, #tpu.memory_space<vmem>> -> memref<20x2x128xi32, #tpu.memory_space<vmem>>
      %dma_wait3A_173 = arith.constant 0 : i32
      %dma_wait3A_174 = arith.constant 0 : i32
      %dma_wait3A_175 = tpu.memref_slice %arg3[%select_n3A_8, %dma_wait3A_173, %dma_wait3A_174] : memref<2580x2x128xi32, #tpu.memory_space<hbm>> -> memref<20x2x128xi32, #tpu.memory_space<hbm>>
      %dma_wait3A_176 = arith.constant 0 : i32
      %dma_wait3A_177 = arith.constant 0 : i32
      %dma_wait3A_178 = arith.constant 0 : i32
      %dma_wait3A_179 = tpu.memref_slice %arg6[%run_scoped3A, %dma_wait3A_176, %dma_wait3A_177, %dma_wait3A_178] : memref<2x20x2x128xi32, #tpu.memory_space<vmem>> -> memref<1x20x2x128xi32, #tpu.memory_space<vmem>>
      %dma_wait3A_180 = tpu.memref_squeeze %dma_wait3A_179 : memref<1x20x2x128xi32, #tpu.memory_space<vmem>> -> memref<20x2x128xi32, #tpu.memory_space<vmem>>
      %dma_wait3A_181 = arith.constant 0 : i32
      %dma_wait3A_182 = arith.constant 0 : i32
      %dma_wait3A_183 = tpu.memref_slice %arg3[%select_n3A_8, %dma_wait3A_181, %dma_wait3A_182] : memref<2580x2x128xi32, #tpu.memory_space<hbm>> -> memref<20x2x128xi32, #tpu.memory_space<hbm>>
      tpu.wait_dma2 semaphore(%run_scoped3A_151 : memref<!tpu.dma_semaphore, #tpu.memory_space<semaphore_mem>>) src(%dma_wait3A_183 : memref<20x2x128xi32, #tpu.memory_space<hbm>>) dst(%dma_wait3A_180 : memref<20x2x128xi32, #tpu.memory_space<vmem>>)
      tpu.yield
    }) : () -> ()
    %add3A_13 = arith.constant 20 : i32
    %add3A_14 = arith.addi %select_n3A_8, %add3A_13 : i32
    %dma_start3A = arith.constant 1 : i32
    %dma_start3A_15 = arith.constant 0 : i32
    %dma_start3A_16 = arith.constant 0 : i32
    %dma_start3A_17 = arith.constant 0 : i32
    %dma_start3A_18 = tpu.memref_slice %arg6[%dma_start3A, %dma_start3A_15, %dma_start3A_16, %dma_start3A_17] : memref<2x20x2x128xi32, #tpu.memory_space<vmem>> -> memref<1x20x2x128xi32, #tpu.memory_space<vmem>>
    %dma_start3A_19 = tpu.memref_squeeze %dma_start3A_18 : memref<1x20x2x128xi32, #tpu.memory_space<vmem>> -> memref<20x2x128xi32, #tpu.memory_space<vmem>>
    %dma_start3A_20 = arith.constant 0 : i32
    %dma_start3A_21 = arith.constant 0 : i32
    %dma_start3A_22 = tpu.memref_slice %arg3[%add3A_14, %dma_start3A_20, %dma_start3A_21] : memref<2580x2x128xi32, #tpu.memory_space<hbm>> -> memref<20x2x128xi32, #tpu.memory_space<hbm>>
    %dma_start3A_23 = arith.constant 0 : i32
    %dma_start3A_24 = arith.constant 0 : i32
    %dma_start3A_25 = arith.constant 0 : i32
    %dma_start3A_26 = tpu.memref_slice %arg6[%dma_start3A, %dma_start3A_23, %dma_start3A_24, %dma_start3A_25] : memref<2x20x2x128xi32, #tpu.memory_space<vmem>> -> memref<1x20x2x128xi32, #tpu.memory_space<vmem>>
    %dma_start3A_27 = tpu.memref_squeeze %dma_start3A_26 : memref<1x20x2x128xi32, #tpu.memory_space<vmem>> -> memref<20x2x128xi32, #tpu.memory_space<vmem>>
    %dma_start3A_28 = arith.constant 0 : i32
    %dma_start3A_29 = arith.constant 0 : i32
    %dma_start3A_30 = tpu.memref_slice %arg3[%add3A_14, %dma_start3A_28, %dma_start3A_29] : memref<2580x2x128xi32, #tpu.memory_space<hbm>> -> memref<20x2x128xi32, #tpu.memory_space<hbm>>
    tpu.enqueue_dma source(%dma_start3A_30 : memref<20x2x128xi32, #tpu.memory_space<hbm>>) target(%dma_start3A_27 : memref<20x2x128xi32, #tpu.memory_space<vmem>>) target_semaphore(%arg14 : memref<!tpu.dma_semaphore, #tpu.memory_space<semaphore_mem>>)
    %barrier3A = arith.constant 0 : index
    tpu.barrier barrier_id(%barrier3A)
    %dma_start3A_31 = arith.constant 0 : i32
    %dma_start3A_32 = arith.constant 0 : i32
    %dma_start3A_33 = arith.constant 0 : i32
    %dma_start3A_34 = arith.constant 0 : i32
    %dma_start3A_35 = tpu.memref_slice %arg6[%dma_start3A_31, %dma_start3A_32, %dma_start3A_33, %dma_start3A_34] : memref<2x20x2x128xi32, #tpu.memory_space<vmem>> -> memref<1x1x1x128xi32, #tpu.memory_space<vmem>>
    %dma_start3A_36 = tpu.memref_squeeze %dma_start3A_35 : memref<1x1x1x128xi32, #tpu.memory_space<vmem>> -> memref<128xi32, #tpu.memory_space<vmem>>
    %dma_start3A_37 = arith.constant 0 : i32
    %dma_start3A_38 = arith.constant 0 : i32
    %dma_start3A_39 = tpu.memref_slice %arg2[%dma_start3A_37, %dma_start3A_38] : memref<10240x128xf32, #tpu.memory_space<hbm>> -> memref<10240x128xf32, #tpu.memory_space<hbm>>
    tpu.enqueue_indirect_dma source(%dma_start3A_39 : memref<10240x128xf32, #tpu.memory_space<hbm>>) target(%arg7 : memref<128x128xf32, #tpu.memory_space<vmem>>) offsets(%dma_start3A_36 : memref<128xi32, #tpu.memory_space<vmem>>) semaphore(%arg10 : memref<!tpu.dma_semaphore, #tpu.memory_space<semaphore_mem>>)
    %dma_start3A_40 = arith.constant 0 : i32
    %dma_start3A_41 = arith.constant 1 : i32
    %dma_start3A_42 = arith.constant 0 : i32
    %dma_start3A_43 = arith.constant 0 : i32
    %dma_start3A_44 = tpu.memref_slice %arg6[%dma_start3A_40, %dma_start3A_41, %dma_start3A_42, %dma_start3A_43] : memref<2x20x2x128xi32, #tpu.memory_space<vmem>> -> memref<1x1x1x128xi32, #tpu.memory_space<vmem>>
    %dma_start3A_45 = tpu.memref_squeeze %dma_start3A_44 : memref<1x1x1x128xi32, #tpu.memory_space<vmem>> -> memref<128xi32, #tpu.memory_space<vmem>>
    %dma_start3A_46 = arith.constant 0 : i32
    %dma_start3A_47 = arith.constant 0 : i32
    %dma_start3A_48 = tpu.memref_slice %arg2[%dma_start3A_46, %dma_start3A_47] : memref<10240x128xf32, #tpu.memory_space<hbm>> -> memref<10240x128xf32, #tpu.memory_space<hbm>>
    tpu.enqueue_indirect_dma source(%dma_start3A_48 : memref<10240x128xf32, #tpu.memory_space<hbm>>) target(%arg8 : memref<128x128xf32, #tpu.memory_space<vmem>>) offsets(%dma_start3A_45 : memref<128xi32, #tpu.memory_space<vmem>>) semaphore(%arg11 : memref<!tpu.dma_semaphore, #tpu.memory_space<semaphore_mem>>)
    %dma_wait3A = arith.constant 0 : i32
    %dma_wait3A_49 = arith.constant 0 : i32
    %dma_wait3A_50 = arith.constant 0 : i32
    %dma_wait3A_51 = arith.constant 0 : i32
    %dma_wait3A_52 = tpu.memref_slice %arg6[%dma_wait3A, %dma_wait3A_49, %dma_wait3A_50, %dma_wait3A_51] : memref<2x20x2x128xi32, #tpu.memory_space<vmem>> -> memref<1x1x1x128xi32, #tpu.memory_space<vmem>>
    %dma_wait3A_53 = tpu.memref_squeeze %dma_wait3A_52 : memref<1x1x1x128xi32, #tpu.memory_space<vmem>> -> memref<128xi32, #tpu.memory_space<vmem>>
    %dma_wait3A_54 = arith.constant 0 : i32
    %dma_wait3A_55 = arith.constant 0 : i32
    %dma_wait3A_56 = tpu.memref_slice %arg2[%dma_wait3A_54, %dma_wait3A_55] : memref<10240x128xf32, #tpu.memory_space<hbm>> -> memref<10240x128xf32, #tpu.memory_space<hbm>>
    tpu.wait_indirect_dma semaphore(%arg10 : memref<!tpu.dma_semaphore, #tpu.memory_space<semaphore_mem>>) src(%dma_wait3A_56 : memref<10240x128xf32, #tpu.memory_space<hbm>>) dst(%arg7 : memref<128x128xf32, #tpu.memory_space<vmem>>)
    %dma_start3A_57 = arith.constant 0 : i32
    %dma_start3A_58 = arith.constant 0 : i32
    %dma_start3A_59 = arith.constant 1 : i32
    %dma_start3A_60 = arith.constant 0 : i32
    %dma_start3A_61 = tpu.memref_slice %arg6[%dma_start3A_57, %dma_start3A_58, %dma_start3A_59, %dma_start3A_60] : memref<2x20x2x128xi32, #tpu.memory_space<vmem>> -> memref<1x1x1x128xi32, #tpu.memory_space<vmem>>
    %dma_start3A_62 = tpu.memref_squeeze %dma_start3A_61 : memref<1x1x1x128xi32, #tpu.memory_space<vmem>> -> memref<128xi32, #tpu.memory_space<vmem>>
    %dma_start3A_63 = arith.constant 0 : i32
    %dma_start3A_64 = arith.constant 0 : i32
    %dma_start3A_65 = tpu.memref_slice %arg9[%dma_start3A_63, %dma_start3A_64] : memref<10240x128xf32, #tpu.memory_space<vmem_shared>> -> memref<10240x128xf32, #tpu.memory_space<vmem_shared>>
    tpu.enqueue_indirect_dma source(%arg7 : memref<128x128xf32, #tpu.memory_space<vmem>>) target(%dma_start3A_65 : memref<10240x128xf32, #tpu.memory_space<vmem_shared>>) offsets(%dma_start3A_62 : memref<128xi32, #tpu.memory_space<vmem>>) semaphore(%arg12 : memref<!tpu.dma_semaphore, #tpu.memory_space<semaphore_mem>>) {add = true}
    %dma_wait3A_66 = arith.constant 0 : i32
    %dma_wait3A_67 = arith.constant 1 : i32
    %dma_wait3A_68 = arith.constant 0 : i32
    %dma_wait3A_69 = arith.constant 0 : i32
    %dma_wait3A_70 = tpu.memref_slice %arg6[%dma_wait3A_66, %dma_wait3A_67, %dma_wait3A_68, %dma_wait3A_69] : memref<2x20x2x128xi32, #tpu.memory_space<vmem>> -> memref<1x1x1x128xi32, #tpu.memory_space<vmem>>
    %dma_wait3A_71 = tpu.memref_squeeze %dma_wait3A_70 : memref<1x1x1x128xi32, #tpu.memory_space<vmem>> -> memref<128xi32, #tpu.memory_space<vmem>>
    %dma_wait3A_72 = arith.constant 0 : i32
    %dma_wait3A_73 = arith.constant 0 : i32
    %dma_wait3A_74 = tpu.memref_slice %arg2[%dma_wait3A_72, %dma_wait3A_73] : memref<10240x128xf32, #tpu.memory_space<hbm>> -> memref<10240x128xf32, #tpu.memory_space<hbm>>
    tpu.wait_indirect_dma semaphore(%arg11 : memref<!tpu.dma_semaphore, #tpu.memory_space<semaphore_mem>>) src(%dma_wait3A_74 : memref<10240x128xf32, #tpu.memory_space<hbm>>) dst(%arg8 : memref<128x128xf32, #tpu.memory_space<vmem>>)
    %dma_start3A_75 = arith.constant 0 : i32
    %dma_start3A_76 = arith.constant 1 : i32
    %dma_start3A_77 = arith.constant 1 : i32
    %dma_start3A_78 = arith.constant 0 : i32
    %dma_start3A_79 = tpu.memref_slice %arg6[%dma_start3A_75, %dma_start3A_76, %dma_start3A_77, %dma_start3A_78] : memref<2x20x2x128xi32, #tpu.memory_space<vmem>> -> memref<1x1x1x128xi32, #tpu.memory_space<vmem>>
    %dma_start3A_80 = tpu.memref_squeeze %dma_start3A_79 : memref<1x1x1x128xi32, #tpu.memory_space<vmem>> -> memref<128xi32, #tpu.memory_space<vmem>>
    %dma_start3A_81 = arith.constant 0 : i32
    %dma_start3A_82 = arith.constant 0 : i32
    %dma_start3A_83 = tpu.memref_slice %arg9[%dma_start3A_81, %dma_start3A_82] : memref<10240x128xf32, #tpu.memory_space<vmem_shared>> -> memref<10240x128xf32, #tpu.memory_space<vmem_shared>>
    tpu.enqueue_indirect_dma source(%arg8 : memref<128x128xf32, #tpu.memory_space<vmem>>) target(%dma_start3A_83 : memref<10240x128xf32, #tpu.memory_space<vmem_shared>>) offsets(%dma_start3A_80 : memref<128xi32, #tpu.memory_space<vmem>>) semaphore(%arg13 : memref<!tpu.dma_semaphore, #tpu.memory_space<semaphore_mem>>) {add = true}
    %jit3A_84 = arith.constant 2 : i32
    %div3A = arith.divsi %select_n3A, %jit3A_84 : i32
    %sign3A = arith.constant 0 : i32
    %sign3A_85 = arith.cmpi sgt, %select_n3A, %sign3A : i32
    %sign3A_86 = arith.extui %sign3A_85 : i1 to i32
    %sign3A_87 = arith.constant 0 : i32
    %sign3A_88 = arith.cmpi slt, %select_n3A, %sign3A_87 : i32
    %sign3A_89 = arith.extui %sign3A_88 : i1 to i32
    %sign3A_90 = arith.subi %sign3A_86, %sign3A_89 : i32
    %sign3A_91 = arith.constant 0 : i32
    %sign3A_92 = arith.cmpi sgt, %jit3A_84, %sign3A_91 : i32
    %sign3A_93 = arith.extui %sign3A_92 : i1 to i32
    %sign3A_94 = arith.constant 0 : i32
    %sign3A_95 = arith.cmpi slt, %jit3A_84, %sign3A_94 : i32
    %sign3A_96 = arith.extui %sign3A_95 : i1 to i32
    %sign3A_97 = arith.subi %sign3A_93, %sign3A_96 : i32
    %ne3A = arith.cmpi ne, %sign3A_90, %sign3A_97 : i32
    %rem3A = arith.remsi %select_n3A, %jit3A_84 : i32
    %ne3A_98 = arith.constant 0 : i32
    %ne3A_99 = arith.cmpi ne, %rem3A, %ne3A_98 : i32
    %and3A = arith.andi %ne3A, %ne3A_99 : i1
    %sub3A = arith.constant 1 : i32
    %sub3A_100 = arith.subi %div3A, %sub3A : i32
    %select_n3A_101 = arith.select %and3A, %sub3A_100, %div3A : i32
    %while3A = arith.constant 0 : i32
    %while3A_102 = arith.constant 1 : i32
    %while3A_103 = arith.subi %select_n3A_101, %while3A_102 : i32
    %while3A_104 = arith.addi %while3A_102, %while3A_103 : i32
    %while3A_105 = arith.constant 1 : i32
    %while3A_106 = arith.divsi %while3A_103, %while3A_105 : i32
    %while3A_107 = arith.muli %while3A_106, %while3A_105 : i32
    %while3A_108 = arith.addi %while3A_102, %while3A_107 : i32
    %while3A_109 = arith.constant 1 : i32
    scf.for %while3A_151 = %while3A_102 to %while3A_108 step %while3A_109  : i32 {
      %mul3A_152 = arith.constant 2 : i32
      %mul3A_153 = arith.muli %mul3A_152, %while3A_151 : i32
      %div3A_154 = arith.constant 20 : i32
      %div3A_155 = arith.divsi %mul3A_153, %div3A_154 : i32
      %rem3A_156 = arith.constant 2 : i32
      %rem3A_157 = arith.remsi %div3A_155, %rem3A_156 : i32
      %rem3A_158 = arith.constant 20 : i32
      %rem3A_159 = arith.remsi %mul3A_153, %rem3A_158 : i32
      %eq3A_160 = arith.constant 0 : i32
      %eq3A_161 = arith.cmpi eq, %rem3A_159, %eq3A_160 : i32
      %convert_element_type3A = arith.extui %eq3A_161 : i1 to i32
      %cond3A = arith.constant 0 : i32
      %cond3A_162 = arith.cmpi ne, %convert_element_type3A, %cond3A : i32
      scf.if %cond3A_162 {
        %dma_wait3A_229 = arith.constant 0 : i32
        %dma_wait3A_230 = arith.constant 0 : i32
        %dma_wait3A_231 = arith.constant 0 : i32
        %dma_wait3A_232 = arith.constant 0 : i32
        %dma_wait3A_233 = tpu.memref_slice %arg6[%dma_wait3A_229, %dma_wait3A_230, %dma_wait3A_231, %dma_wait3A_232] : memref<2x20x2x128xi32, #tpu.memory_space<vmem>> -> memref<1x20x2x128xi32, #tpu.memory_space<vmem>>
        %dma_wait3A_234 = tpu.memref_squeeze %dma_wait3A_233 : memref<1x20x2x128xi32, #tpu.memory_space<vmem>> -> memref<20x2x128xi32, #tpu.memory_space<vmem>>
        %dma_wait3A_235 = arith.constant 0 : i32
        %dma_wait3A_236 = arith.constant 0 : i32
        %dma_wait3A_237 = tpu.memref_slice %arg3[%select_n3A_8, %dma_wait3A_235, %dma_wait3A_236] : memref<2580x2x128xi32, #tpu.memory_space<hbm>> -> memref<20x2x128xi32, #tpu.memory_space<hbm>>
        %dma_wait3A_238 = arith.constant 0 : i32
        %dma_wait3A_239 = arith.constant 0 : i32
        %dma_wait3A_240 = arith.constant 0 : i32
        %dma_wait3A_241 = tpu.memref_slice %arg6[%dma_wait3A_229, %dma_wait3A_238, %dma_wait3A_239, %dma_wait3A_240] : memref<2x20x2x128xi32, #tpu.memory_space<vmem>> -> memref<1x20x2x128xi32, #tpu.memory_space<vmem>>
        %dma_wait3A_242 = tpu.memref_squeeze %dma_wait3A_241 : memref<1x20x2x128xi32, #tpu.memory_space<vmem>> -> memref<20x2x128xi32, #tpu.memory_space<vmem>>
        %dma_wait3A_243 = arith.constant 0 : i32
        %dma_wait3A_244 = arith.constant 0 : i32
        %dma_wait3A_245 = tpu.memref_slice %arg3[%select_n3A_8, %dma_wait3A_243, %dma_wait3A_244] : memref<2580x2x128xi32, #tpu.memory_space<hbm>> -> memref<20x2x128xi32, #tpu.memory_space<hbm>>
        tpu.wait_dma2 semaphore(%arg14 : memref<!tpu.dma_semaphore, #tpu.memory_space<semaphore_mem>>) src(%dma_wait3A_245 : memref<20x2x128xi32, #tpu.memory_space<hbm>>) dst(%dma_wait3A_242 : memref<20x2x128xi32, #tpu.memory_space<vmem>>)
        %add3A_246 = arith.addi %select_n3A_8, %mul3A_153 : i32
        %add3A_247 = arith.constant 20 : i32
        %add3A_248 = arith.addi %add3A_246, %add3A_247 : i32
        %sub3A_249 = arith.constant 1 : i32
        %sub3A_250 = arith.subi %sub3A_249, %rem3A_157 : i32
        %dma_start3A_251 = arith.constant 0 : i32
        %dma_start3A_252 = arith.constant 0 : i32
        %dma_start3A_253 = arith.constant 0 : i32
        %dma_start3A_254 = tpu.memref_slice %arg6[%sub3A_250, %dma_start3A_251, %dma_start3A_252, %dma_start3A_253] : memref<2x20x2x128xi32, #tpu.memory_space<vmem>> -> memref<1x20x2x128xi32, #tpu.memory_space<vmem>>
        %dma_start3A_255 = tpu.memref_squeeze %dma_start3A_254 : memref<1x20x2x128xi32, #tpu.memory_space<vmem>> -> memref<20x2x128xi32, #tpu.memory_space<vmem>>
        %dma_start3A_256 = arith.constant 0 : i32
        %dma_start3A_257 = arith.constant 0 : i32
        %dma_start3A_258 = tpu.memref_slice %arg3[%add3A_248, %dma_start3A_256, %dma_start3A_257] : memref<2580x2x128xi32, #tpu.memory_space<hbm>> -> memref<20x2x128xi32, #tpu.memory_space<hbm>>
        %dma_start3A_259 = arith.constant 0 : i32
        %dma_start3A_260 = arith.constant 0 : i32
        %dma_start3A_261 = arith.constant 0 : i32
        %dma_start3A_262 = tpu.memref_slice %arg6[%sub3A_250, %dma_start3A_259, %dma_start3A_260, %dma_start3A_261] : memref<2x20x2x128xi32, #tpu.memory_space<vmem>> -> memref<1x20x2x128xi32, #tpu.memory_space<vmem>>
        %dma_start3A_263 = tpu.memref_squeeze %dma_start3A_262 : memref<1x20x2x128xi32, #tpu.memory_space<vmem>> -> memref<20x2x128xi32, #tpu.memory_space<vmem>>
        %dma_start3A_264 = arith.constant 0 : i32
        %dma_start3A_265 = arith.constant 0 : i32
        %dma_start3A_266 = tpu.memref_slice %arg3[%add3A_248, %dma_start3A_264, %dma_start3A_265] : memref<2580x2x128xi32, #tpu.memory_space<hbm>> -> memref<20x2x128xi32, #tpu.memory_space<hbm>>
        tpu.enqueue_dma source(%dma_start3A_266 : memref<20x2x128xi32, #tpu.memory_space<hbm>>) target(%dma_start3A_263 : memref<20x2x128xi32, #tpu.memory_space<vmem>>) target_semaphore(%arg14 : memref<!tpu.dma_semaphore, #tpu.memory_space<semaphore_mem>>)
      } else {
      }
      %dma_wait3A_163 = arith.constant 0 : i32
      %dma_wait3A_164 = arith.constant 0 : i32
      %dma_wait3A_165 = arith.constant 1 : i32
      %dma_wait3A_166 = arith.constant 0 : i32
      %dma_wait3A_167 = tpu.memref_slice %arg6[%dma_wait3A_163, %dma_wait3A_164, %dma_wait3A_165, %dma_wait3A_166] : memref<2x20x2x128xi32, #tpu.memory_space<vmem>> -> memref<1x1x1x128xi32, #tpu.memory_space<vmem>>
      %dma_wait3A_168 = tpu.memref_squeeze %dma_wait3A_167 : memref<1x1x1x128xi32, #tpu.memory_space<vmem>> -> memref<128xi32, #tpu.memory_space<vmem>>
      %dma_wait3A_169 = arith.constant 0 : i32
      %dma_wait3A_170 = arith.constant 0 : i32
      %dma_wait3A_171 = tpu.memref_slice %arg9[%dma_wait3A_169, %dma_wait3A_170] : memref<10240x128xf32, #tpu.memory_space<vmem_shared>> -> memref<10240x128xf32, #tpu.memory_space<vmem_shared>>
      tpu.wait_indirect_dma semaphore(%arg12 : memref<!tpu.dma_semaphore, #tpu.memory_space<semaphore_mem>>) src(%arg7 : memref<128x128xf32, #tpu.memory_space<vmem>>) dst(%dma_wait3A_171 : memref<10240x128xf32, #tpu.memory_space<vmem_shared>>)
      %dma_start3A_172 = arith.constant 0 : i32
      %dma_start3A_173 = arith.constant 0 : i32
      %dma_start3A_174 = tpu.memref_slice %arg6[%rem3A_157, %rem3A_159, %dma_start3A_172, %dma_start3A_173] : memref<2x20x2x128xi32, #tpu.memory_space<vmem>> -> memref<1x1x1x128xi32, #tpu.memory_space<vmem>>
      %dma_start3A_175 = tpu.memref_squeeze %dma_start3A_174 : memref<1x1x1x128xi32, #tpu.memory_space<vmem>> -> memref<128xi32, #tpu.memory_space<vmem>>
      %dma_start3A_176 = arith.constant 0 : i32
      %dma_start3A_177 = arith.constant 0 : i32
      %dma_start3A_178 = tpu.memref_slice %arg2[%dma_start3A_176, %dma_start3A_177] : memref<10240x128xf32, #tpu.memory_space<hbm>> -> memref<10240x128xf32, #tpu.memory_space<hbm>>
      tpu.enqueue_indirect_dma source(%dma_start3A_178 : memref<10240x128xf32, #tpu.memory_space<hbm>>) target(%arg7 : memref<128x128xf32, #tpu.memory_space<vmem>>) offsets(%dma_start3A_175 : memref<128xi32, #tpu.memory_space<vmem>>) semaphore(%arg10 : memref<!tpu.dma_semaphore, #tpu.memory_space<semaphore_mem>>)
      %dma_wait3A_179 = arith.constant 0 : i32
      %dma_wait3A_180 = arith.constant 0 : i32
      %dma_wait3A_181 = arith.constant 1 : i32
      %dma_wait3A_182 = arith.constant 0 : i32
      %dma_wait3A_183 = tpu.memref_slice %arg6[%dma_wait3A_179, %dma_wait3A_180, %dma_wait3A_181, %dma_wait3A_182] : memref<2x20x2x128xi32, #tpu.memory_space<vmem>> -> memref<1x1x1x128xi32, #tpu.memory_space<vmem>>
      %dma_wait3A_184 = tpu.memref_squeeze %dma_wait3A_183 : memref<1x1x1x128xi32, #tpu.memory_space<vmem>> -> memref<128xi32, #tpu.memory_space<vmem>>
      %dma_wait3A_185 = arith.constant 0 : i32
      %dma_wait3A_186 = arith.constant 0 : i32
      %dma_wait3A_187 = tpu.memref_slice %arg9[%dma_wait3A_185, %dma_wait3A_186] : memref<10240x128xf32, #tpu.memory_space<vmem_shared>> -> memref<10240x128xf32, #tpu.memory_space<vmem_shared>>
      tpu.wait_indirect_dma semaphore(%arg13 : memref<!tpu.dma_semaphore, #tpu.memory_space<semaphore_mem>>) src(%arg8 : memref<128x128xf32, #tpu.memory_space<vmem>>) dst(%dma_wait3A_187 : memref<10240x128xf32, #tpu.memory_space<vmem_shared>>)
      %add3A_188 = arith.constant 1 : i32
      %add3A_189 = arith.addi %rem3A_159, %add3A_188 : i32
      %dma_start3A_190 = arith.constant 0 : i32
      %dma_start3A_191 = arith.constant 0 : i32
      %dma_start3A_192 = tpu.memref_slice %arg6[%rem3A_157, %add3A_189, %dma_start3A_190, %dma_start3A_191] : memref<2x20x2x128xi32, #tpu.memory_space<vmem>> -> memref<1x1x1x128xi32, #tpu.memory_space<vmem>>
      %dma_start3A_193 = tpu.memref_squeeze %dma_start3A_192 : memref<1x1x1x128xi32, #tpu.memory_space<vmem>> -> memref<128xi32, #tpu.memory_space<vmem>>
      %dma_start3A_194 = arith.constant 0 : i32
      %dma_start3A_195 = arith.constant 0 : i32
      %dma_start3A_196 = tpu.memref_slice %arg2[%dma_start3A_194, %dma_start3A_195] : memref<10240x128xf32, #tpu.memory_space<hbm>> -> memref<10240x128xf32, #tpu.memory_space<hbm>>
      tpu.enqueue_indirect_dma source(%dma_start3A_196 : memref<10240x128xf32, #tpu.memory_space<hbm>>) target(%arg8 : memref<128x128xf32, #tpu.memory_space<vmem>>) offsets(%dma_start3A_193 : memref<128xi32, #tpu.memory_space<vmem>>) semaphore(%arg11 : memref<!tpu.dma_semaphore, #tpu.memory_space<semaphore_mem>>)
      %dma_wait3A_197 = arith.constant 0 : i32
      %dma_wait3A_198 = arith.constant 0 : i32
      %dma_wait3A_199 = tpu.memref_slice %arg6[%rem3A_157, %rem3A_159, %dma_wait3A_197, %dma_wait3A_198] : memref<2x20x2x128xi32, #tpu.memory_space<vmem>> -> memref<1x1x1x128xi32, #tpu.memory_space<vmem>>
      %dma_wait3A_200 = tpu.memref_squeeze %dma_wait3A_199 : memref<1x1x1x128xi32, #tpu.memory_space<vmem>> -> memref<128xi32, #tpu.memory_space<vmem>>
      %dma_wait3A_201 = arith.constant 0 : i32
      %dma_wait3A_202 = arith.constant 0 : i32
      %dma_wait3A_203 = tpu.memref_slice %arg2[%dma_wait3A_201, %dma_wait3A_202] : memref<10240x128xf32, #tpu.memory_space<hbm>> -> memref<10240x128xf32, #tpu.memory_space<hbm>>
      tpu.wait_indirect_dma semaphore(%arg10 : memref<!tpu.dma_semaphore, #tpu.memory_space<semaphore_mem>>) src(%dma_wait3A_203 : memref<10240x128xf32, #tpu.memory_space<hbm>>) dst(%arg7 : memref<128x128xf32, #tpu.memory_space<vmem>>)
      %dma_start3A_204 = arith.constant 1 : i32
      %dma_start3A_205 = arith.constant 0 : i32
      %dma_start3A_206 = tpu.memref_slice %arg6[%rem3A_157, %rem3A_159, %dma_start3A_204, %dma_start3A_205] : memref<2x20x2x128xi32, #tpu.memory_space<vmem>> -> memref<1x1x1x128xi32, #tpu.memory_space<vmem>>
      %dma_start3A_207 = tpu.memref_squeeze %dma_start3A_206 : memref<1x1x1x128xi32, #tpu.memory_space<vmem>> -> memref<128xi32, #tpu.memory_space<vmem>>
      %dma_start3A_208 = arith.constant 0 : i32
      %dma_start3A_209 = arith.constant 0 : i32
      %dma_start3A_210 = tpu.memref_slice %arg9[%dma_start3A_208, %dma_start3A_209] : memref<10240x128xf32, #tpu.memory_space<vmem_shared>> -> memref<10240x128xf32, #tpu.memory_space<vmem_shared>>
      tpu.enqueue_indirect_dma source(%arg7 : memref<128x128xf32, #tpu.memory_space<vmem>>) target(%dma_start3A_210 : memref<10240x128xf32, #tpu.memory_space<vmem_shared>>) offsets(%dma_start3A_207 : memref<128xi32, #tpu.memory_space<vmem>>) semaphore(%arg12 : memref<!tpu.dma_semaphore, #tpu.memory_space<semaphore_mem>>) {add = true}
      %add3A_211 = arith.constant 1 : i32
      %add3A_212 = arith.addi %rem3A_159, %add3A_211 : i32
      %dma_wait3A_213 = arith.constant 0 : i32
      %dma_wait3A_214 = arith.constant 0 : i32
      %dma_wait3A_215 = tpu.memref_slice %arg6[%rem3A_157, %add3A_212, %dma_wait3A_213, %dma_wait3A_214] : memref<2x20x2x128xi32, #tpu.memory_space<vmem>> -> memref<1x1x1x128xi32, #tpu.memory_space<vmem>>
      %dma_wait3A_216 = tpu.memref_squeeze %dma_wait3A_215 : memref<1x1x1x128xi32, #tpu.memory_space<vmem>> -> memref<128xi32, #tpu.memory_space<vmem>>
      %dma_wait3A_217 = arith.constant 0 : i32
      %dma_wait3A_218 = arith.constant 0 : i32
      %dma_wait3A_219 = tpu.memref_slice %arg2[%dma_wait3A_217, %dma_wait3A_218] : memref<10240x128xf32, #tpu.memory_space<hbm>> -> memref<10240x128xf32, #tpu.memory_space<hbm>>
      tpu.wait_indirect_dma semaphore(%arg11 : memref<!tpu.dma_semaphore, #tpu.memory_space<semaphore_mem>>) src(%dma_wait3A_219 : memref<10240x128xf32, #tpu.memory_space<hbm>>) dst(%arg8 : memref<128x128xf32, #tpu.memory_space<vmem>>)
      %add3A_220 = arith.constant 1 : i32
      %add3A_221 = arith.addi %rem3A_159, %add3A_220 : i32
      %dma_start3A_222 = arith.constant 1 : i32
      %dma_start3A_223 = arith.constant 0 : i32
      %dma_start3A_224 = tpu.memref_slice %arg6[%rem3A_157, %add3A_221, %dma_start3A_222, %dma_start3A_223] : memref<2x20x2x128xi32, #tpu.memory_space<vmem>> -> memref<1x1x1x128xi32, #tpu.memory_space<vmem>>
      %dma_start3A_225 = tpu.memref_squeeze %dma_start3A_224 : memref<1x1x1x128xi32, #tpu.memory_space<vmem>> -> memref<128xi32, #tpu.memory_space<vmem>>
      %dma_start3A_226 = arith.constant 0 : i32
      %dma_start3A_227 = arith.constant 0 : i32
      %dma_start3A_228 = tpu.memref_slice %arg9[%dma_start3A_226, %dma_start3A_227] : memref<10240x128xf32, #tpu.memory_space<vmem_shared>> -> memref<10240x128xf32, #tpu.memory_space<vmem_shared>>
      tpu.enqueue_indirect_dma source(%arg8 : memref<128x128xf32, #tpu.memory_space<vmem>>) target(%dma_start3A_228 : memref<10240x128xf32, #tpu.memory_space<vmem_shared>>) offsets(%dma_start3A_225 : memref<128xi32, #tpu.memory_space<vmem>>) semaphore(%arg13 : memref<!tpu.dma_semaphore, #tpu.memory_space<semaphore_mem>>) {add = true}
    }
    %while3A_110 = arith.constant 1 : i32
    scf.for %while3A_151 = %while3A_108 to %while3A_104 step %while3A_110  : i32 {
      %mul3A_152 = arith.constant 2 : i32
      %mul3A_153 = arith.muli %mul3A_152, %while3A_151 : i32
      %div3A_154 = arith.constant 20 : i32
      %div3A_155 = arith.divsi %mul3A_153, %div3A_154 : i32
      %rem3A_156 = arith.constant 2 : i32
      %rem3A_157 = arith.remsi %div3A_155, %rem3A_156 : i32
      %rem3A_158 = arith.constant 20 : i32
      %rem3A_159 = arith.remsi %mul3A_153, %rem3A_158 : i32
      %eq3A_160 = arith.constant 0 : i32
      %eq3A_161 = arith.cmpi eq, %rem3A_159, %eq3A_160 : i32
      %convert_element_type3A = arith.extui %eq3A_161 : i1 to i32
      %cond3A = arith.constant 0 : i32
      %cond3A_162 = arith.cmpi ne, %convert_element_type3A, %cond3A : i32
      scf.if %cond3A_162 {
        %dma_wait3A_229 = arith.constant 0 : i32
        %dma_wait3A_230 = arith.constant 0 : i32
        %dma_wait3A_231 = arith.constant 0 : i32
        %dma_wait3A_232 = arith.constant 0 : i32
        %dma_wait3A_233 = tpu.memref_slice %arg6[%dma_wait3A_229, %dma_wait3A_230, %dma_wait3A_231, %dma_wait3A_232] : memref<2x20x2x128xi32, #tpu.memory_space<vmem>> -> memref<1x20x2x128xi32, #tpu.memory_space<vmem>>
        %dma_wait3A_234 = tpu.memref_squeeze %dma_wait3A_233 : memref<1x20x2x128xi32, #tpu.memory_space<vmem>> -> memref<20x2x128xi32, #tpu.memory_space<vmem>>
        %dma_wait3A_235 = arith.constant 0 : i32
        %dma_wait3A_236 = arith.constant 0 : i32
        %dma_wait3A_237 = tpu.memref_slice %arg3[%select_n3A_8, %dma_wait3A_235, %dma_wait3A_236] : memref<2580x2x128xi32, #tpu.memory_space<hbm>> -> memref<20x2x128xi32, #tpu.memory_space<hbm>>
        %dma_wait3A_238 = arith.constant 0 : i32
        %dma_wait3A_239 = arith.constant 0 : i32
        %dma_wait3A_240 = arith.constant 0 : i32
        %dma_wait3A_241 = tpu.memref_slice %arg6[%dma_wait3A_229, %dma_wait3A_238, %dma_wait3A_239, %dma_wait3A_240] : memref<2x20x2x128xi32, #tpu.memory_space<vmem>> -> memref<1x20x2x128xi32, #tpu.memory_space<vmem>>
        %dma_wait3A_242 = tpu.memref_squeeze %dma_wait3A_241 : memref<1x20x2x128xi32, #tpu.memory_space<vmem>> -> memref<20x2x128xi32, #tpu.memory_space<vmem>>
        %dma_wait3A_243 = arith.constant 0 : i32
        %dma_wait3A_244 = arith.constant 0 : i32
        %dma_wait3A_245 = tpu.memref_slice %arg3[%select_n3A_8, %dma_wait3A_243, %dma_wait3A_244] : memref<2580x2x128xi32, #tpu.memory_space<hbm>> -> memref<20x2x128xi32, #tpu.memory_space<hbm>>
        tpu.wait_dma2 semaphore(%arg14 : memref<!tpu.dma_semaphore, #tpu.memory_space<semaphore_mem>>) src(%dma_wait3A_245 : memref<20x2x128xi32, #tpu.memory_space<hbm>>) dst(%dma_wait3A_242 : memref<20x2x128xi32, #tpu.memory_space<vmem>>)
        %add3A_246 = arith.addi %select_n3A_8, %mul3A_153 : i32
        %add3A_247 = arith.constant 20 : i32
        %add3A_248 = arith.addi %add3A_246, %add3A_247 : i32
        %sub3A_249 = arith.constant 1 : i32
        %sub3A_250 = arith.subi %sub3A_249, %rem3A_157 : i32
        %dma_start3A_251 = arith.constant 0 : i32
        %dma_start3A_252 = arith.constant 0 : i32
        %dma_start3A_253 = arith.constant 0 : i32
        %dma_start3A_254 = tpu.memref_slice %arg6[%sub3A_250, %dma_start3A_251, %dma_start3A_252, %dma_start3A_253] : memref<2x20x2x128xi32, #tpu.memory_space<vmem>> -> memref<1x20x2x128xi32, #tpu.memory_space<vmem>>
        %dma_start3A_255 = tpu.memref_squeeze %dma_start3A_254 : memref<1x20x2x128xi32, #tpu.memory_space<vmem>> -> memref<20x2x128xi32, #tpu.memory_space<vmem>>
        %dma_start3A_256 = arith.constant 0 : i32
        %dma_start3A_257 = arith.constant 0 : i32
        %dma_start3A_258 = tpu.memref_slice %arg3[%add3A_248, %dma_start3A_256, %dma_start3A_257] : memref<2580x2x128xi32, #tpu.memory_space<hbm>> -> memref<20x2x128xi32, #tpu.memory_space<hbm>>
        %dma_start3A_259 = arith.constant 0 : i32
        %dma_start3A_260 = arith.constant 0 : i32
        %dma_start3A_261 = arith.constant 0 : i32
        %dma_start3A_262 = tpu.memref_slice %arg6[%sub3A_250, %dma_start3A_259, %dma_start3A_260, %dma_start3A_261] : memref<2x20x2x128xi32, #tpu.memory_space<vmem>> -> memref<1x20x2x128xi32, #tpu.memory_space<vmem>>
        %dma_start3A_263 = tpu.memref_squeeze %dma_start3A_262 : memref<1x20x2x128xi32, #tpu.memory_space<vmem>> -> memref<20x2x128xi32, #tpu.memory_space<vmem>>
        %dma_start3A_264 = arith.constant 0 : i32
        %dma_start3A_265 = arith.constant 0 : i32
        %dma_start3A_266 = tpu.memref_slice %arg3[%add3A_248, %dma_start3A_264, %dma_start3A_265] : memref<2580x2x128xi32, #tpu.memory_space<hbm>> -> memref<20x2x128xi32, #tpu.memory_space<hbm>>
        tpu.enqueue_dma source(%dma_start3A_266 : memref<20x2x128xi32, #tpu.memory_space<hbm>>) target(%dma_start3A_263 : memref<20x2x128xi32, #tpu.memory_space<vmem>>) target_semaphore(%arg14 : memref<!tpu.dma_semaphore, #tpu.memory_space<semaphore_mem>>)
      } else {
      }
      %dma_wait3A_163 = arith.constant 0 : i32
      %dma_wait3A_164 = arith.constant 0 : i32
      %dma_wait3A_165 = arith.constant 1 : i32
      %dma_wait3A_166 = arith.constant 0 : i32
      %dma_wait3A_167 = tpu.memref_slice %arg6[%dma_wait3A_163, %dma_wait3A_164, %dma_wait3A_165, %dma_wait3A_166] : memref<2x20x2x128xi32, #tpu.memory_space<vmem>> -> memref<1x1x1x128xi32, #tpu.memory_space<vmem>>
      %dma_wait3A_168 = tpu.memref_squeeze %dma_wait3A_167 : memref<1x1x1x128xi32, #tpu.memory_space<vmem>> -> memref<128xi32, #tpu.memory_space<vmem>>
      %dma_wait3A_169 = arith.constant 0 : i32
      %dma_wait3A_170 = arith.constant 0 : i32
      %dma_wait3A_171 = tpu.memref_slice %arg9[%dma_wait3A_169, %dma_wait3A_170] : memref<10240x128xf32, #tpu.memory_space<vmem_shared>> -> memref<10240x128xf32, #tpu.memory_space<vmem_shared>>
      tpu.wait_indirect_dma semaphore(%arg12 : memref<!tpu.dma_semaphore, #tpu.memory_space<semaphore_mem>>) src(%arg7 : memref<128x128xf32, #tpu.memory_space<vmem>>) dst(%dma_wait3A_171 : memref<10240x128xf32, #tpu.memory_space<vmem_shared>>)
      %dma_start3A_172 = arith.constant 0 : i32
      %dma_start3A_173 = arith.constant 0 : i32
      %dma_start3A_174 = tpu.memref_slice %arg6[%rem3A_157, %rem3A_159, %dma_start3A_172, %dma_start3A_173] : memref<2x20x2x128xi32, #tpu.memory_space<vmem>> -> memref<1x1x1x128xi32, #tpu.memory_space<vmem>>
      %dma_start3A_175 = tpu.memref_squeeze %dma_start3A_174 : memref<1x1x1x128xi32, #tpu.memory_space<vmem>> -> memref<128xi32, #tpu.memory_space<vmem>>
      %dma_start3A_176 = arith.constant 0 : i32
      %dma_start3A_177 = arith.constant 0 : i32
      %dma_start3A_178 = tpu.memref_slice %arg2[%dma_start3A_176, %dma_start3A_177] : memref<10240x128xf32, #tpu.memory_space<hbm>> -> memref<10240x128xf32, #tpu.memory_space<hbm>>
      tpu.enqueue_indirect_dma source(%dma_start3A_178 : memref<10240x128xf32, #tpu.memory_space<hbm>>) target(%arg7 : memref<128x128xf32, #tpu.memory_space<vmem>>) offsets(%dma_start3A_175 : memref<128xi32, #tpu.memory_space<vmem>>) semaphore(%arg10 : memref<!tpu.dma_semaphore, #tpu.memory_space<semaphore_mem>>)
      %dma_wait3A_179 = arith.constant 0 : i32
      %dma_wait3A_180 = arith.constant 0 : i32
      %dma_wait3A_181 = arith.constant 1 : i32
      %dma_wait3A_182 = arith.constant 0 : i32
      %dma_wait3A_183 = tpu.memref_slice %arg6[%dma_wait3A_179, %dma_wait3A_180, %dma_wait3A_181, %dma_wait3A_182] : memref<2x20x2x128xi32, #tpu.memory_space<vmem>> -> memref<1x1x1x128xi32, #tpu.memory_space<vmem>>
      %dma_wait3A_184 = tpu.memref_squeeze %dma_wait3A_183 : memref<1x1x1x128xi32, #tpu.memory_space<vmem>> -> memref<128xi32, #tpu.memory_space<vmem>>
      %dma_wait3A_185 = arith.constant 0 : i32
      %dma_wait3A_186 = arith.constant 0 : i32
      %dma_wait3A_187 = tpu.memref_slice %arg9[%dma_wait3A_185, %dma_wait3A_186] : memref<10240x128xf32, #tpu.memory_space<vmem_shared>> -> memref<10240x128xf32, #tpu.memory_space<vmem_shared>>
      tpu.wait_indirect_dma semaphore(%arg13 : memref<!tpu.dma_semaphore, #tpu.memory_space<semaphore_mem>>) src(%arg8 : memref<128x128xf32, #tpu.memory_space<vmem>>) dst(%dma_wait3A_187 : memref<10240x128xf32, #tpu.memory_space<vmem_shared>>)
      %add3A_188 = arith.constant 1 : i32
      %add3A_189 = arith.addi %rem3A_159, %add3A_188 : i32
      %dma_start3A_190 = arith.constant 0 : i32
      %dma_start3A_191 = arith.constant 0 : i32
      %dma_start3A_192 = tpu.memref_slice %arg6[%rem3A_157, %add3A_189, %dma_start3A_190, %dma_start3A_191] : memref<2x20x2x128xi32, #tpu.memory_space<vmem>> -> memref<1x1x1x128xi32, #tpu.memory_space<vmem>>
      %dma_start3A_193 = tpu.memref_squeeze %dma_start3A_192 : memref<1x1x1x128xi32, #tpu.memory_space<vmem>> -> memref<128xi32, #tpu.memory_space<vmem>>
      %dma_start3A_194 = arith.constant 0 : i32
      %dma_start3A_195 = arith.constant 0 : i32
      %dma_start3A_196 = tpu.memref_slice %arg2[%dma_start3A_194, %dma_start3A_195] : memref<10240x128xf32, #tpu.memory_space<hbm>> -> memref<10240x128xf32, #tpu.memory_space<hbm>>
      tpu.enqueue_indirect_dma source(%dma_start3A_196 : memref<10240x128xf32, #tpu.memory_space<hbm>>) target(%arg8 : memref<128x128xf32, #tpu.memory_space<vmem>>) offsets(%dma_start3A_193 : memref<128xi32, #tpu.memory_space<vmem>>) semaphore(%arg11 : memref<!tpu.dma_semaphore, #tpu.memory_space<semaphore_mem>>)
      %dma_wait3A_197 = arith.constant 0 : i32
      %dma_wait3A_198 = arith.constant 0 : i32
      %dma_wait3A_199 = tpu.memref_slice %arg6[%rem3A_157, %rem3A_159, %dma_wait3A_197, %dma_wait3A_198] : memref<2x20x2x128xi32, #tpu.memory_space<vmem>> -> memref<1x1x1x128xi32, #tpu.memory_space<vmem>>
      %dma_wait3A_200 = tpu.memref_squeeze %dma_wait3A_199 : memref<1x1x1x128xi32, #tpu.memory_space<vmem>> -> memref<128xi32, #tpu.memory_space<vmem>>
      %dma_wait3A_201 = arith.constant 0 : i32
      %dma_wait3A_202 = arith.constant 0 : i32
      %dma_wait3A_203 = tpu.memref_slice %arg2[%dma_wait3A_201, %dma_wait3A_202] : memref<10240x128xf32, #tpu.memory_space<hbm>> -> memref<10240x128xf32, #tpu.memory_space<hbm>>
      tpu.wait_indirect_dma semaphore(%arg10 : memref<!tpu.dma_semaphore, #tpu.memory_space<semaphore_mem>>) src(%dma_wait3A_203 : memref<10240x128xf32, #tpu.memory_space<hbm>>) dst(%arg7 : memref<128x128xf32, #tpu.memory_space<vmem>>)
      %dma_start3A_204 = arith.constant 1 : i32
      %dma_start3A_205 = arith.constant 0 : i32
      %dma_start3A_206 = tpu.memref_slice %arg6[%rem3A_157, %rem3A_159, %dma_start3A_204, %dma_start3A_205] : memref<2x20x2x128xi32, #tpu.memory_space<vmem>> -> memref<1x1x1x128xi32, #tpu.memory_space<vmem>>
      %dma_start3A_207 = tpu.memref_squeeze %dma_start3A_206 : memref<1x1x1x128xi32, #tpu.memory_space<vmem>> -> memref<128xi32, #tpu.memory_space<vmem>>
      %dma_start3A_208 = arith.constant 0 : i32
      %dma_start3A_209 = arith.constant 0 : i32
      %dma_start3A_210 = tpu.memref_slice %arg9[%dma_start3A_208, %dma_start3A_209] : memref<10240x128xf32, #tpu.memory_space<vmem_shared>> -> memref<10240x128xf32, #tpu.memory_space<vmem_shared>>
      tpu.enqueue_indirect_dma source(%arg7 : memref<128x128xf32, #tpu.memory_space<vmem>>) target(%dma_start3A_210 : memref<10240x128xf32, #tpu.memory_space<vmem_shared>>) offsets(%dma_start3A_207 : memref<128xi32, #tpu.memory_space<vmem>>) semaphore(%arg12 : memref<!tpu.dma_semaphore, #tpu.memory_space<semaphore_mem>>) {add = true}
      %add3A_211 = arith.constant 1 : i32
      %add3A_212 = arith.addi %rem3A_159, %add3A_211 : i32
      %dma_wait3A_213 = arith.constant 0 : i32
      %dma_wait3A_214 = arith.constant 0 : i32
      %dma_wait3A_215 = tpu.memref_slice %arg6[%rem3A_157, %add3A_212, %dma_wait3A_213, %dma_wait3A_214] : memref<2x20x2x128xi32, #tpu.memory_space<vmem>> -> memref<1x1x1x128xi32, #tpu.memory_space<vmem>>
      %dma_wait3A_216 = tpu.memref_squeeze %dma_wait3A_215 : memref<1x1x1x128xi32, #tpu.memory_space<vmem>> -> memref<128xi32, #tpu.memory_space<vmem>>
      %dma_wait3A_217 = arith.constant 0 : i32
      %dma_wait3A_218 = arith.constant 0 : i32
      %dma_wait3A_219 = tpu.memref_slice %arg2[%dma_wait3A_217, %dma_wait3A_218] : memref<10240x128xf32, #tpu.memory_space<hbm>> -> memref<10240x128xf32, #tpu.memory_space<hbm>>
      tpu.wait_indirect_dma semaphore(%arg11 : memref<!tpu.dma_semaphore, #tpu.memory_space<semaphore_mem>>) src(%dma_wait3A_219 : memref<10240x128xf32, #tpu.memory_space<hbm>>) dst(%arg8 : memref<128x128xf32, #tpu.memory_space<vmem>>)
      %add3A_220 = arith.constant 1 : i32
      %add3A_221 = arith.addi %rem3A_159, %add3A_220 : i32
      %dma_start3A_222 = arith.constant 1 : i32
      %dma_start3A_223 = arith.constant 0 : i32
      %dma_start3A_224 = tpu.memref_slice %arg6[%rem3A_157, %add3A_221, %dma_start3A_222, %dma_start3A_223] : memref<2x20x2x128xi32, #tpu.memory_space<vmem>> -> memref<1x1x1x128xi32, #tpu.memory_space<vmem>>
      %dma_start3A_225 = tpu.memref_squeeze %dma_start3A_224 : memref<1x1x1x128xi32, #tpu.memory_space<vmem>> -> memref<128xi32, #tpu.memory_space<vmem>>
      %dma_start3A_226 = arith.constant 0 : i32
      %dma_start3A_227 = arith.constant 0 : i32
      %dma_start3A_228 = tpu.memref_slice %arg9[%dma_start3A_226, %dma_start3A_227] : memref<10240x128xf32, #tpu.memory_space<vmem_shared>> -> memref<10240x128xf32, #tpu.memory_space<vmem_shared>>
      tpu.enqueue_indirect_dma source(%arg8 : memref<128x128xf32, #tpu.memory_space<vmem>>) target(%dma_start3A_228 : memref<10240x128xf32, #tpu.memory_space<vmem_shared>>) offsets(%dma_start3A_225 : memref<128xi32, #tpu.memory_space<vmem>>) semaphore(%arg13 : memref<!tpu.dma_semaphore, #tpu.memory_space<semaphore_mem>>) {add = true}
    }
    %dma_wait3A_111 = arith.constant 0 : i32
    %dma_wait3A_112 = arith.constant 0 : i32
    %dma_wait3A_113 = arith.constant 1 : i32
    %dma_wait3A_114 = arith.constant 0 : i32
    %dma_wait3A_115 = tpu.memref_slice %arg6[%dma_wait3A_111, %dma_wait3A_112, %dma_wait3A_113, %dma_wait3A_114] : memref<2x20x2x128xi32, #tpu.memory_space<vmem>> -> memref<1x1x1x128xi32, #tpu.memory_space<vmem>>
    %dma_wait3A_116 = tpu.memref_squeeze %dma_wait3A_115 : memref<1x1x1x128xi32, #tpu.memory_space<vmem>> -> memref<128xi32, #tpu.memory_space<vmem>>
    %dma_wait3A_117 = arith.constant 0 : i32
    %dma_wait3A_118 = arith.constant 0 : i32
    %dma_wait3A_119 = tpu.memref_slice %arg9[%dma_wait3A_117, %dma_wait3A_118] : memref<10240x128xf32, #tpu.memory_space<vmem_shared>> -> memref<10240x128xf32, #tpu.memory_space<vmem_shared>>
    tpu.wait_indirect_dma semaphore(%arg12 : memref<!tpu.dma_semaphore, #tpu.memory_space<semaphore_mem>>) src(%arg7 : memref<128x128xf32, #tpu.memory_space<vmem>>) dst(%dma_wait3A_119 : memref<10240x128xf32, #tpu.memory_space<vmem_shared>>)
    %dma_wait3A_120 = arith.constant 0 : i32
    %dma_wait3A_121 = arith.constant 0 : i32
    %dma_wait3A_122 = arith.constant 1 : i32
    %dma_wait3A_123 = arith.constant 0 : i32
    %dma_wait3A_124 = tpu.memref_slice %arg6[%dma_wait3A_120, %dma_wait3A_121, %dma_wait3A_122, %dma_wait3A_123] : memref<2x20x2x128xi32, #tpu.memory_space<vmem>> -> memref<1x1x1x128xi32, #tpu.memory_space<vmem>>
    %dma_wait3A_125 = tpu.memref_squeeze %dma_wait3A_124 : memref<1x1x1x128xi32, #tpu.memory_space<vmem>> -> memref<128xi32, #tpu.memory_space<vmem>>
    %dma_wait3A_126 = arith.constant 0 : i32
    %dma_wait3A_127 = arith.constant 0 : i32
    %dma_wait3A_128 = tpu.memref_slice %arg9[%dma_wait3A_126, %dma_wait3A_127] : memref<10240x128xf32, #tpu.memory_space<vmem_shared>> -> memref<10240x128xf32, #tpu.memory_space<vmem_shared>>
    tpu.wait_indirect_dma semaphore(%arg13 : memref<!tpu.dma_semaphore, #tpu.memory_space<semaphore_mem>>) src(%arg8 : memref<128x128xf32, #tpu.memory_space<vmem>>) dst(%dma_wait3A_128 : memref<10240x128xf32, #tpu.memory_space<vmem_shared>>)
    %dma_wait3A_129 = arith.constant 0 : i32
    %dma_wait3A_130 = arith.constant 0 : i32
    %dma_wait3A_131 = arith.constant 0 : i32
    %dma_wait3A_132 = arith.constant 0 : i32
    %dma_wait3A_133 = tpu.memref_slice %arg6[%dma_wait3A_129, %dma_wait3A_130, %dma_wait3A_131, %dma_wait3A_132] : memref<2x20x2x128xi32, #tpu.memory_space<vmem>> -> memref<1x20x2x128xi32, #tpu.memory_space<vmem>>
    %dma_wait3A_134 = tpu.memref_squeeze %dma_wait3A_133 : memref<1x20x2x128xi32, #tpu.memory_space<vmem>> -> memref<20x2x128xi32, #tpu.memory_space<vmem>>
    %dma_wait3A_135 = arith.constant 0 : i32
    %dma_wait3A_136 = arith.constant 0 : i32
    %dma_wait3A_137 = tpu.memref_slice %arg3[%select_n3A_8, %dma_wait3A_135, %dma_wait3A_136] : memref<2580x2x128xi32, #tpu.memory_space<hbm>> -> memref<20x2x128xi32, #tpu.memory_space<hbm>>
    %dma_wait3A_138 = arith.constant 0 : i32
    %dma_wait3A_139 = arith.constant 0 : i32
    %dma_wait3A_140 = arith.constant 0 : i32
    %dma_wait3A_141 = tpu.memref_slice %arg6[%dma_wait3A_129, %dma_wait3A_138, %dma_wait3A_139, %dma_wait3A_140] : memref<2x20x2x128xi32, #tpu.memory_space<vmem>> -> memref<1x20x2x128xi32, #tpu.memory_space<vmem>>
    %dma_wait3A_142 = tpu.memref_squeeze %dma_wait3A_141 : memref<1x20x2x128xi32, #tpu.memory_space<vmem>> -> memref<20x2x128xi32, #tpu.memory_space<vmem>>
    %dma_wait3A_143 = arith.constant 0 : i32
    %dma_wait3A_144 = arith.constant 0 : i32
    %dma_wait3A_145 = tpu.memref_slice %arg3[%select_n3A_8, %dma_wait3A_143, %dma_wait3A_144] : memref<2580x2x128xi32, #tpu.memory_space<hbm>> -> memref<20x2x128xi32, #tpu.memory_space<hbm>>
    tpu.wait_dma2 semaphore(%arg14 : memref<!tpu.dma_semaphore, #tpu.memory_space<semaphore_mem>>) src(%dma_wait3A_145 : memref<20x2x128xi32, #tpu.memory_space<hbm>>) dst(%dma_wait3A_142 : memref<20x2x128xi32, #tpu.memory_space<vmem>>)
    %barrier3A_146 = arith.constant 0 : index
    tpu.barrier barrier_id(%barrier3A_146)
    %mul3A_147 = arith.constant 640 : i32
    %mul3A_148 = arith.muli %arg1, %mul3A_147 : i32
    %mul3A_149 = arith.constant 640 : i32
    %mul3A_150 = arith.muli %arg1, %mul3A_149 : i32
    "tpu.region"() ({
      %run_scoped3A_151 = tpu.sem_alloc : memref<!tpu.dma_semaphore, #tpu.memory_space<semaphore_mem>>
      %dma_start3A_152 = arith.constant 0 : i32
      %dma_start3A_153 = arith.constant 0 : i32
      %dma_start3A_154 = tpu.memref_slice %arg5[%arg0, %dma_start3A_152, %dma_start3A_153] : memref<2x10240x128xf32, #tpu.memory_space<hbm>> -> memref<1x10240x128xf32, #tpu.memory_space<hbm>>
      %dma_start3A_155 = tpu.memref_squeeze %dma_start3A_154 : memref<1x10240x128xf32, #tpu.memory_space<hbm>> -> memref<10240x128xf32, #tpu.memory_space<hbm>>
      %dma_start3A_156 = arith.constant 0 : i32
      %dma_start3A_157 = tpu.memref_slice %dma_start3A_155[%mul3A_150, %dma_start3A_156] : memref<10240x128xf32, #tpu.memory_space<hbm>> -> memref<640x128xf32, #tpu.memory_space<hbm>>
      %dma_start3A_158 = arith.constant 0 : i32
      %dma_start3A_159 = tpu.memref_slice %arg9[%mul3A_148, %dma_start3A_158] : memref<10240x128xf32, #tpu.memory_space<vmem_shared>> -> memref<640x128xf32, #tpu.memory_space<vmem_shared>>
      tpu.enqueue_dma source(%dma_start3A_159 : memref<640x128xf32, #tpu.memory_space<vmem_shared>>) target(%dma_start3A_157 : memref<640x128xf32, #tpu.memory_space<hbm>>) target_semaphore(%run_scoped3A_151 : memref<!tpu.dma_semaphore, #tpu.memory_space<semaphore_mem>>)
      %dma_wait3A_160 = arith.constant 0 : i32
      %dma_wait3A_161 = arith.constant 0 : i32
      %dma_wait3A_162 = tpu.memref_slice %arg5[%arg0, %dma_wait3A_160, %dma_wait3A_161] : memref<2x10240x128xf32, #tpu.memory_space<hbm>> -> memref<1x10240x128xf32, #tpu.memory_space<hbm>>
      %dma_wait3A_163 = tpu.memref_squeeze %dma_wait3A_162 : memref<1x10240x128xf32, #tpu.memory_space<hbm>> -> memref<10240x128xf32, #tpu.memory_space<hbm>>
      %dma_wait3A_164 = arith.constant 0 : i32
      %dma_wait3A_165 = tpu.memref_slice %dma_wait3A_163[%mul3A_150, %dma_wait3A_164] : memref<10240x128xf32, #tpu.memory_space<hbm>> -> memref<640x128xf32, #tpu.memory_space<hbm>>
      %dma_wait3A_166 = arith.constant 0 : i32
      %dma_wait3A_167 = tpu.memref_slice %arg9[%mul3A_148, %dma_wait3A_166] : memref<10240x128xf32, #tpu.memory_space<vmem_shared>> -> memref<640x128xf32, #tpu.memory_space<vmem_shared>>
      tpu.wait_dma2 semaphore(%run_scoped3A_151 : memref<!tpu.dma_semaphore, #tpu.memory_space<semaphore_mem>>) src(%dma_wait3A_167 : memref<640x128xf32, #tpu.memory_space<vmem_shared>>) dst(%dma_wait3A_165 : memref<640x128xf32, #tpu.memory_space<hbm>>)
      tpu.yield
    }) : () -> ()
    return
  }
}

module attributes {stable_mosaic.version = 14 : i64} {
  func.func @_mm_body(%arg0: i32, %arg1: memref<128x128xf32, #tpu.memory_space<vmem>>, %arg2: memref<128x128xf32, #tpu.memory_space<vmem>>, %arg3: memref<128x128xf32, #tpu.memory_space<vmem>>) attributes {dimension_semantics = [#tpu.dimension_semantics<arbitrary>], iteration_bounds = array<i64: 80>, scalar_prefetch = 0 : i64, scratch_operands = 0 : i64, tpu.core_type = #tpu.core_type<tc>, window_params = [{transform_indices = @transform_0, window_bounds = array<i64: 128, 128>}, {pipeline_mode = #tpu.pipeline_mode<synchronous>, transform_indices = @transform_1, window_bounds = array<i64: 128, 128>}, {transform_indices = @transform_2, window_bounds = array<i64: 128, 128>}]} {
    %get3A = arith.constant 0 : index
    %get3A_0 = arith.constant 0 : index
    %get3A_1 = vector.load %arg1[%get3A, %get3A_0] : memref<128x128xf32, #tpu.memory_space<vmem>>, vector<128x128xf32>
    %get3A_2 = arith.constant 0 : index
    %get3A_3 = arith.constant 0 : index
    %get3A_4 = vector.load %arg2[%get3A_2, %get3A_3] : memref<128x128xf32, #tpu.memory_space<vmem>>, vector<128x128xf32>
    %dot_general3A = arith.constant dense<0.000000e+00> : vector<128x128xf32>
    %dot_general3A_5 = tpu.matmul %get3A_1, %get3A_4, %dot_general3A {dimension_numbers = #tpu.dot_dimension_numbers<[1], [0], [0], [1], [0, 0, 1, 1], [], []>, transpose_lhs_hint = false} : vector<128x128xf32>, vector<128x128xf32>, vector<128x128xf32> -> vector<128x128xf32>
    %swap3A = arith.constant 0 : index
    %swap3A_6 = arith.constant 0 : index
    %swap3A_7 = vector.load %arg3[%swap3A, %swap3A_6] : memref<128x128xf32, #tpu.memory_space<vmem>>, vector<128x128xf32>
    tpu.vector_store %arg3[%swap3A, %swap3A_6], %dot_general3A_5 {strides = array<i32>} : memref<128x128xf32, #tpu.memory_space<vmem>>, vector<128x128xf32>,
    return
  }
  func.func @transform_0(%arg0: i32) -> (i32, i32) {
    %c0_i32 = arith.constant 0 : i32
    %c0_i32_0 = arith.constant 0 : i32
    return %arg0, %c0_i32 : i32, i32
  }
  func.func @transform_1(%arg0: i32) -> (i32, i32) {
    %c0_i32 = arith.constant 0 : i32
    %c0_i32_0 = arith.constant 0 : i32
    %c0_i32_1 = arith.constant 0 : i32
    return %c0_i32, %c0_i32_0 : i32, i32
  }
  func.func @transform_2(%arg0: i32) -> (i32, i32) {
    %c0_i32 = arith.constant 0 : i32
    %c0_i32_0 = arith.constant 0 : i32
    return %arg0, %c0_i32 : i32, i32
  }
}

module attributes {stable_mosaic.version = 14 : i64} {
  func.func @_dinv_scale_body(%arg0: i32, %arg1: memref<2x128x128xf32, #tpu.memory_space<vmem>>, %arg2: memref<128x128xf32, #tpu.memory_space<vmem>>, %arg3: memref<128x1xf32, #tpu.memory_space<vmem>>, %arg4: memref<128x128xf32, #tpu.memory_space<vmem>>) attributes {dimension_semantics = [#tpu.dimension_semantics<arbitrary>], iteration_bounds = array<i64: 80>, scalar_prefetch = 0 : i64, scratch_operands = 0 : i64, tpu.core_type = #tpu.core_type<tc>, window_params = [{transform_indices = @transform_0, window_bounds = array<i64: 2, 128, 128>}, {transform_indices = @transform_1, window_bounds = array<i64: 128, 128>}, {transform_indices = @transform_2, window_bounds = array<i64: 128, 1>}, {transform_indices = @transform_3, window_bounds = array<i64: 128, 128>}]} {
    %get3A = arith.constant 0 : index
    %get3A_0 = arith.constant 0 : index
    %get3A_1 = arith.constant 0 : index
    %get3A_2 = vector.load %arg1[%get3A, %get3A_0, %get3A_1] : memref<2x128x128xf32, #tpu.memory_space<vmem>>, vector<1x128x1xf32>
    %get3A_3 = vector.shape_cast %get3A_2 : vector<1x128x1xf32> to vector<128x1xf32>
    %get3A_4 = arith.constant 1 : index
    %get3A_5 = arith.constant 0 : index
    %get3A_6 = arith.constant 0 : index
    %get3A_7 = vector.load %arg1[%get3A_4, %get3A_5, %get3A_6] : memref<2x128x128xf32, #tpu.memory_space<vmem>>, vector<1x128x1xf32>
    %get3A_8 = vector.shape_cast %get3A_7 : vector<1x128x1xf32> to vector<128x1xf32>
    %add3A = arith.addf %get3A_3, %get3A_8 : vector<128x1xf32>
    %add3A_9 = arith.constant 1.000000e+00 : f32
    %add3A_10 = vector.broadcast %add3A_9 : f32 to vector<128x1xf32>
    %add3A_11 = arith.addf %add3A, %add3A_10 : vector<128x1xf32>
    %rsqrt3A = math.rsqrt %add3A_11 : vector<128x1xf32>
    %swap3A = arith.constant 0 : index
    %swap3A_12 = arith.constant 0 : index
    %swap3A_13 = vector.load %arg3[%swap3A, %swap3A_12] : memref<128x1xf32, #tpu.memory_space<vmem>>, vector<128x1xf32>
    tpu.vector_store %arg3[%swap3A, %swap3A_12], %rsqrt3A {strides = array<i32>} : memref<128x1xf32, #tpu.memory_space<vmem>>, vector<128x1xf32>,
    %get3A_14 = arith.constant 0 : index
    %get3A_15 = arith.constant 0 : index
    %get3A_16 = vector.load %arg2[%get3A_14, %get3A_15] : memref<128x128xf32, #tpu.memory_space<vmem>>, vector<128x128xf32>
    %mul3A = vector.broadcast %rsqrt3A : vector<128x1xf32> to vector<128x128xf32>
    %mul3A_17 = arith.mulf %get3A_16, %mul3A : vector<128x128xf32>
    %swap3A_18 = arith.constant 0 : index
    %swap3A_19 = arith.constant 0 : index
    %swap3A_20 = vector.load %arg4[%swap3A_18, %swap3A_19] : memref<128x128xf32, #tpu.memory_space<vmem>>, vector<128x128xf32>
    tpu.vector_store %arg4[%swap3A_18, %swap3A_19], %mul3A_17 {strides = array<i32>} : memref<128x128xf32, #tpu.memory_space<vmem>>, vector<128x128xf32>,
    return
  }
  func.func @transform_0(%arg0: i32) -> (i32, i32, i32) {
    %c0_i32 = arith.constant 0 : i32
    %c0_i32_0 = arith.constant 0 : i32
    %c0_i32_1 = arith.constant 0 : i32
    return %c0_i32, %arg0, %c0_i32_0 : i32, i32, i32
  }
  func.func @transform_1(%arg0: i32) -> (i32, i32) {
    %c0_i32 = arith.constant 0 : i32
    %c0_i32_0 = arith.constant 0 : i32
    return %arg0, %c0_i32 : i32, i32
  }
  func.func @transform_2(%arg0: i32) -> (i32, i32) {
    %c0_i32 = arith.constant 0 : i32
    %c0_i32_0 = arith.constant 0 : i32
    return %arg0, %c0_i32 : i32, i32
  }
  func.func @transform_3(%arg0: i32) -> (i32, i32) {
    %c0_i32 = arith.constant 0 : i32
    %c0_i32_0 = arith.constant 0 : i32
    return %arg0, %c0_i32 : i32, i32
  }
}

module attributes {stable_mosaic.version = 14 : i64} {
  func.func @_combine_mm_body(%arg0: i32, %arg1: memref<2x128x128xf32, #tpu.memory_space<vmem>>, %arg2: memref<128x128xf32, #tpu.memory_space<vmem>>, %arg3: memref<128x1xf32, #tpu.memory_space<vmem>>, %arg4: memref<1x128xf32, #tpu.memory_space<vmem>>, %arg5: memref<128x128xf32, #tpu.memory_space<vmem>>, %arg6: memref<128x128xf32, #tpu.memory_space<vmem>>) attributes {dimension_semantics = [#tpu.dimension_semantics<arbitrary>], iteration_bounds = array<i64: 80>, scalar_prefetch = 0 : i64, scratch_operands = 0 : i64, tpu.core_type = #tpu.core_type<tc>, window_params = [{transform_indices = @transform_0, window_bounds = array<i64: 2, 128, 128>}, {transform_indices = @transform_1, window_bounds = array<i64: 128, 128>}, {transform_indices = @transform_2, window_bounds = array<i64: 128, 1>}, {pipeline_mode = #tpu.pipeline_mode<synchronous>, transform_indices = @transform_3, window_bounds = array<i64: 1, 128>}, {pipeline_mode = #tpu.pipeline_mode<synchronous>, transform_indices = @transform_4, window_bounds = array<i64: 128, 128>}, {transform_indices = @transform_5, window_bounds = array<i64: 128, 128>}]} {
    %get3A = arith.constant 0 : index
    %get3A_0 = arith.constant 0 : index
    %get3A_1 = arith.constant 0 : index
    %get3A_2 = vector.load %arg1[%get3A, %get3A_0, %get3A_1] : memref<2x128x128xf32, #tpu.memory_space<vmem>>, vector<1x128x128xf32>
    %get3A_3 = vector.shape_cast %get3A_2 : vector<1x128x128xf32> to vector<128x128xf32>
    %get3A_4 = arith.constant 1 : index
    %get3A_5 = arith.constant 0 : index
    %get3A_6 = arith.constant 0 : index
    %get3A_7 = vector.load %arg1[%get3A_4, %get3A_5, %get3A_6] : memref<2x128x128xf32, #tpu.memory_space<vmem>>, vector<1x128x128xf32>
    %get3A_8 = vector.shape_cast %get3A_7 : vector<1x128x128xf32> to vector<128x128xf32>
    %add3A = arith.addf %get3A_3, %get3A_8 : vector<128x128xf32>
    %get3A_9 = arith.constant 0 : index
    %get3A_10 = arith.constant 0 : index
    %get3A_11 = vector.load %arg2[%get3A_9, %get3A_10] : memref<128x128xf32, #tpu.memory_space<vmem>>, vector<128x128xf32>
    %add3A_12 = arith.addf %add3A, %get3A_11 : vector<128x128xf32>
    %get3A_13 = arith.constant 0 : index
    %get3A_14 = arith.constant 0 : index
    %get3A_15 = vector.load %arg3[%get3A_13, %get3A_14] : memref<128x1xf32, #tpu.memory_space<vmem>>, vector<128x1xf32>
    %mul3A = vector.broadcast %get3A_15 : vector<128x1xf32> to vector<128x128xf32>
    %mul3A_16 = arith.mulf %mul3A, %add3A_12 : vector<128x128xf32>
    %get3A_17 = arith.constant 0 : index
    %get3A_18 = arith.constant 0 : index
    %get3A_19 = vector.load %arg4[%get3A_17, %get3A_18] : memref<1x128xf32, #tpu.memory_space<vmem>>, vector<1x128xf32>
    %add3A_20 = vector.broadcast %get3A_19 : vector<1x128xf32> to vector<128x128xf32>
    %add3A_21 = arith.addf %mul3A_16, %add3A_20 : vector<128x128xf32>
    %max3A = arith.constant 0.000000e+00 : f32
    %max3A_22 = vector.broadcast %max3A : f32 to vector<128x128xf32>
    %max3A_23 = arith.maximumf %add3A_21, %max3A_22 : vector<128x128xf32>
    %get3A_24 = arith.constant 0 : index
    %get3A_25 = arith.constant 0 : index
    %get3A_26 = vector.load %arg5[%get3A_24, %get3A_25] : memref<128x128xf32, #tpu.memory_space<vmem>>, vector<128x128xf32>
    %dot_general3A = arith.constant dense<0.000000e+00> : vector<128x128xf32>
    %dot_general3A_27 = tpu.matmul %max3A_23, %get3A_26, %dot_general3A {dimension_numbers = #tpu.dot_dimension_numbers<[1], [0], [0], [1], [0, 0, 1, 1], [], []>, transpose_lhs_hint = false} : vector<128x128xf32>, vector<128x128xf32>, vector<128x128xf32> -> vector<128x128xf32>
    %get3A_28 = arith.constant 0 : index
    %get3A_29 = arith.constant 0 : index
    %get3A_30 = vector.load %arg3[%get3A_28, %get3A_29] : memref<128x1xf32, #tpu.memory_space<vmem>>, vector<128x1xf32>
    %mul3A_31 = vector.broadcast %get3A_30 : vector<128x1xf32> to vector<128x128xf32>
    %mul3A_32 = arith.mulf %dot_general3A_27, %mul3A_31 : vector<128x128xf32>
    %swap3A = arith.constant 0 : index
    %swap3A_33 = arith.constant 0 : index
    %swap3A_34 = vector.load %arg6[%swap3A, %swap3A_33] : memref<128x128xf32, #tpu.memory_space<vmem>>, vector<128x128xf32>
    tpu.vector_store %arg6[%swap3A, %swap3A_33], %mul3A_32 {strides = array<i32>} : memref<128x128xf32, #tpu.memory_space<vmem>>, vector<128x128xf32>,
    return
  }
  func.func @transform_0(%arg0: i32) -> (i32, i32, i32) {
    %c0_i32 = arith.constant 0 : i32
    %c0_i32_0 = arith.constant 0 : i32
    %c0_i32_1 = arith.constant 0 : i32
    return %c0_i32, %arg0, %c0_i32_0 : i32, i32, i32
  }
  func.func @transform_1(%arg0: i32) -> (i32, i32) {
    %c0_i32 = arith.constant 0 : i32
    %c0_i32_0 = arith.constant 0 : i32
    return %arg0, %c0_i32 : i32, i32
  }
  func.func @transform_2(%arg0: i32) -> (i32, i32) {
    %c0_i32 = arith.constant 0 : i32
    %c0_i32_0 = arith.constant 0 : i32
    return %arg0, %c0_i32 : i32, i32
  }
  func.func @transform_3(%arg0: i32) -> (i32, i32) {
    %c0_i32 = arith.constant 0 : i32
    %c0_i32_0 = arith.constant 0 : i32
    %c0_i32_1 = arith.constant 0 : i32
    return %c0_i32, %c0_i32_0 : i32, i32
  }
  func.func @transform_4(%arg0: i32) -> (i32, i32) {
    %c0_i32 = arith.constant 0 : i32
    %c0_i32_0 = arith.constant 0 : i32
    %c0_i32_1 = arith.constant 0 : i32
    return %c0_i32, %c0_i32_0 : i32, i32
  }
  func.func @transform_5(%arg0: i32) -> (i32, i32) {
    %c0_i32 = arith.constant 0 : i32
    %c0_i32_0 = arith.constant 0 : i32
    return %arg0, %c0_i32 : i32, i32
  }
}

module attributes {stable_mosaic.version = 14 : i64} {
  func.func @_final_body(%arg0: i32, %arg1: memref<2x128x128xf32, #tpu.memory_space<vmem>>, %arg2: memref<128x128xf32, #tpu.memory_space<vmem>>, %arg3: memref<128x1xf32, #tpu.memory_space<vmem>>, %arg4: memref<1x128xf32, #tpu.memory_space<vmem>>, %arg5: memref<128x128xf32, #tpu.memory_space<vmem>>) attributes {dimension_semantics = [#tpu.dimension_semantics<arbitrary>], iteration_bounds = array<i64: 80>, scalar_prefetch = 0 : i64, scratch_operands = 0 : i64, tpu.core_type = #tpu.core_type<tc>, window_params = [{transform_indices = @transform_0, window_bounds = array<i64: 2, 128, 128>}, {transform_indices = @transform_1, window_bounds = array<i64: 128, 128>}, {transform_indices = @transform_2, window_bounds = array<i64: 128, 1>}, {pipeline_mode = #tpu.pipeline_mode<synchronous>, transform_indices = @transform_3, window_bounds = array<i64: 1, 128>}, {transform_indices = @transform_4, window_bounds = array<i64: 128, 128>}]} {
    %get3A = arith.constant 0 : index
    %get3A_0 = arith.constant 0 : index
    %get3A_1 = arith.constant 0 : index
    %get3A_2 = vector.load %arg1[%get3A, %get3A_0, %get3A_1] : memref<2x128x128xf32, #tpu.memory_space<vmem>>, vector<1x128x128xf32>
    %get3A_3 = vector.shape_cast %get3A_2 : vector<1x128x128xf32> to vector<128x128xf32>
    %get3A_4 = arith.constant 1 : index
    %get3A_5 = arith.constant 0 : index
    %get3A_6 = arith.constant 0 : index
    %get3A_7 = vector.load %arg1[%get3A_4, %get3A_5, %get3A_6] : memref<2x128x128xf32, #tpu.memory_space<vmem>>, vector<1x128x128xf32>
    %get3A_8 = vector.shape_cast %get3A_7 : vector<1x128x128xf32> to vector<128x128xf32>
    %add3A = arith.addf %get3A_3, %get3A_8 : vector<128x128xf32>
    %get3A_9 = arith.constant 0 : index
    %get3A_10 = arith.constant 0 : index
    %get3A_11 = vector.load %arg2[%get3A_9, %get3A_10] : memref<128x128xf32, #tpu.memory_space<vmem>>, vector<128x128xf32>
    %add3A_12 = arith.addf %add3A, %get3A_11 : vector<128x128xf32>
    %get3A_13 = arith.constant 0 : index
    %get3A_14 = arith.constant 0 : index
    %get3A_15 = vector.load %arg3[%get3A_13, %get3A_14] : memref<128x1xf32, #tpu.memory_space<vmem>>, vector<128x1xf32>
    %mul3A = vector.broadcast %get3A_15 : vector<128x1xf32> to vector<128x128xf32>
    %mul3A_16 = arith.mulf %mul3A, %add3A_12 : vector<128x128xf32>
    %get3A_17 = arith.constant 0 : index
    %get3A_18 = arith.constant 0 : index
    %get3A_19 = vector.load %arg4[%get3A_17, %get3A_18] : memref<1x128xf32, #tpu.memory_space<vmem>>, vector<1x128xf32>
    %add3A_20 = vector.broadcast %get3A_19 : vector<1x128xf32> to vector<128x128xf32>
    %add3A_21 = arith.addf %mul3A_16, %add3A_20 : vector<128x128xf32>
    %max3A = arith.constant 0.000000e+00 : f32
    %max3A_22 = vector.broadcast %max3A : f32 to vector<128x128xf32>
    %max3A_23 = arith.maximumf %add3A_21, %max3A_22 : vector<128x128xf32>
    %swap3A = arith.constant 0 : index
    %swap3A_24 = arith.constant 0 : index
    %swap3A_25 = vector.load %arg5[%swap3A, %swap3A_24] : memref<128x128xf32, #tpu.memory_space<vmem>>, vector<128x128xf32>
    tpu.vector_store %arg5[%swap3A, %swap3A_24], %max3A_23 {strides = array<i32>} : memref<128x128xf32, #tpu.memory_space<vmem>>, vector<128x128xf32>,
    return
  }
  func.func @transform_0(%arg0: i32) -> (i32, i32, i32) {
    %c0_i32 = arith.constant 0 : i32
    %c0_i32_0 = arith.constant 0 : i32
    %c0_i32_1 = arith.constant 0 : i32
    return %c0_i32, %arg0, %c0_i32_0 : i32, i32, i32
  }
  func.func @transform_1(%arg0: i32) -> (i32, i32) {
    %c0_i32 = arith.constant 0 : i32
    %c0_i32_0 = arith.constant 0 : i32
    return %arg0, %c0_i32 : i32, i32
  }
  func.func @transform_2(%arg0: i32) -> (i32, i32) {
    %c0_i32 = arith.constant 0 : i32
    %c0_i32_0 = arith.constant 0 : i32
    return %arg0, %c0_i32 : i32, i32
  }
  func.func @transform_3(%arg0: i32) -> (i32, i32) {
    %c0_i32 = arith.constant 0 : i32
    %c0_i32_0 = arith.constant 0 : i32
    %c0_i32_1 = arith.constant 0 : i32
    return %c0_i32, %c0_i32_0 : i32, i32
  }
  func.func @transform_4(%arg0: i32) -> (i32, i32) {
    %c0_i32 = arith.constant 0 : i32
    %c0_i32_0 = arith.constant 0 : i32
    return %arg0, %c0_i32 : i32, i32
  }
}

</mosaic_0001>

<sc_bundles>
// kernel: _run.11.cloned.1.call-start
scs
__scs_entry_jumppad:
0x0: {  	(pc) =	sbr.rel $0x88, $3  }
0x1: {  	(tag) =	ssettag $0x0;
	lr =	simm.s32 $0x1  }
0x2: {  	[smem:$0x3F99] =	sst lr;
	_ =	strace $0xD0000000  }
0x3: {  	_ = 	snop  }
0x4: {  	_ = 	snop  }
0x5: {  	_ = 	snop  }
0x6: {  	_ = 	snop  }
0x7: {  	_ = 	snop  }
__scs_overlays_trampoline_lowered:
0x8: {  	[smem:$0x3FA8] =	sst s0  }
0x9: {  	[smem:$0x3FA9] =	sst s1  }
0xa: {  	[smem:$0x3FAA] =	sst s2  }
0xb: {  	[smem:$0x3FAB] =	sst s3  }
0xc: {  	[smem:$0x3FAC] =	sst s4  }
0xd: {  	[smem:$0x3FAD] =	sst s5  }
0xe: {  	[smem:$0x3FAE] =	sst s6  }
0xf: {  	[smem:$0x3FAF] =	sst s7  }
0x10: {  	[smem:$0x3FB0] =	sst s8  }
0x11: {  	[smem:$0x3FB1] =	sst s9;
	s0 =	simm.s32 @!p0 $0x0  }
0x12: {  	s1 =	sld [smem:$0x3F97];
	s0 =	simm.s32 @p0 $0x1  }
0x13: {  	[smem:$0x3FB2] =	sst s0;
	s0 =	simm.s32 @!p1 $0x0  }
0x14: {  	s2 =	sld [smem:$0x3F96];
	s0 =	simm.s32 @p1 $0x1  }
0x15: {  	[smem:$0x3FB3] =	sst s0;
	s0 =	simm.s32 @!p2 $0x0  }
0x16: {  	s3 =	sld [smem:$0x3FDB];
	s0 =	simm.s32 @p2 $0x1  }
0x17: {  	s4 =	simm.s32 $0x1BF5;
	[smem:$0x3FB5] =	sst s0  }
0x18: {  	s0 =	sld [smem:$0x3F98];
	_ =	swait.ge [sflag:s4], $0x0  }
0x19: {  	s7 =	sld [smem:$0x3F99]  }
0x1a: {  	s8 =	sadd.s32 $0xFFFFE003, lr  }
0x1b: {  	s9 =	sadd.s32 $0xFFFFFEF7, lr;
	s5 =	simm.s32 $0xFFFFFFFF;
	p2 =	slt.u32 s8, $0xFFFFF086  }
0x1c: {  	p1 =	slt.u32 s9, $0xF7A;
	s5 =	simm.s32 @!p2 $0x0  }
0x1d: {  	s5 =	simm.s32 @p1 $0x1;
	p0 =	seq.s32 s7, s2  }
0x1e: {  	s7 =	smul.u32 @!p0 $0xF7A, s2;
	p2 =	seq.s32 @!p0 s5, $0x0  }
0x1f: {  	s9 =	smul.u32 $0xF7A, s1;
	s8 =	simm.s32 @!p0 $0x1BF5;
	p2 =	por !p2, p0  }
0x20: {  	[sflag:s8] =	ssyncset.s32 @!p0 $0xFFFFF086;
	s6 =	sadd.s32 @!p0 s3, s7;
	s7 =	simm.s32 @!p0 $0x108  }
0x21: {  	s3 =	sadd.s32 s3, s9;
	s6 =	sadd.s32 @!p0 $0x88, s6;
	s7 =	simm.s32 @p2 $0x1082  }
0x22: {  	[simem:s7], [sflag:s8] =	dma.local @!p0 [hbm:s6], $0xF7A  }
0x23: {  	s9 =	sor.u32 $0xD0000000, s2;
	s6 =	simm.s32 $0x108;
	_ =	swait.ge @!p0 [sflag:s8], $0x0  }
0x24: {  	s3 =	sadd.s32 $0x88, s3;
	s6 =	simm.s32 @!p1 $0x1082;
	[sflag:s4] =	ssyncset.s32 $0xFFFFF086  }
0x25: {  	[simem:s6], [sflag:s4] =	dma.local [hbm:s3], $0xF7A  }
0x26: {  	[smem:$0x3F99] =	sst s1;
	(tag) =	ssettag s2;
	_ =	strace s9  }
0x27: {  	s1 =	sld [smem:$0x3FA9]  }
0x28: {  	s2 =	sld [smem:$0x3FAA]  }
0x29: {  	s4 =	sld [smem:$0x3FAC]  }
0x2a: {  	p0 =	seq.s32 s5, $0x0;
	s5 =	sld [smem:$0x3FAD]  }
0x2b: {  	s6 =	sld [smem:$0x3FAE]  }
0x2c: {  	s7 =	sld [smem:$0x3FAF]  }
0x2d: {  	s3 =	simm.s32 $0x108;
	s8 =	sld [smem:$0x3FB0]  }
0x2e: {  	s3 =	simm.s32 @!p0 $0x1082;
	s9 =	sld [smem:$0x3FB1]  }
0x2f: {  	lr =	sadd.s32 s0, s3;
	s0 =	sld [smem:$0x3FA8]  }
0x30: {  	s3 =	sld [smem:$0x3FAB]  }
0x31: {  	[smem:$0x3FB4] =	sst s10  }
0x32: {  	s10 =	sld [smem:$0x3FB2];
	_ =	sdelay $0x3  }
0x33: {  	p0 =	seq.s32 s10, $0x1;
	s10 =	sld [smem:$0x3FB4];
	_ =	sdelay $0x3  }
0x34: {  	[smem:$0x3FB4] =	sst s10  }
0x35: {  	s10 =	sld [smem:$0x3FB3];
	_ =	sdelay $0x3  }
0x36: {  	p1 =	seq.s32 s10, $0x1;
	s10 =	sld [smem:$0x3FB4];
	_ =	sdelay $0x3  }
0x37: {  	[smem:$0x3FB4] =	sst s10  }
0x38: {  	s10 =	sld [smem:$0x3FB5]  }
0x39: {  	_ = 	snop;
	(pc) =	sbr.ind lr, $3  }
0x3a: {  	_ = 	snop  }
0x3b: {  	_ = 	snop  }
0x3c: {  	p2 =	seq.s32 s10, $0x1;
	s10 =	sld [smem:$0x3FB4]  }
0x3d: {  	_ =	shalt  }
0x3e: {  	_ =	shalt  }
0x3f: {  	_ =	shalt  }
0x40: {  	_ =	shalt  }
0x41: {  	_ =	shalt  }
0x42: {  	_ =	shalt  }
0x43: {  	_ =	shalt  }
0x44: {  	_ =	shalt  }
0x45: {  	_ =	shalt  }
0x46: {  	_ =	shalt  }
0x47: {  	_ =	shalt  }
0x48: {  	_ =	shalt  }
0x49: {  	_ =	shalt  }
0x4a: {  	_ =	shalt  }
0x4b: {  	_ =	shalt  }
0x4c: {  	_ =	shalt  }
0x4d: {  	_ =	shalt  }
0x4e: {  	_ =	shalt  }
0x4f: {  	_ =	shalt  }
0x50: {  	_ =	shalt  }
0x51: {  	_ =	shalt  }
0x52: {  	_ =	shalt  }
0x53: {  	_ =	shalt  }
0x54: {  	_ =	shalt  }
0x55: {  	_ =	shalt  }
0x56: {  	_ =	shalt  }
0x57: {  	_ =	shalt  }
0x58: {  	_ =	shalt  }
0x59: {  	_ =	shalt  }
0x5a: {  	_ =	shalt  }
0x5b: {  	_ =	shalt  }
0x5c: {  	_ =	shalt  }
0x5d: {  	_ =	shalt  }
0x5e: {  	_ =	shalt  }
0x5f: {  	_ =	shalt  }
0x60: {  	_ =	shalt  }
0x61: {  	_ =	shalt  }
0x62: {  	_ =	shalt  }
0x63: {  	_ =	shalt  }
0x64: {  	_ =	shalt  }
0x65: {  	_ =	shalt  }
0x66: {  	_ =	shalt  }
0x67: {  	_ =	shalt  }
0x68: {  	_ =	shalt  }
0x69: {  	_ =	shalt  }
0x6a: {  	_ =	shalt  }
0x6b: {  	_ =	shalt  }
0x6c: {  	_ =	shalt  }
0x6d: {  	_ =	shalt  }
0x6e: {  	_ =	shalt  }
0x6f: {  	_ =	shalt  }
0x70: {  	_ =	shalt  }
0x71: {  	_ =	shalt  }
0x72: {  	_ =	shalt  }
0x73: {  	_ =	shalt  }
0x74: {  	_ =	shalt  }
0x75: {  	_ =	shalt  }
0x76: {  	_ =	shalt  }
0x77: {  	_ =	shalt  }
0x78: {  	_ =	shalt  }
0x79: {  	_ =	shalt  }
0x7a: {  	_ =	shalt  }
0x7b: {  	_ =	shalt  }
0x7c: {  	_ =	shalt  }
0x7d: {  	_ =	shalt  }
0x7e: {  	_ =	shalt  }
0x7f: {  	_ =	shalt  }
0x80: {  	_ =	shalt  }
0x81: {  	_ =	shalt  }
0x82: {  	_ =	shalt  }
0x83: {  	_ =	shalt  }
0x84: {  	_ =	shalt  }
0x85: {  	_ =	shalt  }
0x86: {  	_ =	shalt  }
0x87: {  	_ =	shalt  }
.Lfunc_end0:
.L_simem_size_0:
called_computation_lowered:
.L_overlay_start_0:
0x88: {  	s2 =	sld [smem:$0x3FD9]  }
0x89: {  	s3 =	sld [smem:$0x3FFE];
	_ =	sdelay $0x1  }
0x8a: {  	s1 =	srdreg.scid  }
0x8b: {  	s0 =	sand.u32 $0x1, s1  }
0x8c: {  	s17 =	sshll.u32 s0, $0xA;
	s2 =	sadd.s32 s3, s2  }
0x8d: {  	s2 =	sadd.s32 s2, s17  }
0x8e: {  	[smem:$0x3FC0] =	sst s2  }
0x8f: {  	_ = 	snop  }
0x90: {  	s2 =	sld [smem:$0x3FD0];
	(tm) =	ssettm $0x1  }
0x91: {  	s18 =	sld [smem:$0x3FFB];
	_ =	sdelay $0x3  }
0x92: {  	_ =	strace s18  }
0x93: {  	s3 =	sld [smem:$0x3FFC];
	_ =	sdelay $0x3  }
0x94: {  	_ =	strace s3  }
0x95: {  	s3 =	sld [smem:$0x3FFD];
	_ =	sdelay $0x3  }
0x96: {  	_ =	strace s3  }
0x97: {  	_ =	strace $0x8FFFFFFF  }
0x98: {  	s19 =	sld [smem:$0x3FDB];
	_ =	sdelay $0x1  }
0x99: {  	s4 =	simm.s32 $_scs_section_size  }
0x9a: {  	s5 =	simm.s32 $_size__tile_overlayer_lowered;
	s6 =	simm.s32 $_tile_overlayer_lowered  }
0x9b: {  	s22 =	simm.s32 $0x1BFF;
	s21 =	sshll.u32 s6, $0x1;
	s3 =	sadd.s32 s4, s19  }
0x9c: {  	s7 =	simm.s32 $0x0;
	s20 =	sshll.u32 s5, $0x1;
	s5 =	sadd.s32 s21, s3  }
0x9d: {  	[timem:s7], [sflag:s22] =	dma.local [hbm:s5], s20  }
0x9e: {  	_ =	swait.ge [sflag:s22], s20  }
0x9f: {  	s4 =	ssub.s32 $0x0, s20;
	[sflag:s22] =	ssyncset.done $0x0  }
0xa0: {  	[sflag:s22] =	ssyncadd.s32 s4;
	_ =	sdelay $0x1  }
0xa1: {  	s23 =	simm.s32 $0x1B8B  }
0xa2: {  	_ =	swait.ge [sflag:s23], $0x1  }
0xa3: {  	[sflag:s23] =	ssyncset.done $0x0  }
0xa4: {  	s25 =	simm.s32 $0x1B8E;
	s24 =	sld [smem:$0x3FFE];
	[sflag:s23] =	ssyncadd.s32 $0xFFFFFFFF  }
0xa5: {  	s26 =	simm.s32 $execute0_lowered;
	[smem:$0x3FD2] =	sst s25  }
0xa6: {  	s5 =	sshll.u32 s26, $0x1;
	_ =	strace $0x80000046;
	[dreg:$0x1] =	wrdreg $0xFFFFFFFF  }
0xa7: {  	s28 =	simm.s32 $_size_execute0_lowered;
	s3 =	sadd.s32 s3, s5;
	[dreg:$0x0] =	wrdreg $0x0  }
0xa8: {  	s5 =	sshll.u32 s28, $0x1;
	[dreg:$0x2] =	wrdreg s3  }
0xa9: {  	[dreg:$0x3] =	wrdreg s5  }
0xaa: {  	[dreg:$0x4] =	wrdreg $0xC0  }
0xab: {  	_ =	task [dreg:s7], $0x5FFFF  }
0xac: {  	[dreg:$0x1] =	wrdreg $0xFFFFFFFF  }
0xad: {  	[dreg:$0x0] =	wrdreg $0x60  }
0xae: {  	[dreg:$0x2] =	wrdreg s2  }
0xaf: {  	[dreg:$0x3] =	wrdreg s24  }
0xb0: {  	[dreg:$0x4] =	wrdreg $0x68000  }
0xb1: {  	[dreg:$0x5] =	wrdreg $0x9  }
0xb2: {  	_ =	task.clear_ibuf [dreg:s7], $0x6FFFF;
	_ =	strace $0x90000046  }
0xb3: {  	s29 =	simm.s32 $0x9;
	_ =	strace $0x80000048  }
0xb4: {  	_ =	swait.ge [sflag:s29], $0x1  }
0xb5: {  	[sflag:s29] =	ssyncadd.s32 $0xFFFFFFFF  }
0xb6: {  	_ =	strace $0x90000048  }
0xb7: {  	_ =	sfence  }
0xb8: {  	s30 =	sld [smem:$0x0];
	_ =	sdelay $0x2  }
0xb9: {  	s31 =	sshll.u32 s1, $0xD;
	s1 =	sshrl.u32 s1, $0x2  }
0xba: {  	s3 =	sand.u32 $0x4000, s31;
	s1 =	sadd.s32 s1, s30  }
0xbb: {  	s0 =	sor.u32 s3, s0;
	s1 =	sshll.u32 s1, $0x11  }
0xbc: {  	s0 =	sor.u32 s1, s0  }
0xbd: {  	s0 =	sadd.s32 $0x8F2B, s0  }
0xbe: {  	[sflag:s0] =	ssyncadd.remote.s32 $0x1  }
0xbf: {  	_ =	sfence.sel $0xFFFF  }
0xc0: {  	[dreg:$0x0] =	wrdreg $0xFFFFFFFF;
	(pc) =	sbr.abs _section_cstart, $3  }
0xc1: {  	[dreg:$0x1] =	wrdreg $0xFFFFFFFF  }
0xc2: {  	_ =	task.clear_ibuf [dreg:s7], $0x2FFFF;
	_ =	strace $0x9FFFFFFF  }
0xc3: {  	(tm) =	ssettm $0x7FFFFFFF  }
tec
execute0_lowered:
.L_overlay_start_1:
0x0: {  	(tag) =	ssettag $0x1  }
0x1: {  	s5 =	rddreg [dreg:$0x0]  }
0x2: {  	s6 =	rddreg [dreg:$0x1]  }
0x3: {  	s2 =	rddreg [dreg:$0x2];
	s3 =	srdreg.scid  }
0x4: {  	s0 =	rddreg [dreg:$0x3];
	s1 =	stileid.u32  }
0x5: {  	s14 =	simm.s32 $0x1;
	s7 =	sand.u32 $0x1, s3;
	s15 =	smul.u32 $0x2800, s1  }
0x6: {  	s3 =	simm.s32 $0x0;
	s10 =	smul.u32 $0x50000, s1;
	s12 =	sshll.u32 s1, $0x6  }
0x7: {  	s4 =	sshll.u32 s7, $0x4;
	[smem:$0x7FF] =	sst s3;
	s8 =	smul.u32 $0x28000, s7  }
0x8: {  	s7 =	ssub.s32 $0x2, s7;
	s12 =	sor.u32 $0x1C02, s12;
	s4 =	sor.u32 s1, s4  }
0x9: {  	_ =	strace $0x80000047;
	s11 =	sadd.s32 s15, s6;
	s30 =	sshrl.u32 s7, $0x1  }
0xa: {  	s31 =	sshrl.u32 s10, $0x2;
	s10 =	simm.s32 $0x2;
	s9 =	smul.u32 $0xA00, s4  }
0xb: {  	s4 =	sadd.s32 $0x3000, s6;
	s8 =	sadd.s32 s8, s6;
	s7 =	ssub.s32 s7, s30  }
0xc: {  	s13 =	sadd.s32 s31, s2;
	s6 =	sadd.s32 $0x3800, s11;
	s11 =	simm.s32 $0x2800  }
0xd: {  	s16 =	sadd.s32 $0x2B800, s8;
	s7 =	smax.u32 s7, $0x1;
	s8 =	simm.s32 $0x80  }
0xe: {  	s13 =	sshrl.u32 s13, $0x3;
	s5 =	sadd.s32 s9, s5;
	s9 =	simm.s32 $0x100  }
0xf: {  	s15 =	sadd.s32 s15, s16;
	s16 =	simm.s32 $0x0;
	s5 =	sadd.s32 $0x10, s5  }
.LBB2_1:
0x10: {  	[tilespmem:s3], [sflag:$0x2] =	stream.strided.gather [hbm4b:s5+s8], $0x2800, s9, s8, $0x38;
	[tilespmem:$0x1A800] =	vst v63  }
0x11: {  	_ =	swait.ge [sflag:s10], $0x2800  }
0x12: {  	[sflag:s10] =	ssyncset.done $0x0  }
0x13: {  	[sflag:s10] =	ssyncadd.s32 $0xFFFFD800  }
0x14: {  	[tilespmem:s11], [sflag:$0x2] =	stream.linear.gather [hbm4b:s4+s3], $0x4000, $0x38;
	[tilespmem:$0x1A800] =	vst v63  }
0x15: {  	_ =	swait.ge [sflag:s10], $0x4000  }
0x16: {  	[sflag:s10] =	ssyncset.done $0x0  }
0x17: {  	[sflag:s10] =	ssyncadd.s32 $0xFFFFC000  }
0x18: {  	[spmem:s13], [sflag:s12] =	dma.local [hbm:s6], $0x2800  }
0x19: {  	_ =	swait.ge [sflag:s10], $0x2800  }
0x1a: {  	[sflag:s10] =	ssyncset.done $0x0  }
0x1b: {  	[sflag:s10] =	ssyncadd.s32 $0xFFFFD800  }
0x1c: {  	s17 =	simm.s32 $0x0;
	[bflag:$0x0] =	sbarrier.arrive $0xFFFF  }
.LBB2_2:
0x1d: {  	p0 =	sne.s32 s17, $0x9E00  }
.Ltmp0:
0x1e: {  	_ = 	snop;
	(pc) =	sbr.rel @p0 .LBB2_2-.Ltmp0, $3  }
0x1f: {  	_ =	sdelay $0x1  }
0x20: {  	s18 =	sshra.s32 s17, $0x2;
	s17 =	sadd.s32 $0x200, s17  }
0x21: {  	[spmem:s2] =	stream.indirect.scatter.add.f32 [tilespmem:s11], [sflag:$0x1], $0x80, s18, s8, $0xb8;
	[tilespmem:$0x1A800] =	vst v63  }
0x22: {  	_ =	swait.ge [sflag:s14], $0x4000  }
0x23: {  	s17 =	simm.s32 $0x4F;
	[sflag:s14] =	ssyncset.done $0x0  }
.LBB2_4:
0x24: {  	p0 =	sne.s32 s17, $0x1;
	s17 =	sadd.s32 $0xFFFFFFFF, s17;
	[sflag:s14] =	ssyncadd.s32 $0xFFFFC000  }
.Ltmp1:
0x25: {  	(pc) =	sbr.rel @p0 .LBB2_4-.Ltmp1, $3  }
0x26: {  	_ =	sdelay $0x1  }
0x27: {  	_ =	swait.ge [sflag:s14], $0x4000  }
0x28: {  	[sflag:s14] =	ssyncset.done $0x0  }
0x29: {  	s16 =	sadd.s32 $0x1, s16  }
0x2a: {  	[sflag:s14] =	ssyncadd.s32 $0xFFFFC000;
	p0 =	sne.s32 s16, s7  }
.Ltmp2:
0x2b: {  	[bflag:$0x0] =	sbarrier.arrive $0xFFFF;
	(pc) =	sbr.rel @p0 .LBB2_1-.Ltmp2, $4  }
0x2c: {  	[hbm:s15], [sflag:s12] =	dma.local [spmem:s13], $0x2800  }
0x2d: {  	_ =	swait.ge [sflag:s10], $0x2800  }
0x2e: {  	[sflag:s10] =	ssyncset.done $0x0  }
0x2f: {  	[sflag:s10] =	ssyncadd.s32 $0xFFFFD800  }
0x30: {  	_ =	sfence.sel $0x180000  }
0x31: {  	[bflag:$0x0] =	sbarrier.arrive $0xFFFF  }
0x32: {  	p0 =	sne.s32 s1, $0x0;
	_ =	strace $0x90000047  }
0x33: {  	s0 =	sadd.s32 @!p0 $0x100000, s0;
	[bflag:$0x2] =	sbarrier.arrive $0xFFFF  }
0x34: {  	[sflag:s0] =	ssyncadd.tile.s32 @!p0 $0x1;
	_ =	shalt  }
.Lfunc_end2:
_tile_overlayer_lowered:
.L_overlay_start_2:
0x35: {  	(tag) =	ssettag $0x2  }
0x36: {  	s0 =	rddreg [dreg:$0x0];
	s2 =	stileid.u32  }
0x37: {  	s1 =	rddreg [dreg:$0x1];
	p0 =	sne.s32 s2, $0x0  }
0x38: {  	s3 =	rddreg [dreg:$0x2];
	[bflag:$0x3] =	sbarrier.arrive $0xFFFF;
	s2 =	simm.s32 @!p0 $0x1C02  }
0x39: {  	[timem:s3], [sflag:s2] =	dma.local @!p0 [hbm:s0], s1  }
0x3a: {  	s0 =	simm.s32 @!p0 $0x2  }
0x3b: {  	_ =	swait.ge @!p0 [sflag:s0], s1  }
0x3c: {  	s1 =	ssub.s32 @!p0 $0x0, s1;
	[sflag:s0] =	ssyncset.done @!p0 $0x0  }
0x3d: {  	[sflag:s0] =	ssyncadd.s32 @!p0 s1  }
0x3e: {  	[bflag:$0x3] =	sbarrier.arrive $0xFFFF  }
0x3f: {  	_ =	shalt  }

// kernel: _run.14.cloned.1.call-start
scs
__scs_entry_jumppad:
0x0: {  	(pc) =	sbr.rel $0x88, $3  }
0x1: {  	(tag) =	ssettag $0x0;
	lr =	simm.s32 $0x1  }
0x2: {  	[smem:$0x3F99] =	sst lr;
	_ =	strace $0xD0000000  }
0x3: {  	_ = 	snop  }
0x4: {  	_ = 	snop  }
0x5: {  	_ = 	snop  }
0x6: {  	_ = 	snop  }
0x7: {  	_ = 	snop  }
__scs_overlays_trampoline_lowered:
0x8: {  	[smem:$0x3FA8] =	sst s0  }
0x9: {  	[smem:$0x3FA9] =	sst s1  }
0xa: {  	[smem:$0x3FAA] =	sst s2  }
0xb: {  	[smem:$0x3FAB] =	sst s3  }
0xc: {  	[smem:$0x3FAC] =	sst s4  }
0xd: {  	[smem:$0x3FAD] =	sst s5  }
0xe: {  	[smem:$0x3FAE] =	sst s6  }
0xf: {  	[smem:$0x3FAF] =	sst s7  }
0x10: {  	[smem:$0x3FB0] =	sst s8  }
0x11: {  	[smem:$0x3FB1] =	sst s9;
	s0 =	simm.s32 @!p0 $0x0  }
0x12: {  	s1 =	sld [smem:$0x3F97];
	s0 =	simm.s32 @p0 $0x1  }
0x13: {  	[smem:$0x3FB2] =	sst s0;
	s0 =	simm.s32 @!p1 $0x0  }
0x14: {  	s2 =	sld [smem:$0x3F96];
	s0 =	simm.s32 @p1 $0x1  }
0x15: {  	[smem:$0x3FB3] =	sst s0;
	s0 =	simm.s32 @!p2 $0x0  }
0x16: {  	s3 =	sld [smem:$0x3FDB];
	s0 =	simm.s32 @p2 $0x1  }
0x17: {  	s4 =	simm.s32 $0x1BF5;
	[smem:$0x3FB5] =	sst s0  }
0x18: {  	s0 =	sld [smem:$0x3F98];
	_ =	swait.ge [sflag:s4], $0x0  }
0x19: {  	s7 =	sld [smem:$0x3F99]  }
0x1a: {  	s8 =	sadd.s32 $0xFFFFE003, lr  }
0x1b: {  	s9 =	sadd.s32 $0xFFFFFEF7, lr;
	s5 =	simm.s32 $0xFFFFFFFF;
	p2 =	slt.u32 s8, $0xFFFFF086  }
0x1c: {  	p1 =	slt.u32 s9, $0xF7A;
	s5 =	simm.s32 @!p2 $0x0  }
0x1d: {  	s5 =	simm.s32 @p1 $0x1;
	p0 =	seq.s32 s7, s2  }
0x1e: {  	s7 =	smul.u32 @!p0 $0xF7A, s2;
	p2 =	seq.s32 @!p0 s5, $0x0  }
0x1f: {  	s9 =	smul.u32 $0xF7A, s1;
	s8 =	simm.s32 @!p0 $0x1BF5;
	p2 =	por !p2, p0  }
0x20: {  	[sflag:s8] =	ssyncset.s32 @!p0 $0xFFFFF086;
	s6 =	sadd.s32 @!p0 s3, s7;
	s7 =	simm.s32 @!p0 $0x108  }
0x21: {  	s3 =	sadd.s32 s3, s9;
	s6 =	sadd.s32 @!p0 $0x88, s6;
	s7 =	simm.s32 @p2 $0x1082  }
0x22: {  	[simem:s7], [sflag:s8] =	dma.local @!p0 [hbm:s6], $0xF7A  }
0x23: {  	s9 =	sor.u32 $0xD0000000, s2;
	s6 =	simm.s32 $0x108;
	_ =	swait.ge @!p0 [sflag:s8], $0x0  }
0x24: {  	s3 =	sadd.s32 $0x88, s3;
	s6 =	simm.s32 @!p1 $0x1082;
	[sflag:s4] =	ssyncset.s32 $0xFFFFF086  }
0x25: {  	[simem:s6], [sflag:s4] =	dma.local [hbm:s3], $0xF7A  }
0x26: {  	[smem:$0x3F99] =	sst s1;
	(tag) =	ssettag s2;
	_ =	strace s9  }
0x27: {  	s1 =	sld [smem:$0x3FA9]  }
0x28: {  	s2 =	sld [smem:$0x3FAA]  }
0x29: {  	s4 =	sld [smem:$0x3FAC]  }
0x2a: {  	p0 =	seq.s32 s5, $0x0;
	s5 =	sld [smem:$0x3FAD]  }
0x2b: {  	s6 =	sld [smem:$0x3FAE]  }
0x2c: {  	s7 =	sld [smem:$0x3FAF]  }
0x2d: {  	s3 =	simm.s32 $0x108;
	s8 =	sld [smem:$0x3FB0]  }
0x2e: {  	s3 =	simm.s32 @!p0 $0x1082;
	s9 =	sld [smem:$0x3FB1]  }
0x2f: {  	lr =	sadd.s32 s0, s3;
	s0 =	sld [smem:$0x3FA8]  }
0x30: {  	s3 =	sld [smem:$0x3FAB]  }
0x31: {  	[smem:$0x3FB4] =	sst s10  }
0x32: {  	s10 =	sld [smem:$0x3FB2];
	_ =	sdelay $0x3  }
0x33: {  	p0 =	seq.s32 s10, $0x1;
	s10 =	sld [smem:$0x3FB4];
	_ =	sdelay $0x3  }
0x34: {  	[smem:$0x3FB4] =	sst s10  }
0x35: {  	s10 =	sld [smem:$0x3FB3];
	_ =	sdelay $0x3  }
0x36: {  	p1 =	seq.s32 s10, $0x1;
	s10 =	sld [smem:$0x3FB4];
	_ =	sdelay $0x3  }
0x37: {  	[smem:$0x3FB4] =	sst s10  }
0x38: {  	s10 =	sld [smem:$0x3FB5]  }
0x39: {  	_ = 	snop;
	(pc) =	sbr.ind lr, $3  }
0x3a: {  	_ = 	snop  }
0x3b: {  	_ = 	snop  }
0x3c: {  	p2 =	seq.s32 s10, $0x1;
	s10 =	sld [smem:$0x3FB4]  }
0x3d: {  	_ =	shalt  }
0x3e: {  	_ =	shalt  }
0x3f: {  	_ =	shalt  }
0x40: {  	_ =	shalt  }
0x41: {  	_ =	shalt  }
0x42: {  	_ =	shalt  }
0x43: {  	_ =	shalt  }
0x44: {  	_ =	shalt  }
0x45: {  	_ =	shalt  }
0x46: {  	_ =	shalt  }
0x47: {  	_ =	shalt  }
0x48: {  	_ =	shalt  }
0x49: {  	_ =	shalt  }
0x4a: {  	_ =	shalt  }
0x4b: {  	_ =	shalt  }
0x4c: {  	_ =	shalt  }
0x4d: {  	_ =	shalt  }
0x4e: {  	_ =	shalt  }
0x4f: {  	_ =	shalt  }
0x50: {  	_ =	shalt  }
0x51: {  	_ =	shalt  }
0x52: {  	_ =	shalt  }
0x53: {  	_ =	shalt  }
0x54: {  	_ =	shalt  }
0x55: {  	_ =	shalt  }
0x56: {  	_ =	shalt  }
0x57: {  	_ =	shalt  }
0x58: {  	_ =	shalt  }
0x59: {  	_ =	shalt  }
0x5a: {  	_ =	shalt  }
0x5b: {  	_ =	shalt  }
0x5c: {  	_ =	shalt  }
0x5d: {  	_ =	shalt  }
0x5e: {  	_ =	shalt  }
0x5f: {  	_ =	shalt  }
0x60: {  	_ =	shalt  }
0x61: {  	_ =	shalt  }
0x62: {  	_ =	shalt  }
0x63: {  	_ =	shalt  }
0x64: {  	_ =	shalt  }
0x65: {  	_ =	shalt  }
0x66: {  	_ =	shalt  }
0x67: {  	_ =	shalt  }
0x68: {  	_ =	shalt  }
0x69: {  	_ =	shalt  }
0x6a: {  	_ =	shalt  }
0x6b: {  	_ =	shalt  }
0x6c: {  	_ =	shalt  }
0x6d: {  	_ =	shalt  }
0x6e: {  	_ =	shalt  }
0x6f: {  	_ =	shalt  }
0x70: {  	_ =	shalt  }
0x71: {  	_ =	shalt  }
0x72: {  	_ =	shalt  }
0x73: {  	_ =	shalt  }
0x74: {  	_ =	shalt  }
0x75: {  	_ =	shalt  }
0x76: {  	_ =	shalt  }
0x77: {  	_ =	shalt  }
0x78: {  	_ =	shalt  }
0x79: {  	_ =	shalt  }
0x7a: {  	_ =	shalt  }
0x7b: {  	_ =	shalt  }
0x7c: {  	_ =	shalt  }
0x7d: {  	_ =	shalt  }
0x7e: {  	_ =	shalt  }
0x7f: {  	_ =	shalt  }
0x80: {  	_ =	shalt  }
0x81: {  	_ =	shalt  }
0x82: {  	_ =	shalt  }
0x83: {  	_ =	shalt  }
0x84: {  	_ =	shalt  }
0x85: {  	_ =	shalt  }
0x86: {  	_ =	shalt  }
0x87: {  	_ =	shalt  }
.Lfunc_end0:
.L_simem_size_0:
called_computation.1_lowered:
.L_overlay_start_0:
0x88: {  	s2 =	sld [smem:$0x3FD9]  }
0x89: {  	s3 =	sld [smem:$0x3FFE];
	_ =	sdelay $0x1  }
0x8a: {  	s1 =	srdreg.scid  }
0x8b: {  	s0 =	sand.u32 $0x1, s1  }
0x8c: {  	s17 =	sshll.u32 s0, $0xA;
	s2 =	sadd.s32 s3, s2  }
0x8d: {  	s2 =	sadd.s32 s2, s17  }
0x8e: {  	[smem:$0x3FC0] =	sst s2  }
0x8f: {  	_ = 	snop  }
0x90: {  	s2 =	sld [smem:$0x3FD0];
	(tm) =	ssettm $0x1  }
0x91: {  	s18 =	sld [smem:$0x3FFB];
	_ =	sdelay $0x3  }
0x92: {  	_ =	strace s18  }
0x93: {  	s3 =	sld [smem:$0x3FFC];
	_ =	sdelay $0x3  }
0x94: {  	_ =	strace s3  }
0x95: {  	s3 =	sld [smem:$0x3FFD];
	_ =	sdelay $0x3  }
0x96: {  	_ =	strace s3  }
0x97: {  	_ =	strace $0x8FFFFFFF  }
0x98: {  	s19 =	sld [smem:$0x3FDB];
	_ =	sdelay $0x1  }
0x99: {  	s4 =	simm.s32 $_scs_section_size  }
0x9a: {  	s5 =	simm.s32 $_size__tile_overlayer_lowered;
	s6 =	simm.s32 $_tile_overlayer_lowered  }
0x9b: {  	s22 =	simm.s32 $0x1BFF;
	s21 =	sshll.u32 s6, $0x1;
	s3 =	sadd.s32 s4, s19  }
0x9c: {  	s7 =	simm.s32 $0x0;
	s20 =	sshll.u32 s5, $0x1;
	s5 =	sadd.s32 s21, s3  }
0x9d: {  	[timem:s7], [sflag:s22] =	dma.local [hbm:s5], s20  }
0x9e: {  	_ =	swait.ge [sflag:s22], s20  }
0x9f: {  	s4 =	ssub.s32 $0x0, s20;
	[sflag:s22] =	ssyncset.done $0x0  }
0xa0: {  	[sflag:s22] =	ssyncadd.s32 s4;
	_ =	sdelay $0x1  }
0xa1: {  	s23 =	simm.s32 $0x1B8B  }
0xa2: {  	_ =	swait.ge [sflag:s23], $0x1  }
0xa3: {  	[sflag:s23] =	ssyncset.done $0x0  }
0xa4: {  	s25 =	simm.s32 $0x1B8E;
	s24 =	sld [smem:$0x3FFE];
	[sflag:s23] =	ssyncadd.s32 $0xFFFFFFFF  }
0xa5: {  	s26 =	simm.s32 $execute0_lowered;
	[smem:$0x3FD2] =	sst s25  }
0xa6: {  	s5 =	sshll.u32 s26, $0x1;
	_ =	strace $0x80000049;
	[dreg:$0x1] =	wrdreg $0xFFFFFFFF  }
0xa7: {  	s28 =	simm.s32 $_size_execute0_lowered;
	s3 =	sadd.s32 s3, s5;
	[dreg:$0x0] =	wrdreg $0x0  }
0xa8: {  	s5 =	sshll.u32 s28, $0x1;
	[dreg:$0x2] =	wrdreg s3  }
0xa9: {  	[dreg:$0x3] =	wrdreg s5  }
0xaa: {  	[dreg:$0x4] =	wrdreg $0xC0  }
0xab: {  	_ =	task [dreg:s7], $0x5FFFF  }
0xac: {  	[dreg:$0x1] =	wrdreg $0xFFFFFFFF  }
0xad: {  	[dreg:$0x0] =	wrdreg $0x60  }
0xae: {  	[dreg:$0x2] =	wrdreg s24  }
0xaf: {  	[dreg:$0x3] =	wrdreg s2  }
0xb0: {  	[dreg:$0x4] =	wrdreg $0xA8000  }
0xb1: {  	[dreg:$0x5] =	wrdreg $0x9  }
0xb2: {  	_ =	task.clear_ibuf [dreg:s7], $0x6FFFF;
	_ =	strace $0x90000049  }
0xb3: {  	s29 =	simm.s32 $0x9;
	_ =	strace $0x8000004B  }
0xb4: {  	_ =	swait.ge [sflag:s29], $0x1  }
0xb5: {  	[sflag:s29] =	ssyncadd.s32 $0xFFFFFFFF  }
0xb6: {  	_ =	strace $0x9000004B  }
0xb7: {  	_ =	sfence  }
0xb8: {  	s30 =	sld [smem:$0x0];
	_ =	sdelay $0x2  }
0xb9: {  	s31 =	sshll.u32 s1, $0xD;
	s1 =	sshrl.u32 s1, $0x2  }
0xba: {  	s3 =	sand.u32 $0x4000, s31;
	s1 =	sadd.s32 s1, s30  }
0xbb: {  	s0 =	sor.u32 s3, s0;
	s1 =	sshll.u32 s1, $0x11  }
0xbc: {  	s0 =	sor.u32 s1, s0  }
0xbd: {  	s0 =	sadd.s32 $0x8F2B, s0  }
0xbe: {  	[sflag:s0] =	ssyncadd.remote.s32 $0x1  }
0xbf: {  	_ =	sfence.sel $0xFFFF  }
0xc0: {  	[dreg:$0x0] =	wrdreg $0xFFFFFFFF;
	(pc) =	sbr.abs _section_cstart, $3  }
0xc1: {  	[dreg:$0x1] =	wrdreg $0xFFFFFFFF  }
0xc2: {  	_ =	task.clear_ibuf [dreg:s7], $0x2FFFF;
	_ =	strace $0x9FFFFFFF  }
0xc3: {  	(tm) =	ssettm $0x7FFFFFFF  }
tec
execute0_lowered:
.L_overlay_start_1:
0x0: {  	(tag) =	ssettag $0x1  }
0x1: {  	s5 =	rddreg [dreg:$0x0]  }
0x2: {  	s6 =	rddreg [dreg:$0x1]  }
0x3: {  	s2 =	rddreg [dreg:$0x2]  }
0x4: {  	s0 =	stileid.u32;
	s4 =	srdreg.scid;
	s3 =	simm.s32 $0x0  }
0x5: {  	s14 =	simm.s32 $0x80;
	s15 =	simm.s32 $0x2800;
	s16 =	simm.s32 $0x100  }
0x6: {  	s17 =	simm.s32 $0x6800;
	s18 =	simm.s32 $0x180;
	s19 =	simm.s32 $0x3  }
0x7: {  	s20 =	simm.s32 $0x4;
	s21 =	simm.s32 $0x1;
	s24 =	smul.u32 $0x2800, s0  }
0x8: {  	s22 =	simm.s32 $0x2;
	s23 =	simm.s32 $0x5;
	s9 =	smul.u32 $0x14, s0  }
0x9: {  	s7 =	sand.u32 $0x1, s4;
	[smem:$0x7FF] =	sst s3;
	s12 =	smul.u32 $0x50000, s0  }
0xa: {  	s4 =	sadd.s32 $0x2B800, s5;
	s31 =	sshll.u32 s0, $0x6;
	s8 =	smul.u32 $0x28000, s7  }
0xb: {  	_ =	strace $0x8000004A;
	s11 =	ssub.s32 $0x2, s7;
	p0 =	seq.s32 s7, $0x0  }
0xc: {  	s10 =	sadd.s32 s24, s5;
	s29 =	sshrl.u32 s11, $0x1;
	s7 =	sadd.s32 $0x8C0, s9  }
0xd: {  	s30 =	sshrl.u32 s12, $0x2;
	s9 =	simm.s32 $0x22800;
	s13 =	sadd.s32 s8, s5  }
0xe: {  	s8 =	smul.u32 $0x8C, s0;
	s11 =	ssub.s32 s11, s29;
	s9 =	simm.s32 @!p0 $0x4800  }
0xf: {  	s12 =	sadd.s32 s30, s2;
	s5 =	sadd.s32 $0x3800, s10;
	[dreg:$0x4] =	wrdreg s9  }
0x10: {  	s25 =	sadd.s32 $0x53800, s13;
	s9 =	smax.u32 s11, $0x1;
	s7 =	smov.u32 @p0 s8  }
0x11: {  	s11 =	sshrl.u32 s12, $0x3;
	s12 =	simm.s32 $0x6;
	s7 =	sshll.u32 s7, $0x5  }
0x12: {  	s24 =	sadd.s32 s24, s25;
	s25 =	simm.s32 $0x0;
	s6 =	sadd.s32 s6, s7  }
0x13: {  	s7 =	sor.u32 $0x1C06, s31;
	s8 =	sadd.s32 $0x280, s6;
	s10 =	sadd.s32 $0x2C0, s6  }
.LBB2_1:
0x14: {  	[spmem:s11], [sflag:s7] =	dma.local [hbm:s5], $0x2800  }
0x15: {  	_ =	swait.ge [sflag:s12], $0x2800  }
0x16: {  	[sflag:s12] =	ssyncset.done $0x0  }
0x17: {  	[sflag:s12] =	ssyncadd.s32 $0xFFFFD800  }
0x18: {  	[tilespmem:s3], [sflag:$0x6] =	stream.linear.gather [hbm4b:s6+s3], $0x1400, $0x38;
	[tilespmem:$0x1E800] =	vst v63  }
0x19: {  	_ =	swait.ge [sflag:s12], $0x1400  }
0x1a: {  	[sflag:s12] =	ssyncset.done $0x0  }
0x1b: {  	s0 =	simm.s32 $0x1400;
	[sflag:s12] =	ssyncadd.s32 $0xFFFFEC00  }
0x1c: {  	[tilespmem:s0], [sflag:$0x5] =	stream.linear.gather [hbm4b:s8+s3], $0x1400, $0x38;
	[tilespmem:$0x1E800] =	vst v63  }
0x1d: {  	[bflag:$0x0] =	sbarrier.arrive $0xFFFF  }
0x1e: {  	[tilespmem:s15], [sflag:$0x1] =	stream.indirect.gather [hbm4b:s4+s14], $0x80, s3, s14, $0xb8;
	[tilespmem:$0x1E800] =	vst v63  }
0x1f: {  	_ = 	snop  }
0x20: {  	[tilespmem:s17], [sflag:$0x2] =	stream.indirect.gather [hbm4b:s4+s14], $0x80, s16, s14, $0xb8;
	[tilespmem:$0x1E800] =	vst v63  }
0x21: {  	_ =	swait.ge [sflag:s21], $0x4000  }
0x22: {  	[sflag:s21] =	ssyncset.done $0x0  }
0x23: {  	[sflag:s21] =	ssyncadd.s32 $0xFFFFC000  }
0x24: {  	[spmem:s2] =	stream.indirect.scatter.add.f32 [tilespmem:s15], [sflag:$0x3], $0x80, s14, s14, $0xb8;
	[tilespmem:$0x1E800] =	vst v63  }
0x25: {  	_ =	swait.ge [sflag:s22], $0x4000  }
0x26: {  	s26 =	smov.u32 s10;
	s28 =	simm.s32 $0x2;
	[sflag:s22] =	ssyncset.done $0x0  }
0x27: {  	s29 =	simm.s32 $0x0;
	s30 =	simm.s32 $0x1;
	[sflag:s22] =	ssyncadd.s32 $0xFFFFC000  }
0x28: {  	[spmem:s2] =	stream.indirect.scatter.add.f32 [tilespmem:s17], [sflag:$0x4], $0x80, s18, s14, $0xb8;
	[tilespmem:$0x1E800] =	vst v63  }
.LBB2_2:
0x29: {  	s31 =	smulhi.u32 $0xCCCCCCCD, s28;
	_ =	sdelay $0x1  }
0x2a: {  	s0 =	smulhi.u32 $0xCCCCCCCD, s30;
	s31 =	sshrl.u32 s31, $0x4  }
0x2b: {  	s31 =	smul.u32 $0x5000, s31;
	_ =	sdelay $0x1  }
0x2c: {  	s0 =	sshrl.u32 s0, $0x3;
	s1 =	sadd.s32 $0xFFFFF800, s31  }
0x2d: {  	s0 =	sand.u32 $0x1, s0;
	p0 =	sne.s32 s1, s29  }
0x2e: {  	s1 =	smul.u32 $0x5000, s0;
	s13 =	simm.s32 @!p0 $0x5;
	s0 =	sxor.u32 @!p0 $0x1, s0  }
0x2f: {  	_ =	swait.ge @!p0 [sflag:s13], $0x1400;
	s0 =	smul.u32 @!p0 $0x5000, s0  }
0x30: {  	s1 =	ssub.s32 s1, s31;
	[sflag:s13] =	ssyncset.done @!p0 $0x0  }
0x31: {  	[sflag:s13] =	ssyncadd.s32 @!p0 $0xFFFFEC00;
	s0 =	sshrl.u32 @!p0 s0, $0x2;
	s13 =	simm.s32 @!p0 $0x0  }
0x32: {  	[tilespmem:s0], [sflag:$0x5] =	stream.linear.gather @!p0 [hbm4b:s26+s13], $0x1400, $0x38;
	[tilespmem:$0x1E800] =	vst v63  }
0x33: {  	s1 =	sshra.s32 s1, $0x2;
	s13 =	sshra.s32 s29, $0x2;
	_ =	swait.ge [sflag:s19], $0x4000  }
0x34: {  	s0 =	sadd.s32 s13, s1;
	[sflag:s19] =	ssyncset.done $0x0  }
0x35: {  	s1 =	sadd.s32 $0x200, s0;
	[sflag:s19] =	ssyncadd.s32 $0xFFFFC000  }
0x36: {  	[tilespmem:s15], [sflag:$0x1] =	stream.indirect.gather [hbm4b:s4+s14], $0x80, s1, s14, $0xb8;
	[tilespmem:$0x1E800] =	vst v63  }
0x37: {  	_ =	swait.ge [sflag:s20], $0x4000  }
0x38: {  	[sflag:s20] =	ssyncset.done $0x0  }
0x39: {  	s31 =	sadd.s32 $0x300, s0;
	[sflag:s20] =	ssyncadd.s32 $0xFFFFC000  }
0x3a: {  	[tilespmem:s17], [sflag:$0x2] =	stream.indirect.gather [hbm4b:s4+s14], $0x80, s31, s14, $0xb8;
	[tilespmem:$0x1E800] =	vst v63  }
0x3b: {  	_ =	swait.ge [sflag:s21], $0x4000  }
0x3c: {  	[sflag:s21] =	ssyncset.done $0x0  }
0x3d: {  	s13 =	sadd.s32 $0x280, s0;
	[sflag:s21] =	ssyncadd.s32 $0xFFFFC000  }
0x3e: {  	[spmem:s2] =	stream.indirect.scatter.add.f32 [tilespmem:s15], [sflag:$0x3], $0x80, s13, s14, $0xb8;
	[tilespmem:$0x1E800] =	vst v63  }
0x3f: {  	_ =	swait.ge [sflag:s22], $0x4000  }
0x40: {  	s29 =	sadd.s32 $0x800, s29;
	s31 =	rddreg [dreg:$0x4]  }
0x41: {  	p0 =	sne.s32 s31, s29  }
.Ltmp0:
0x42: {  	_ = 	snop;
	(pc) =	sbr.rel @p0 .LBB2_2-.Ltmp0, $4  }
0x43: {  	_ = 	snop  }
0x44: {  	s30 =	sadd.s32 $0x1, s30;
	s28 =	sadd.s32 $0x2, s28;
	[sflag:s22] =	ssyncset.done $0x0  }
0x45: {  	s26 =	sadd.s32 $0x40, s26;
	s0 =	sadd.s32 $0x380, s0;
	[sflag:s22] =	ssyncadd.s32 $0xFFFFC000  }
0x46: {  	[spmem:s2] =	stream.indirect.scatter.add.f32 [tilespmem:s17], [sflag:$0x4], $0x80, s0, s14, $0xb8;
	[tilespmem:$0x1E800] =	vst v63  }
0x47: {  	_ =	swait.ge [sflag:s19], $0x4000  }
0x48: {  	[sflag:s19] =	ssyncset.done $0x0  }
0x49: {  	[sflag:s19] =	ssyncadd.s32 $0xFFFFC000  }
0x4a: {  	_ =	swait.ge [sflag:s20], $0x4000  }
0x4b: {  	[sflag:s20] =	ssyncset.done $0x0  }
0x4c: {  	[sflag:s20] =	ssyncadd.s32 $0xFFFFC000  }
0x4d: {  	_ =	swait.ge [sflag:s23], $0x1400  }
0x4e: {  	s25 =	sadd.s32 $0x1, s25;
	[sflag:s23] =	ssyncset.done $0x0  }
0x4f: {  	p0 =	sne.s32 s25, s9;
	[sflag:s23] =	ssyncadd.s32 $0xFFFFEC00  }
.Ltmp1:
0x50: {  	[bflag:$0x0] =	sbarrier.arrive $0xFFFF;
	(pc) =	sbr.rel @p0 .LBB2_1-.Ltmp1, $4  }
0x51: {  	[hbm:s24], [sflag:s7] =	dma.local [spmem:s11], $0x2800  }
0x52: {  	_ =	swait.ge [sflag:s12], $0x2800  }
0x53: {  	[sflag:s12] =	ssyncset.done $0x0  }
0x54: {  	[sflag:s12] =	ssyncadd.s32 $0xFFFFD800  }
0x55: {  	_ =	sfence.sel $0x180000  }
0x56: {  	[bflag:$0x0] =	sbarrier.arrive $0xFFFF  }
0x57: {  	_ =	strace $0x9000004A  }
0x58: {  	s0 =	stileid.u32;
	[bflag:$0x2] =	sbarrier.arrive $0xFFFF  }
0x59: {  	p0 =	sne.s32 s0, $0x0;
	s0 =	rddreg [dreg:$0x3]  }
0x5a: {  	s0 =	sadd.s32 @!p0 $0x100000, s0  }
0x5b: {  	[sflag:s0] =	ssyncadd.tile.s32 @!p0 $0x1;
	_ =	shalt  }
.Lfunc_end2:
_tile_overlayer_lowered:
.L_overlay_start_2:
0x5c: {  	(tag) =	ssettag $0x2  }
0x5d: {  	s0 =	rddreg [dreg:$0x0];
	s2 =	stileid.u32  }
0x5e: {  	s1 =	rddreg [dreg:$0x1];
	p0 =	sne.s32 s2, $0x0  }
0x5f: {  	s3 =	rddreg [dreg:$0x2];
	[bflag:$0x3] =	sbarrier.arrive $0xFFFF;
	s2 =	simm.s32 @!p0 $0x1C06  }
0x60: {  	[timem:s3], [sflag:s2] =	dma.local @!p0 [hbm:s0], s1  }
0x61: {  	s0 =	simm.s32 @!p0 $0x6  }
0x62: {  	_ =	swait.ge @!p0 [sflag:s0], s1  }
0x63: {  	s1 =	ssub.s32 @!p0 $0x0, s1;
	[sflag:s0] =	ssyncset.done @!p0 $0x0  }
0x64: {  	[sflag:s0] =	ssyncadd.s32 @!p0 s1  }
0x65: {  	[bflag:$0x3] =	sbarrier.arrive $0xFFFF  }
0x66: {  	_ =	shalt  }

// kernel: _run.17.cloned.1.call-start
scs
__scs_entry_jumppad:
0x0: {  	(pc) =	sbr.rel $0x88, $3  }
0x1: {  	(tag) =	ssettag $0x0;
	lr =	simm.s32 $0x1  }
0x2: {  	[smem:$0x3F99] =	sst lr;
	_ =	strace $0xD0000000  }
0x3: {  	_ = 	snop  }
0x4: {  	_ = 	snop  }
0x5: {  	_ = 	snop  }
0x6: {  	_ = 	snop  }
0x7: {  	_ = 	snop  }
__scs_overlays_trampoline_lowered:
0x8: {  	[smem:$0x3FA8] =	sst s0  }
0x9: {  	[smem:$0x3FA9] =	sst s1  }
0xa: {  	[smem:$0x3FAA] =	sst s2  }
0xb: {  	[smem:$0x3FAB] =	sst s3  }
0xc: {  	[smem:$0x3FAC] =	sst s4  }
0xd: {  	[smem:$0x3FAD] =	sst s5  }
0xe: {  	[smem:$0x3FAE] =	sst s6  }
0xf: {  	[smem:$0x3FAF] =	sst s7  }
0x10: {  	[smem:$0x3FB0] =	sst s8  }
0x11: {  	[smem:$0x3FB1] =	sst s9;
	s0 =	simm.s32 @!p0 $0x0  }
0x12: {  	s1 =	sld [smem:$0x3F97];
	s0 =	simm.s32 @p0 $0x1  }
0x13: {  	[smem:$0x3FB2] =	sst s0;
	s0 =	simm.s32 @!p1 $0x0  }
0x14: {  	s2 =	sld [smem:$0x3F96];
	s0 =	simm.s32 @p1 $0x1  }
0x15: {  	[smem:$0x3FB3] =	sst s0;
	s0 =	simm.s32 @!p2 $0x0  }
0x16: {  	s3 =	sld [smem:$0x3FDB];
	s0 =	simm.s32 @p2 $0x1  }
0x17: {  	s4 =	simm.s32 $0x1BF5;
	[smem:$0x3FB5] =	sst s0  }
0x18: {  	s0 =	sld [smem:$0x3F98];
	_ =	swait.ge [sflag:s4], $0x0  }
0x19: {  	s7 =	sld [smem:$0x3F99]  }
0x1a: {  	s8 =	sadd.s32 $0xFFFFE003, lr  }
0x1b: {  	s9 =	sadd.s32 $0xFFFFFEF7, lr;
	s5 =	simm.s32 $0xFFFFFFFF;
	p2 =	slt.u32 s8, $0xFFFFF086  }
0x1c: {  	p1 =	slt.u32 s9, $0xF7A;
	s5 =	simm.s32 @!p2 $0x0  }
0x1d: {  	s5 =	simm.s32 @p1 $0x1;
	p0 =	seq.s32 s7, s2  }
0x1e: {  	s7 =	smul.u32 @!p0 $0xF7A, s2;
	p2 =	seq.s32 @!p0 s5, $0x0  }
0x1f: {  	s9 =	smul.u32 $0xF7A, s1;
	s8 =	simm.s32 @!p0 $0x1BF5;
	p2 =	por !p2, p0  }
0x20: {  	[sflag:s8] =	ssyncset.s32 @!p0 $0xFFFFF086;
	s6 =	sadd.s32 @!p0 s3, s7;
	s7 =	simm.s32 @!p0 $0x108  }
0x21: {  	s3 =	sadd.s32 s3, s9;
	s6 =	sadd.s32 @!p0 $0x88, s6;
	s7 =	simm.s32 @p2 $0x1082  }
0x22: {  	[simem:s7], [sflag:s8] =	dma.local @!p0 [hbm:s6], $0xF7A  }
0x23: {  	s9 =	sor.u32 $0xD0000000, s2;
	s6 =	simm.s32 $0x108;
	_ =	swait.ge @!p0 [sflag:s8], $0x0  }
0x24: {  	s3 =	sadd.s32 $0x88, s3;
	s6 =	simm.s32 @!p1 $0x1082;
	[sflag:s4] =	ssyncset.s32 $0xFFFFF086  }
0x25: {  	[simem:s6], [sflag:s4] =	dma.local [hbm:s3], $0xF7A  }
0x26: {  	[smem:$0x3F99] =	sst s1;
	(tag) =	ssettag s2;
	_ =	strace s9  }
0x27: {  	s1 =	sld [smem:$0x3FA9]  }
0x28: {  	s2 =	sld [smem:$0x3FAA]  }
0x29: {  	s4 =	sld [smem:$0x3FAC]  }
0x2a: {  	p0 =	seq.s32 s5, $0x0;
	s5 =	sld [smem:$0x3FAD]  }
0x2b: {  	s6 =	sld [smem:$0x3FAE]  }
0x2c: {  	s7 =	sld [smem:$0x3FAF]  }
0x2d: {  	s3 =	simm.s32 $0x108;
	s8 =	sld [smem:$0x3FB0]  }
0x2e: {  	s3 =	simm.s32 @!p0 $0x1082;
	s9 =	sld [smem:$0x3FB1]  }
0x2f: {  	lr =	sadd.s32 s0, s3;
	s0 =	sld [smem:$0x3FA8]  }
0x30: {  	s3 =	sld [smem:$0x3FAB]  }
0x31: {  	[smem:$0x3FB4] =	sst s10  }
0x32: {  	s10 =	sld [smem:$0x3FB2];
	_ =	sdelay $0x3  }
0x33: {  	p0 =	seq.s32 s10, $0x1;
	s10 =	sld [smem:$0x3FB4];
	_ =	sdelay $0x3  }
0x34: {  	[smem:$0x3FB4] =	sst s10  }
0x35: {  	s10 =	sld [smem:$0x3FB3];
	_ =	sdelay $0x3  }
0x36: {  	p1 =	seq.s32 s10, $0x1;
	s10 =	sld [smem:$0x3FB4];
	_ =	sdelay $0x3  }
0x37: {  	[smem:$0x3FB4] =	sst s10  }
0x38: {  	s10 =	sld [smem:$0x3FB5]  }
0x39: {  	_ = 	snop;
	(pc) =	sbr.ind lr, $3  }
0x3a: {  	_ = 	snop  }
0x3b: {  	_ = 	snop  }
0x3c: {  	p2 =	seq.s32 s10, $0x1;
	s10 =	sld [smem:$0x3FB4]  }
0x3d: {  	_ =	shalt  }
0x3e: {  	_ =	shalt  }
0x3f: {  	_ =	shalt  }
0x40: {  	_ =	shalt  }
0x41: {  	_ =	shalt  }
0x42: {  	_ =	shalt  }
0x43: {  	_ =	shalt  }
0x44: {  	_ =	shalt  }
0x45: {  	_ =	shalt  }
0x46: {  	_ =	shalt  }
0x47: {  	_ =	shalt  }
0x48: {  	_ =	shalt  }
0x49: {  	_ =	shalt  }
0x4a: {  	_ =	shalt  }
0x4b: {  	_ =	shalt  }
0x4c: {  	_ =	shalt  }
0x4d: {  	_ =	shalt  }
0x4e: {  	_ =	shalt  }
0x4f: {  	_ =	shalt  }
0x50: {  	_ =	shalt  }
0x51: {  	_ =	shalt  }
0x52: {  	_ =	shalt  }
0x53: {  	_ =	shalt  }
0x54: {  	_ =	shalt  }
0x55: {  	_ =	shalt  }
0x56: {  	_ =	shalt  }
0x57: {  	_ =	shalt  }
0x58: {  	_ =	shalt  }
0x59: {  	_ =	shalt  }
0x5a: {  	_ =	shalt  }
0x5b: {  	_ =	shalt  }
0x5c: {  	_ =	shalt  }
0x5d: {  	_ =	shalt  }
0x5e: {  	_ =	shalt  }
0x5f: {  	_ =	shalt  }
0x60: {  	_ =	shalt  }
0x61: {  	_ =	shalt  }
0x62: {  	_ =	shalt  }
0x63: {  	_ =	shalt  }
0x64: {  	_ =	shalt  }
0x65: {  	_ =	shalt  }
0x66: {  	_ =	shalt  }
0x67: {  	_ =	shalt  }
0x68: {  	_ =	shalt  }
0x69: {  	_ =	shalt  }
0x6a: {  	_ =	shalt  }
0x6b: {  	_ =	shalt  }
0x6c: {  	_ =	shalt  }
0x6d: {  	_ =	shalt  }
0x6e: {  	_ =	shalt  }
0x6f: {  	_ =	shalt  }
0x70: {  	_ =	shalt  }
0x71: {  	_ =	shalt  }
0x72: {  	_ =	shalt  }
0x73: {  	_ =	shalt  }
0x74: {  	_ =	shalt  }
0x75: {  	_ =	shalt  }
0x76: {  	_ =	shalt  }
0x77: {  	_ =	shalt  }
0x78: {  	_ =	shalt  }
0x79: {  	_ =	shalt  }
0x7a: {  	_ =	shalt  }
0x7b: {  	_ =	shalt  }
0x7c: {  	_ =	shalt  }
0x7d: {  	_ =	shalt  }
0x7e: {  	_ =	shalt  }
0x7f: {  	_ =	shalt  }
0x80: {  	_ =	shalt  }
0x81: {  	_ =	shalt  }
0x82: {  	_ =	shalt  }
0x83: {  	_ =	shalt  }
0x84: {  	_ =	shalt  }
0x85: {  	_ =	shalt  }
0x86: {  	_ =	shalt  }
0x87: {  	_ =	shalt  }
.Lfunc_end0:
.L_simem_size_0:
called_computation.2_lowered:
.L_overlay_start_0:
0x88: {  	s2 =	sld [smem:$0x3FD9]  }
0x89: {  	s3 =	sld [smem:$0x3FFE];
	_ =	sdelay $0x1  }
0x8a: {  	s1 =	srdreg.scid  }
0x8b: {  	s0 =	sand.u32 $0x1, s1  }
0x8c: {  	s17 =	sshll.u32 s0, $0xA;
	s2 =	sadd.s32 s3, s2  }
0x8d: {  	s2 =	sadd.s32 s2, s17  }
0x8e: {  	[smem:$0x3FC0] =	sst s2  }
0x8f: {  	_ = 	snop  }
0x90: {  	s2 =	sld [smem:$0x3FD0];
	(tm) =	ssettm $0x1  }
0x91: {  	s18 =	sld [smem:$0x3FFB];
	_ =	sdelay $0x3  }
0x92: {  	_ =	strace s18  }
0x93: {  	s3 =	sld [smem:$0x3FFC];
	_ =	sdelay $0x3  }
0x94: {  	_ =	strace s3  }
0x95: {  	s3 =	sld [smem:$0x3FFD];
	_ =	sdelay $0x3  }
0x96: {  	_ =	strace s3  }
0x97: {  	_ =	strace $0x8FFFFFFF  }
0x98: {  	s19 =	sld [smem:$0x3FDB];
	_ =	sdelay $0x1  }
0x99: {  	s4 =	simm.s32 $_scs_section_size  }
0x9a: {  	s5 =	simm.s32 $_size__tile_overlayer_lowered;
	s6 =	simm.s32 $_tile_overlayer_lowered  }
0x9b: {  	s22 =	simm.s32 $0x1BFF;
	s21 =	sshll.u32 s6, $0x1;
	s3 =	sadd.s32 s4, s19  }
0x9c: {  	s7 =	simm.s32 $0x0;
	s20 =	sshll.u32 s5, $0x1;
	s5 =	sadd.s32 s21, s3  }
0x9d: {  	[timem:s7], [sflag:s22] =	dma.local [hbm:s5], s20  }
0x9e: {  	_ =	swait.ge [sflag:s22], s20  }
0x9f: {  	s4 =	ssub.s32 $0x0, s20;
	[sflag:s22] =	ssyncset.done $0x0  }
0xa0: {  	[sflag:s22] =	ssyncadd.s32 s4;
	_ =	sdelay $0x1  }
0xa1: {  	s23 =	simm.s32 $0x1B8B  }
0xa2: {  	_ =	swait.ge [sflag:s23], $0x1  }
0xa3: {  	[sflag:s23] =	ssyncset.done $0x0  }
0xa4: {  	s25 =	simm.s32 $0x1B8E;
	s24 =	sld [smem:$0x3FFE];
	[sflag:s23] =	ssyncadd.s32 $0xFFFFFFFF  }
0xa5: {  	s26 =	simm.s32 $execute0_lowered;
	[smem:$0x3FD2] =	sst s25  }
0xa6: {  	s5 =	sshll.u32 s26, $0x1;
	_ =	strace $0x8000004C;
	[dreg:$0x1] =	wrdreg $0xFFFFFFFF  }
0xa7: {  	s28 =	simm.s32 $_size_execute0_lowered;
	s3 =	sadd.s32 s3, s5;
	[dreg:$0x0] =	wrdreg $0x0  }
0xa8: {  	s5 =	sshll.u32 s28, $0x1;
	[dreg:$0x2] =	wrdreg s3  }
0xa9: {  	[dreg:$0x3] =	wrdreg s5  }
0xaa: {  	[dreg:$0x4] =	wrdreg $0xC0  }
0xab: {  	_ =	task [dreg:s7], $0x5FFFF  }
0xac: {  	[dreg:$0x1] =	wrdreg $0xFFFFFFFF  }
0xad: {  	[dreg:$0x0] =	wrdreg $0x60  }
0xae: {  	[dreg:$0x2] =	wrdreg s24  }
0xaf: {  	[dreg:$0x3] =	wrdreg s2  }
0xb0: {  	[dreg:$0x4] =	wrdreg $0xA8000  }
0xb1: {  	[dreg:$0x5] =	wrdreg $0x9  }
0xb2: {  	_ =	task.clear_ibuf [dreg:s7], $0x6FFFF;
	_ =	strace $0x9000004C  }
0xb3: {  	s29 =	simm.s32 $0x9;
	_ =	strace $0x8000004E  }
0xb4: {  	_ =	swait.ge [sflag:s29], $0x1  }
0xb5: {  	[sflag:s29] =	ssyncadd.s32 $0xFFFFFFFF  }
0xb6: {  	_ =	strace $0x9000004E  }
0xb7: {  	_ =	sfence  }
0xb8: {  	s30 =	sld [smem:$0x0];
	_ =	sdelay $0x2  }
0xb9: {  	s31 =	sshll.u32 s1, $0xD;
	s1 =	sshrl.u32 s1, $0x2  }
0xba: {  	s3 =	sand.u32 $0x4000, s31;
	s1 =	sadd.s32 s1, s30  }
0xbb: {  	s0 =	sor.u32 s3, s0;
	s1 =	sshll.u32 s1, $0x11  }
0xbc: {  	s0 =	sor.u32 s1, s0  }
0xbd: {  	s0 =	sadd.s32 $0x8F2B, s0  }
0xbe: {  	[sflag:s0] =	ssyncadd.remote.s32 $0x1  }
0xbf: {  	_ =	sfence.sel $0xFFFF  }
0xc0: {  	[dreg:$0x0] =	wrdreg $0xFFFFFFFF;
	(pc) =	sbr.abs _section_cstart, $3  }
0xc1: {  	[dreg:$0x1] =	wrdreg $0xFFFFFFFF  }
0xc2: {  	_ =	task.clear_ibuf [dreg:s7], $0x2FFFF;
	_ =	strace $0x9FFFFFFF  }
0xc3: {  	(tm) =	ssettm $0x7FFFFFFF  }
tec
execute0_lowered:
.L_overlay_start_1:
0x0: {  	(tag) =	ssettag $0x1  }
0x1: {  	s5 =	rddreg [dreg:$0x0]  }
0x2: {  	s6 =	rddreg [dreg:$0x1]  }
0x3: {  	s2 =	rddreg [dreg:$0x2]  }
0x4: {  	s0 =	stileid.u32;
	s4 =	srdreg.scid;
	s3 =	simm.s32 $0x0  }
0x5: {  	s14 =	simm.s32 $0x80;
	s15 =	simm.s32 $0x2800;
	s16 =	simm.s32 $0x100  }
0x6: {  	s17 =	simm.s32 $0x6800;
	s18 =	simm.s32 $0x180;
	s19 =	simm.s32 $0x3  }
0x7: {  	s20 =	simm.s32 $0x4;
	s21 =	simm.s32 $0x1;
	s24 =	smul.u32 $0x2800, s0  }
0x8: {  	s22 =	simm.s32 $0x2;
	s23 =	simm.s32 $0x5;
	s9 =	smul.u32 $0x14, s0  }
0x9: {  	s7 =	sand.u32 $0x1, s4;
	[smem:$0x7FF] =	sst s3;
	s12 =	smul.u32 $0x50000, s0  }
0xa: {  	s4 =	sadd.s32 $0x2B800, s5;
	s31 =	sshll.u32 s0, $0x6;
	s8 =	smul.u32 $0x28000, s7  }
0xb: {  	_ =	strace $0x8000004D;
	s11 =	ssub.s32 $0x2, s7;
	p0 =	seq.s32 s7, $0x0  }
0xc: {  	s10 =	sadd.s32 s24, s5;
	s29 =	sshrl.u32 s11, $0x1;
	s7 =	sadd.s32 $0x8C0, s9  }
0xd: {  	s30 =	sshrl.u32 s12, $0x2;
	s9 =	simm.s32 $0x22800;
	s13 =	sadd.s32 s8, s5  }
0xe: {  	s8 =	smul.u32 $0x8C, s0;
	s11 =	ssub.s32 s11, s29;
	s9 =	simm.s32 @!p0 $0x4800  }
0xf: {  	s12 =	sadd.s32 s30, s2;
	s5 =	sadd.s32 $0x3800, s10;
	[dreg:$0x4] =	wrdreg s9  }
0x10: {  	s25 =	sadd.s32 $0x53800, s13;
	s9 =	smax.u32 s11, $0x1;
	s7 =	smov.u32 @p0 s8  }
0x11: {  	s11 =	sshrl.u32 s12, $0x3;
	s12 =	simm.s32 $0x6;
	s7 =	sshll.u32 s7, $0x5  }
0x12: {  	s24 =	sadd.s32 s24, s25;
	s25 =	simm.s32 $0x0;
	s6 =	sadd.s32 s6, s7  }
0x13: {  	s7 =	sor.u32 $0x1C06, s31;
	s8 =	sadd.s32 $0x280, s6;
	s10 =	sadd.s32 $0x2C0, s6  }
.LBB2_1:
0x14: {  	[spmem:s11], [sflag:s7] =	dma.local [hbm:s5], $0x2800  }
0x15: {  	_ =	swait.ge [sflag:s12], $0x2800  }
0x16: {  	[sflag:s12] =	ssyncset.done $0x0  }
0x17: {  	[sflag:s12] =	ssyncadd.s32 $0xFFFFD800  }
0x18: {  	[tilespmem:s3], [sflag:$0x6] =	stream.linear.gather [hbm4b:s6+s3], $0x1400, $0x38;
	[tilespmem:$0x1E800] =	vst v63  }
0x19: {  	_ =	swait.ge [sflag:s12], $0x1400  }
0x1a: {  	[sflag:s12] =	ssyncset.done $0x0  }
0x1b: {  	s0 =	simm.s32 $0x1400;
	[sflag:s12] =	ssyncadd.s32 $0xFFFFEC00  }
0x1c: {  	[tilespmem:s0], [sflag:$0x5] =	stream.linear.gather [hbm4b:s8+s3], $0x1400, $0x38;
	[tilespmem:$0x1E800] =	vst v63  }
0x1d: {  	[bflag:$0x0] =	sbarrier.arrive $0xFFFF  }
0x1e: {  	[tilespmem:s15], [sflag:$0x1] =	stream.indirect.gather [hbm4b:s4+s14], $0x80, s3, s14, $0xb8;
	[tilespmem:$0x1E800] =	vst v63  }
0x1f: {  	_ = 	snop  }
0x20: {  	[tilespmem:s17], [sflag:$0x2] =	stream.indirect.gather [hbm4b:s4+s14], $0x80, s16, s14, $0xb8;
	[tilespmem:$0x1E800] =	vst v63  }
0x21: {  	_ =	swait.ge [sflag:s21], $0x4000  }
0x22: {  	[sflag:s21] =	ssyncset.done $0x0  }
0x23: {  	[sflag:s21] =	ssyncadd.s32 $0xFFFFC000  }
0x24: {  	[spmem:s2] =	stream.indirect.scatter.add.f32 [tilespmem:s15], [sflag:$0x3], $0x80, s14, s14, $0xb8;
	[tilespmem:$0x1E800] =	vst v63  }
0x25: {  	_ =	swait.ge [sflag:s22], $0x4000  }
0x26: {  	s26 =	smov.u32 s10;
	s28 =	simm.s32 $0x2;
	[sflag:s22] =	ssyncset.done $0x0  }
0x27: {  	s29 =	simm.s32 $0x0;
	s30 =	simm.s32 $0x1;
	[sflag:s22] =	ssyncadd.s32 $0xFFFFC000  }
0x28: {  	[spmem:s2] =	stream.indirect.scatter.add.f32 [tilespmem:s17], [sflag:$0x4], $0x80, s18, s14, $0xb8;
	[tilespmem:$0x1E800] =	vst v63  }
.LBB2_2:
0x29: {  	s31 =	smulhi.u32 $0xCCCCCCCD, s28;
	_ =	sdelay $0x1  }
0x2a: {  	s0 =	smulhi.u32 $0xCCCCCCCD, s30;
	s31 =	sshrl.u32 s31, $0x4  }
0x2b: {  	s31 =	smul.u32 $0x5000, s31;
	_ =	sdelay $0x1  }
0x2c: {  	s0 =	sshrl.u32 s0, $0x3;
	s1 =	sadd.s32 $0xFFFFF800, s31  }
0x2d: {  	s0 =	sand.u32 $0x1, s0;
	p0 =	sne.s32 s1, s29  }
0x2e: {  	s1 =	smul.u32 $0x5000, s0;
	s13 =	simm.s32 @!p0 $0x5;
	s0 =	sxor.u32 @!p0 $0x1, s0  }
0x2f: {  	_ =	swait.ge @!p0 [sflag:s13], $0x1400;
	s0 =	smul.u32 @!p0 $0x5000, s0  }
0x30: {  	s1 =	ssub.s32 s1, s31;
	[sflag:s13] =	ssyncset.done @!p0 $0x0  }
0x31: {  	[sflag:s13] =	ssyncadd.s32 @!p0 $0xFFFFEC00;
	s0 =	sshrl.u32 @!p0 s0, $0x2;
	s13 =	simm.s32 @!p0 $0x0  }
0x32: {  	[tilespmem:s0], [sflag:$0x5] =	stream.linear.gather @!p0 [hbm4b:s26+s13], $0x1400, $0x38;
	[tilespmem:$0x1E800] =	vst v63  }
0x33: {  	s1 =	sshra.s32 s1, $0x2;
	s13 =	sshra.s32 s29, $0x2;
	_ =	swait.ge [sflag:s19], $0x4000  }
0x34: {  	s0 =	sadd.s32 s13, s1;
	[sflag:s19] =	ssyncset.done $0x0  }
0x35: {  	s1 =	sadd.s32 $0x200, s0;
	[sflag:s19] =	ssyncadd.s32 $0xFFFFC000  }
0x36: {  	[tilespmem:s15], [sflag:$0x1] =	stream.indirect.gather [hbm4b:s4+s14], $0x80, s1, s14, $0xb8;
	[tilespmem:$0x1E800] =	vst v63  }
0x37: {  	_ =	swait.ge [sflag:s20], $0x4000  }
0x38: {  	[sflag:s20] =	ssyncset.done $0x0  }
0x39: {  	s31 =	sadd.s32 $0x300, s0;
	[sflag:s20] =	ssyncadd.s32 $0xFFFFC000  }
0x3a: {  	[tilespmem:s17], [sflag:$0x2] =	stream.indirect.gather [hbm4b:s4+s14], $0x80, s31, s14, $0xb8;
	[tilespmem:$0x1E800] =	vst v63  }
0x3b: {  	_ =	swait.ge [sflag:s21], $0x4000  }
0x3c: {  	[sflag:s21] =	ssyncset.done $0x0  }
0x3d: {  	s13 =	sadd.s32 $0x280, s0;
	[sflag:s21] =	ssyncadd.s32 $0xFFFFC000  }
0x3e: {  	[spmem:s2] =	stream.indirect.scatter.add.f32 [tilespmem:s15], [sflag:$0x3], $0x80, s13, s14, $0xb8;
	[tilespmem:$0x1E800] =	vst v63  }
0x3f: {  	_ =	swait.ge [sflag:s22], $0x4000  }
0x40: {  	s29 =	sadd.s32 $0x800, s29;
	s31 =	rddreg [dreg:$0x4]  }
0x41: {  	p0 =	sne.s32 s31, s29  }
.Ltmp0:
0x42: {  	_ = 	snop;
	(pc) =	sbr.rel @p0 .LBB2_2-.Ltmp0, $4  }
0x43: {  	_ = 	snop  }
0x44: {  	s30 =	sadd.s32 $0x1, s30;
	s28 =	sadd.s32 $0x2, s28;
	[sflag:s22] =	ssyncset.done $0x0  }
0x45: {  	s26 =	sadd.s32 $0x40, s26;
	s0 =	sadd.s32 $0x380, s0;
	[sflag:s22] =	ssyncadd.s32 $0xFFFFC000  }
0x46: {  	[spmem:s2] =	stream.indirect.scatter.add.f32 [tilespmem:s17], [sflag:$0x4], $0x80, s0, s14, $0xb8;
	[tilespmem:$0x1E800] =	vst v63  }
0x47: {  	_ =	swait.ge [sflag:s19], $0x4000  }
0x48: {  	[sflag:s19] =	ssyncset.done $0x0  }
0x49: {  	[sflag:s19] =	ssyncadd.s32 $0xFFFFC000  }
0x4a: {  	_ =	swait.ge [sflag:s20], $0x4000  }
0x4b: {  	[sflag:s20] =	ssyncset.done $0x0  }
0x4c: {  	[sflag:s20] =	ssyncadd.s32 $0xFFFFC000  }
0x4d: {  	_ =	swait.ge [sflag:s23], $0x1400  }
0x4e: {  	s25 =	sadd.s32 $0x1, s25;
	[sflag:s23] =	ssyncset.done $0x0  }
0x4f: {  	p0 =	sne.s32 s25, s9;
	[sflag:s23] =	ssyncadd.s32 $0xFFFFEC00  }
.Ltmp1:
0x50: {  	[bflag:$0x0] =	sbarrier.arrive $0xFFFF;
	(pc) =	sbr.rel @p0 .LBB2_1-.Ltmp1, $4  }
0x51: {  	[hbm:s24], [sflag:s7] =	dma.local [spmem:s11], $0x2800  }
0x52: {  	_ =	swait.ge [sflag:s12], $0x2800  }
0x53: {  	[sflag:s12] =	ssyncset.done $0x0  }
0x54: {  	[sflag:s12] =	ssyncadd.s32 $0xFFFFD800  }
0x55: {  	_ =	sfence.sel $0x180000  }
0x56: {  	[bflag:$0x0] =	sbarrier.arrive $0xFFFF  }
0x57: {  	_ =	strace $0x9000004D  }
0x58: {  	s0 =	stileid.u32;
	[bflag:$0x2] =	sbarrier.arrive $0xFFFF  }
0x59: {  	p0 =	sne.s32 s0, $0x0;
	s0 =	rddreg [dreg:$0x3]  }
0x5a: {  	s0 =	sadd.s32 @!p0 $0x100000, s0  }
0x5b: {  	[sflag:s0] =	ssyncadd.tile.s32 @!p0 $0x1;
	_ =	shalt  }
.Lfunc_end2:
_tile_overlayer_lowered:
.L_overlay_start_2:
0x5c: {  	(tag) =	ssettag $0x2  }
0x5d: {  	s0 =	rddreg [dreg:$0x0];
	s2 =	stileid.u32  }
0x5e: {  	s1 =	rddreg [dreg:$0x1];
	p0 =	sne.s32 s2, $0x0  }
0x5f: {  	s3 =	rddreg [dreg:$0x2];
	[bflag:$0x3] =	sbarrier.arrive $0xFFFF;
	s2 =	simm.s32 @!p0 $0x1C06  }
0x60: {  	[timem:s3], [sflag:s2] =	dma.local @!p0 [hbm:s0], s1  }
0x61: {  	s0 =	simm.s32 @!p0 $0x6  }
0x62: {  	_ =	swait.ge @!p0 [sflag:s0], s1  }
0x63: {  	s1 =	ssub.s32 @!p0 $0x0, s1;
	[sflag:s0] =	ssyncset.done @!p0 $0x0  }
0x64: {  	[sflag:s0] =	ssyncadd.s32 @!p0 s1  }
0x65: {  	[bflag:$0x3] =	sbarrier.arrive $0xFFFF  }
0x66: {  	_ =	shalt  }

// kernel: _run.20.cloned.1.call-start
scs
__scs_entry_jumppad:
0x0: {  	(pc) =	sbr.rel $0x88, $3  }
0x1: {  	(tag) =	ssettag $0x0;
	lr =	simm.s32 $0x1  }
0x2: {  	[smem:$0x3F99] =	sst lr;
	_ =	strace $0xD0000000  }
0x3: {  	_ = 	snop  }
0x4: {  	_ = 	snop  }
0x5: {  	_ = 	snop  }
0x6: {  	_ = 	snop  }
0x7: {  	_ = 	snop  }
__scs_overlays_trampoline_lowered:
0x8: {  	[smem:$0x3FA8] =	sst s0  }
0x9: {  	[smem:$0x3FA9] =	sst s1  }
0xa: {  	[smem:$0x3FAA] =	sst s2  }
0xb: {  	[smem:$0x3FAB] =	sst s3  }
0xc: {  	[smem:$0x3FAC] =	sst s4  }
0xd: {  	[smem:$0x3FAD] =	sst s5  }
0xe: {  	[smem:$0x3FAE] =	sst s6  }
0xf: {  	[smem:$0x3FAF] =	sst s7  }
0x10: {  	[smem:$0x3FB0] =	sst s8  }
0x11: {  	[smem:$0x3FB1] =	sst s9;
	s0 =	simm.s32 @!p0 $0x0  }
0x12: {  	s1 =	sld [smem:$0x3F97];
	s0 =	simm.s32 @p0 $0x1  }
0x13: {  	[smem:$0x3FB2] =	sst s0;
	s0 =	simm.s32 @!p1 $0x0  }
0x14: {  	s2 =	sld [smem:$0x3F96];
	s0 =	simm.s32 @p1 $0x1  }
0x15: {  	[smem:$0x3FB3] =	sst s0;
	s0 =	simm.s32 @!p2 $0x0  }
0x16: {  	s3 =	sld [smem:$0x3FDB];
	s0 =	simm.s32 @p2 $0x1  }
0x17: {  	s4 =	simm.s32 $0x1BF5;
	[smem:$0x3FB5] =	sst s0  }
0x18: {  	s0 =	sld [smem:$0x3F98];
	_ =	swait.ge [sflag:s4], $0x0  }
0x19: {  	s7 =	sld [smem:$0x3F99]  }
0x1a: {  	s8 =	sadd.s32 $0xFFFFE003, lr  }
0x1b: {  	s9 =	sadd.s32 $0xFFFFFEF7, lr;
	s5 =	simm.s32 $0xFFFFFFFF;
	p2 =	slt.u32 s8, $0xFFFFF086  }
0x1c: {  	p1 =	slt.u32 s9, $0xF7A;
	s5 =	simm.s32 @!p2 $0x0  }
0x1d: {  	s5 =	simm.s32 @p1 $0x1;
	p0 =	seq.s32 s7, s2  }
0x1e: {  	s7 =	smul.u32 @!p0 $0xF7A, s2;
	p2 =	seq.s32 @!p0 s5, $0x0  }
0x1f: {  	s9 =	smul.u32 $0xF7A, s1;
	s8 =	simm.s32 @!p0 $0x1BF5;
	p2 =	por !p2, p0  }
0x20: {  	[sflag:s8] =	ssyncset.s32 @!p0 $0xFFFFF086;
	s6 =	sadd.s32 @!p0 s3, s7;
	s7 =	simm.s32 @!p0 $0x108  }
0x21: {  	s3 =	sadd.s32 s3, s9;
	s6 =	sadd.s32 @!p0 $0x88, s6;
	s7 =	simm.s32 @p2 $0x1082  }
0x22: {  	[simem:s7], [sflag:s8] =	dma.local @!p0 [hbm:s6], $0xF7A  }
0x23: {  	s9 =	sor.u32 $0xD0000000, s2;
	s6 =	simm.s32 $0x108;
	_ =	swait.ge @!p0 [sflag:s8], $0x0  }
0x24: {  	s3 =	sadd.s32 $0x88, s3;
	s6 =	simm.s32 @!p1 $0x1082;
	[sflag:s4] =	ssyncset.s32 $0xFFFFF086  }
0x25: {  	[simem:s6], [sflag:s4] =	dma.local [hbm:s3], $0xF7A  }
0x26: {  	[smem:$0x3F99] =	sst s1;
	(tag) =	ssettag s2;
	_ =	strace s9  }
0x27: {  	s1 =	sld [smem:$0x3FA9]  }
0x28: {  	s2 =	sld [smem:$0x3FAA]  }
0x29: {  	s4 =	sld [smem:$0x3FAC]  }
0x2a: {  	p0 =	seq.s32 s5, $0x0;
	s5 =	sld [smem:$0x3FAD]  }
0x2b: {  	s6 =	sld [smem:$0x3FAE]  }
0x2c: {  	s7 =	sld [smem:$0x3FAF]  }
0x2d: {  	s3 =	simm.s32 $0x108;
	s8 =	sld [smem:$0x3FB0]  }
0x2e: {  	s3 =	simm.s32 @!p0 $0x1082;
	s9 =	sld [smem:$0x3FB1]  }
0x2f: {  	lr =	sadd.s32 s0, s3;
	s0 =	sld [smem:$0x3FA8]  }
0x30: {  	s3 =	sld [smem:$0x3FAB]  }
0x31: {  	[smem:$0x3FB4] =	sst s10  }
0x32: {  	s10 =	sld [smem:$0x3FB2];
	_ =	sdelay $0x3  }
0x33: {  	p0 =	seq.s32 s10, $0x1;
	s10 =	sld [smem:$0x3FB4];
	_ =	sdelay $0x3  }
0x34: {  	[smem:$0x3FB4] =	sst s10  }
0x35: {  	s10 =	sld [smem:$0x3FB3];
	_ =	sdelay $0x3  }
0x36: {  	p1 =	seq.s32 s10, $0x1;
	s10 =	sld [smem:$0x3FB4];
	_ =	sdelay $0x3  }
0x37: {  	[smem:$0x3FB4] =	sst s10  }
0x38: {  	s10 =	sld [smem:$0x3FB5]  }
0x39: {  	_ = 	snop;
	(pc) =	sbr.ind lr, $3  }
0x3a: {  	_ = 	snop  }
0x3b: {  	_ = 	snop  }
0x3c: {  	p2 =	seq.s32 s10, $0x1;
	s10 =	sld [smem:$0x3FB4]  }
0x3d: {  	_ =	shalt  }
0x3e: {  	_ =	shalt  }
0x3f: {  	_ =	shalt  }
0x40: {  	_ =	shalt  }
0x41: {  	_ =	shalt  }
0x42: {  	_ =	shalt  }
0x43: {  	_ =	shalt  }
0x44: {  	_ =	shalt  }
0x45: {  	_ =	shalt  }
0x46: {  	_ =	shalt  }
0x47: {  	_ =	shalt  }
0x48: {  	_ =	shalt  }
0x49: {  	_ =	shalt  }
0x4a: {  	_ =	shalt  }
0x4b: {  	_ =	shalt  }
0x4c: {  	_ =	shalt  }
0x4d: {  	_ =	shalt  }
0x4e: {  	_ =	shalt  }
0x4f: {  	_ =	shalt  }
0x50: {  	_ =	shalt  }
0x51: {  	_ =	shalt  }
0x52: {  	_ =	shalt  }
0x53: {  	_ =	shalt  }
0x54: {  	_ =	shalt  }
0x55: {  	_ =	shalt  }
0x56: {  	_ =	shalt  }
0x57: {  	_ =	shalt  }
0x58: {  	_ =	shalt  }
0x59: {  	_ =	shalt  }
0x5a: {  	_ =	shalt  }
0x5b: {  	_ =	shalt  }
0x5c: {  	_ =	shalt  }
0x5d: {  	_ =	shalt  }
0x5e: {  	_ =	shalt  }
0x5f: {  	_ =	shalt  }
0x60: {  	_ =	shalt  }
0x61: {  	_ =	shalt  }
0x62: {  	_ =	shalt  }
0x63: {  	_ =	shalt  }
0x64: {  	_ =	shalt  }
0x65: {  	_ =	shalt  }
0x66: {  	_ =	shalt  }
0x67: {  	_ =	shalt  }
0x68: {  	_ =	shalt  }
0x69: {  	_ =	shalt  }
0x6a: {  	_ =	shalt  }
0x6b: {  	_ =	shalt  }
0x6c: {  	_ =	shalt  }
0x6d: {  	_ =	shalt  }
0x6e: {  	_ =	shalt  }
0x6f: {  	_ =	shalt  }
0x70: {  	_ =	shalt  }
0x71: {  	_ =	shalt  }
0x72: {  	_ =	shalt  }
0x73: {  	_ =	shalt  }
0x74: {  	_ =	shalt  }
0x75: {  	_ =	shalt  }
0x76: {  	_ =	shalt  }
0x77: {  	_ =	shalt  }
0x78: {  	_ =	shalt  }
0x79: {  	_ =	shalt  }
0x7a: {  	_ =	shalt  }
0x7b: {  	_ =	shalt  }
0x7c: {  	_ =	shalt  }
0x7d: {  	_ =	shalt  }
0x7e: {  	_ =	shalt  }
0x7f: {  	_ =	shalt  }
0x80: {  	_ =	shalt  }
0x81: {  	_ =	shalt  }
0x82: {  	_ =	shalt  }
0x83: {  	_ =	shalt  }
0x84: {  	_ =	shalt  }
0x85: {  	_ =	shalt  }
0x86: {  	_ =	shalt  }
0x87: {  	_ =	shalt  }
.Lfunc_end0:
.L_simem_size_0:
called_computation.3_lowered:
.L_overlay_start_0:
0x88: {  	s2 =	sld [smem:$0x3FD9]  }
0x89: {  	s3 =	sld [smem:$0x3FFE];
	_ =	sdelay $0x1  }
0x8a: {  	s1 =	srdreg.scid  }
0x8b: {  	s0 =	sand.u32 $0x1, s1  }
0x8c: {  	s17 =	sshll.u32 s0, $0xA;
	s2 =	sadd.s32 s3, s2  }
0x8d: {  	s2 =	sadd.s32 s2, s17  }
0x8e: {  	[smem:$0x3FC0] =	sst s2  }
0x8f: {  	_ = 	snop  }
0x90: {  	s2 =	sld [smem:$0x3FD0];
	(tm) =	ssettm $0x1  }
0x91: {  	s18 =	sld [smem:$0x3FFB];
	_ =	sdelay $0x3  }
0x92: {  	_ =	strace s18  }
0x93: {  	s3 =	sld [smem:$0x3FFC];
	_ =	sdelay $0x3  }
0x94: {  	_ =	strace s3  }
0x95: {  	s3 =	sld [smem:$0x3FFD];
	_ =	sdelay $0x3  }
0x96: {  	_ =	strace s3  }
0x97: {  	_ =	strace $0x8FFFFFFF  }
0x98: {  	s19 =	sld [smem:$0x3FDB];
	_ =	sdelay $0x1  }
0x99: {  	s4 =	simm.s32 $_scs_section_size  }
0x9a: {  	s5 =	simm.s32 $_size__tile_overlayer_lowered;
	s6 =	simm.s32 $_tile_overlayer_lowered  }
0x9b: {  	s22 =	simm.s32 $0x1BFF;
	s21 =	sshll.u32 s6, $0x1;
	s3 =	sadd.s32 s4, s19  }
0x9c: {  	s7 =	simm.s32 $0x0;
	s20 =	sshll.u32 s5, $0x1;
	s5 =	sadd.s32 s21, s3  }
0x9d: {  	[timem:s7], [sflag:s22] =	dma.local [hbm:s5], s20  }
0x9e: {  	_ =	swait.ge [sflag:s22], s20  }
0x9f: {  	s4 =	ssub.s32 $0x0, s20;
	[sflag:s22] =	ssyncset.done $0x0  }
0xa0: {  	[sflag:s22] =	ssyncadd.s32 s4;
	_ =	sdelay $0x1  }
0xa1: {  	s23 =	simm.s32 $0x1B8B  }
0xa2: {  	_ =	swait.ge [sflag:s23], $0x1  }
0xa3: {  	[sflag:s23] =	ssyncset.done $0x0  }
0xa4: {  	s25 =	simm.s32 $0x1B8E;
	s24 =	sld [smem:$0x3FFE];
	[sflag:s23] =	ssyncadd.s32 $0xFFFFFFFF  }
0xa5: {  	s26 =	simm.s32 $execute0_lowered;
	[smem:$0x3FD2] =	sst s25  }
0xa6: {  	s5 =	sshll.u32 s26, $0x1;
	_ =	strace $0x8000004F;
	[dreg:$0x1] =	wrdreg $0xFFFFFFFF  }
0xa7: {  	s28 =	simm.s32 $_size_execute0_lowered;
	s3 =	sadd.s32 s3, s5;
	[dreg:$0x0] =	wrdreg $0x0  }
0xa8: {  	s5 =	sshll.u32 s28, $0x1;
	[dreg:$0x2] =	wrdreg s3  }
0xa9: {  	[dreg:$0x3] =	wrdreg s5  }
0xaa: {  	[dreg:$0x4] =	wrdreg $0xC0  }
0xab: {  	_ =	task [dreg:s7], $0x5FFFF  }
0xac: {  	[dreg:$0x1] =	wrdreg $0xFFFFFFFF  }
0xad: {  	[dreg:$0x0] =	wrdreg $0x60  }
0xae: {  	[dreg:$0x2] =	wrdreg s24  }
0xaf: {  	[dreg:$0x3] =	wrdreg s2  }
0xb0: {  	[dreg:$0x4] =	wrdreg $0xA8000  }
0xb1: {  	[dreg:$0x5] =	wrdreg $0x9  }
0xb2: {  	_ =	task.clear_ibuf [dreg:s7], $0x6FFFF;
	_ =	strace $0x9000004F  }
0xb3: {  	s29 =	simm.s32 $0x9;
	_ =	strace $0x80000051  }
0xb4: {  	_ =	swait.ge [sflag:s29], $0x1  }
0xb5: {  	[sflag:s29] =	ssyncadd.s32 $0xFFFFFFFF  }
0xb6: {  	_ =	strace $0x90000051  }
0xb7: {  	_ =	sfence  }
0xb8: {  	s30 =	sld [smem:$0x0];
	_ =	sdelay $0x2  }
0xb9: {  	s31 =	sshll.u32 s1, $0xD;
	s1 =	sshrl.u32 s1, $0x2  }
0xba: {  	s3 =	sand.u32 $0x4000, s31;
	s1 =	sadd.s32 s1, s30  }
0xbb: {  	s0 =	sor.u32 s3, s0;
	s1 =	sshll.u32 s1, $0x11  }
0xbc: {  	s0 =	sor.u32 s1, s0  }
0xbd: {  	s0 =	sadd.s32 $0x8F2B, s0  }
0xbe: {  	[sflag:s0] =	ssyncadd.remote.s32 $0x1  }
0xbf: {  	_ =	sfence.sel $0xFFFF  }
0xc0: {  	[dreg:$0x0] =	wrdreg $0xFFFFFFFF;
	(pc) =	sbr.abs _section_cstart, $3  }
0xc1: {  	[dreg:$0x1] =	wrdreg $0xFFFFFFFF  }
0xc2: {  	_ =	task.clear_ibuf [dreg:s7], $0x2FFFF;
	_ =	strace $0x9FFFFFFF  }
0xc3: {  	(tm) =	ssettm $0x7FFFFFFF  }
tec
execute0_lowered:
.L_overlay_start_1:
0x0: {  	(tag) =	ssettag $0x1  }
0x1: {  	s5 =	rddreg [dreg:$0x0]  }
0x2: {  	s6 =	rddreg [dreg:$0x1]  }
0x3: {  	s2 =	rddreg [dreg:$0x2]  }
0x4: {  	s0 =	stileid.u32;
	s4 =	srdreg.scid;
	s3 =	simm.s32 $0x0  }
0x5: {  	s14 =	simm.s32 $0x80;
	s15 =	simm.s32 $0x2800;
	s16 =	simm.s32 $0x100  }
0x6: {  	s17 =	simm.s32 $0x6800;
	s18 =	simm.s32 $0x180;
	s19 =	simm.s32 $0x3  }
0x7: {  	s20 =	simm.s32 $0x4;
	s21 =	simm.s32 $0x1;
	s24 =	smul.u32 $0x2800, s0  }
0x8: {  	s22 =	simm.s32 $0x2;
	s23 =	simm.s32 $0x5;
	s9 =	smul.u32 $0x14, s0  }
0x9: {  	s7 =	sand.u32 $0x1, s4;
	[smem:$0x7FF] =	sst s3;
	s12 =	smul.u32 $0x50000, s0  }
0xa: {  	s4 =	sadd.s32 $0x2B800, s5;
	s31 =	sshll.u32 s0, $0x6;
	s8 =	smul.u32 $0x28000, s7  }
0xb: {  	_ =	strace $0x80000050;
	s11 =	ssub.s32 $0x2, s7;
	p0 =	seq.s32 s7, $0x0  }
0xc: {  	s10 =	sadd.s32 s24, s5;
	s29 =	sshrl.u32 s11, $0x1;
	s7 =	sadd.s32 $0x8C0, s9  }
0xd: {  	s30 =	sshrl.u32 s12, $0x2;
	s9 =	simm.s32 $0x22800;
	s13 =	sadd.s32 s8, s5  }
0xe: {  	s8 =	smul.u32 $0x8C, s0;
	s11 =	ssub.s32 s11, s29;
	s9 =	simm.s32 @!p0 $0x4800  }
0xf: {  	s12 =	sadd.s32 s30, s2;
	s5 =	sadd.s32 $0x3800, s10;
	[dreg:$0x4] =	wrdreg s9  }
0x10: {  	s25 =	sadd.s32 $0x53800, s13;
	s9 =	smax.u32 s11, $0x1;
	s7 =	smov.u32 @p0 s8  }
0x11: {  	s11 =	sshrl.u32 s12, $0x3;
	s12 =	simm.s32 $0x6;
	s7 =	sshll.u32 s7, $0x5  }
0x12: {  	s24 =	sadd.s32 s24, s25;
	s25 =	simm.s32 $0x0;
	s6 =	sadd.s32 s6, s7  }
0x13: {  	s7 =	sor.u32 $0x1C06, s31;
	s8 =	sadd.s32 $0x280, s6;
	s10 =	sadd.s32 $0x2C0, s6  }
.LBB2_1:
0x14: {  	[spmem:s11], [sflag:s7] =	dma.local [hbm:s5], $0x2800  }
0x15: {  	_ =	swait.ge [sflag:s12], $0x2800  }
0x16: {  	[sflag:s12] =	ssyncset.done $0x0  }
0x17: {  	[sflag:s12] =	ssyncadd.s32 $0xFFFFD800  }
0x18: {  	[tilespmem:s3], [sflag:$0x6] =	stream.linear.gather [hbm4b:s6+s3], $0x1400, $0x38;
	[tilespmem:$0x1E800] =	vst v63  }
0x19: {  	_ =	swait.ge [sflag:s12], $0x1400  }
0x1a: {  	[sflag:s12] =	ssyncset.done $0x0  }
0x1b: {  	s0 =	simm.s32 $0x1400;
	[sflag:s12] =	ssyncadd.s32 $0xFFFFEC00  }
0x1c: {  	[tilespmem:s0], [sflag:$0x5] =	stream.linear.gather [hbm4b:s8+s3], $0x1400, $0x38;
	[tilespmem:$0x1E800] =	vst v63  }
0x1d: {  	[bflag:$0x0] =	sbarrier.arrive $0xFFFF  }
0x1e: {  	[tilespmem:s15], [sflag:$0x1] =	stream.indirect.gather [hbm4b:s4+s14], $0x80, s3, s14, $0xb8;
	[tilespmem:$0x1E800] =	vst v63  }
0x1f: {  	_ = 	snop  }
0x20: {  	[tilespmem:s17], [sflag:$0x2] =	stream.indirect.gather [hbm4b:s4+s14], $0x80, s16, s14, $0xb8;
	[tilespmem:$0x1E800] =	vst v63  }
0x21: {  	_ =	swait.ge [sflag:s21], $0x4000  }
0x22: {  	[sflag:s21] =	ssyncset.done $0x0  }
0x23: {  	[sflag:s21] =	ssyncadd.s32 $0xFFFFC000  }
0x24: {  	[spmem:s2] =	stream.indirect.scatter.add.f32 [tilespmem:s15], [sflag:$0x3], $0x80, s14, s14, $0xb8;
	[tilespmem:$0x1E800] =	vst v63  }
0x25: {  	_ =	swait.ge [sflag:s22], $0x4000  }
0x26: {  	s26 =	smov.u32 s10;
	s28 =	simm.s32 $0x2;
	[sflag:s22] =	ssyncset.done $0x0  }
0x27: {  	s29 =	simm.s32 $0x0;
	s30 =	simm.s32 $0x1;
	[sflag:s22] =	ssyncadd.s32 $0xFFFFC000  }
0x28: {  	[spmem:s2] =	stream.indirect.scatter.add.f32 [tilespmem:s17], [sflag:$0x4], $0x80, s18, s14, $0xb8;
	[tilespmem:$0x1E800] =	vst v63  }
.LBB2_2:
0x29: {  	s31 =	smulhi.u32 $0xCCCCCCCD, s28;
	_ =	sdelay $0x1  }
0x2a: {  	s0 =	smulhi.u32 $0xCCCCCCCD, s30;
	s31 =	sshrl.u32 s31, $0x4  }
0x2b: {  	s31 =	smul.u32 $0x5000, s31;
	_ =	sdelay $0x1  }
0x2c: {  	s0 =	sshrl.u32 s0, $0x3;
	s1 =	sadd.s32 $0xFFFFF800, s31  }
0x2d: {  	s0 =	sand.u32 $0x1, s0;
	p0 =	sne.s32 s1, s29  }
0x2e: {  	s1 =	smul.u32 $0x5000, s0;
	s13 =	simm.s32 @!p0 $0x5;
	s0 =	sxor.u32 @!p0 $0x1, s0  }
0x2f: {  	_ =	swait.ge @!p0 [sflag:s13], $0x1400;
	s0 =	smul.u32 @!p0 $0x5000, s0  }
0x30: {  	s1 =	ssub.s32 s1, s31;
	[sflag:s13] =	ssyncset.done @!p0 $0x0  }
0x31: {  	[sflag:s13] =	ssyncadd.s32 @!p0 $0xFFFFEC00;
	s0 =	sshrl.u32 @!p0 s0, $0x2;
	s13 =	simm.s32 @!p0 $0x0  }
0x32: {  	[tilespmem:s0], [sflag:$0x5] =	stream.linear.gather @!p0 [hbm4b:s26+s13], $0x1400, $0x38;
	[tilespmem:$0x1E800] =	vst v63  }
0x33: {  	s1 =	sshra.s32 s1, $0x2;
	s13 =	sshra.s32 s29, $0x2;
	_ =	swait.ge [sflag:s19], $0x4000  }
0x34: {  	s0 =	sadd.s32 s13, s1;
	[sflag:s19] =	ssyncset.done $0x0  }
0x35: {  	s1 =	sadd.s32 $0x200, s0;
	[sflag:s19] =	ssyncadd.s32 $0xFFFFC000  }
0x36: {  	[tilespmem:s15], [sflag:$0x1] =	stream.indirect.gather [hbm4b:s4+s14], $0x80, s1, s14, $0xb8;
	[tilespmem:$0x1E800] =	vst v63  }
0x37: {  	_ =	swait.ge [sflag:s20], $0x4000  }
0x38: {  	[sflag:s20] =	ssyncset.done $0x0  }
0x39: {  	s31 =	sadd.s32 $0x300, s0;
	[sflag:s20] =	ssyncadd.s32 $0xFFFFC000  }
0x3a: {  	[tilespmem:s17], [sflag:$0x2] =	stream.indirect.gather [hbm4b:s4+s14], $0x80, s31, s14, $0xb8;
	[tilespmem:$0x1E800] =	vst v63  }
0x3b: {  	_ =	swait.ge [sflag:s21], $0x4000  }
0x3c: {  	[sflag:s21] =	ssyncset.done $0x0  }
0x3d: {  	s13 =	sadd.s32 $0x280, s0;
	[sflag:s21] =	ssyncadd.s32 $0xFFFFC000  }
0x3e: {  	[spmem:s2] =	stream.indirect.scatter.add.f32 [tilespmem:s15], [sflag:$0x3], $0x80, s13, s14, $0xb8;
	[tilespmem:$0x1E800] =	vst v63  }
0x3f: {  	_ =	swait.ge [sflag:s22], $0x4000  }
0x40: {  	s29 =	sadd.s32 $0x800, s29;
	s31 =	rddreg [dreg:$0x4]  }
0x41: {  	p0 =	sne.s32 s31, s29  }
.Ltmp0:
0x42: {  	_ = 	snop;
	(pc) =	sbr.rel @p0 .LBB2_2-.Ltmp0, $4  }
0x43: {  	_ = 	snop  }
0x44: {  	s30 =	sadd.s32 $0x1, s30;
	s28 =	sadd.s32 $0x2, s28;
	[sflag:s22] =	ssyncset.done $0x0  }
0x45: {  	s26 =	sadd.s32 $0x40, s26;
	s0 =	sadd.s32 $0x380, s0;
	[sflag:s22] =	ssyncadd.s32 $0xFFFFC000  }
0x46: {  	[spmem:s2] =	stream.indirect.scatter.add.f32 [tilespmem:s17], [sflag:$0x4], $0x80, s0, s14, $0xb8;
	[tilespmem:$0x1E800] =	vst v63  }
0x47: {  	_ =	swait.ge [sflag:s19], $0x4000  }
0x48: {  	[sflag:s19] =	ssyncset.done $0x0  }
0x49: {  	[sflag:s19] =	ssyncadd.s32 $0xFFFFC000  }
0x4a: {  	_ =	swait.ge [sflag:s20], $0x4000  }
0x4b: {  	[sflag:s20] =	ssyncset.done $0x0  }
0x4c: {  	[sflag:s20] =	ssyncadd.s32 $0xFFFFC000  }
0x4d: {  	_ =	swait.ge [sflag:s23], $0x1400  }
0x4e: {  	s25 =	sadd.s32 $0x1, s25;
	[sflag:s23] =	ssyncset.done $0x0  }
0x4f: {  	p0 =	sne.s32 s25, s9;
	[sflag:s23] =	ssyncadd.s32 $0xFFFFEC00  }
.Ltmp1:
0x50: {  	[bflag:$0x0] =	sbarrier.arrive $0xFFFF;
	(pc) =	sbr.rel @p0 .LBB2_1-.Ltmp1, $4  }
0x51: {  	[hbm:s24], [sflag:s7] =	dma.local [spmem:s11], $0x2800  }
0x52: {  	_ =	swait.ge [sflag:s12], $0x2800  }
0x53: {  	[sflag:s12] =	ssyncset.done $0x0  }
0x54: {  	[sflag:s12] =	ssyncadd.s32 $0xFFFFD800  }
0x55: {  	_ =	sfence.sel $0x180000  }
0x56: {  	[bflag:$0x0] =	sbarrier.arrive $0xFFFF  }
0x57: {  	_ =	strace $0x90000050  }
0x58: {  	s0 =	stileid.u32;
	[bflag:$0x2] =	sbarrier.arrive $0xFFFF  }
0x59: {  	p0 =	sne.s32 s0, $0x0;
	s0 =	rddreg [dreg:$0x3]  }
0x5a: {  	s0 =	sadd.s32 @!p0 $0x100000, s0  }
0x5b: {  	[sflag:s0] =	ssyncadd.tile.s32 @!p0 $0x1;
	_ =	shalt  }
.Lfunc_end2:
_tile_overlayer_lowered:
.L_overlay_start_2:
0x5c: {  	(tag) =	ssettag $0x2  }
0x5d: {  	s0 =	rddreg [dreg:$0x0];
	s2 =	stileid.u32  }
0x5e: {  	s1 =	rddreg [dreg:$0x1];
	p0 =	sne.s32 s2, $0x0  }
0x5f: {  	s3 =	rddreg [dreg:$0x2];
	[bflag:$0x3] =	sbarrier.arrive $0xFFFF;
	s2 =	simm.s32 @!p0 $0x1C06  }
0x60: {  	[timem:s3], [sflag:s2] =	dma.local @!p0 [hbm:s0], s1  }
0x61: {  	s0 =	simm.s32 @!p0 $0x6  }
0x62: {  	_ =	swait.ge @!p0 [sflag:s0], s1  }
0x63: {  	s1 =	ssub.s32 @!p0 $0x0, s1;
	[sflag:s0] =	ssyncset.done @!p0 $0x0  }
0x64: {  	[sflag:s0] =	ssyncadd.s32 @!p0 s1  }
0x65: {  	[bflag:$0x3] =	sbarrier.arrive $0xFFFF  }
0x66: {  	_ =	shalt  }

</sc_bundles>
